<compile_context>
chip_gen: v7x
topology: tpu7x:2x2x1
jax: 0.10.2.dev20260603
libtpu: 0.0.44.dev20260713+nightly
codegen_flags: <defaults>
</compile_context>

<pallas_src>
import jax
import jax.numpy as jnp
from jax import lax
from jax.experimental import pallas as pl
from jax.experimental.pallas import tpu as pltpu
from jax.experimental.pallas import tpu_sc as plsc

ALPHA_BLEND = 0.3

C = 80
NBUF = 4
SIB = 4
DIB = 8


def _sc_accumulate(src_hbm, sidx_hbm, didx_hbm, edge_hbm,
                   sum_out, cnt_out,
                   acc_sh, cnt_sh,
                   sidx_r, didx_r, erows, ones_v, zcnt_v,
                   sidx_sem, didx_sem, lin_sem, gadd_sem, scat_sem):
    N, D = src_hbm.shape
    E = sidx_hbm.shape[0]
    epw = E // 32
    chunks = epw // C
    npad = cnt_sh.shape[0]
    rows_per_tile = npad // 16

    cid = lax.axis_index("c")
    sid = lax.axis_index("s")
    wid = sid * 2 + cid
    ebase = wid * epw

    zero16 = jnp.zeros((16,), jnp.float32)
    one16 = jnp.ones((16,), jnp.float32)

    def zrow(i, carry):
        for j in range(D // 16):
            erows[0, i, pl.ds(j * 16, 16)] = zero16
        return carry
    lax.fori_loop(0, C, zrow, 0)

    def zcnt(i, carry):
        zcnt_v[pl.ds(i * 16, 16)] = zero16
        return carry
    lax.fori_loop(0, rows_per_tile // 16, zcnt, 0)

    for j in range(C // 16):
        ones_v[pl.ds(j * 16, 16)] = one16

    def zacc(k, carry):
        pltpu.async_copy(erows.at[0],
                         acc_sh.at[pl.ds(sid * rows_per_tile + k * C, C)],
                         scat_sem.at[0])
        return carry
    lax.fori_loop(0, rows_per_tile // C, zacc, 0)
    pltpu.async_copy(zcnt_v, cnt_sh.at[pl.ds(sid * rows_per_tile, rows_per_tile)],
                     scat_sem.at[1])

    def zacc_drain(k, carry):
        pltpu.make_async_copy(
            erows.at[0], acc_sh.at[pl.ds(sid * rows_per_tile + k * C, C)],
            scat_sem.at[0]).wait()
        return carry
    lax.fori_loop(0, rows_per_tile // C, zacc_drain, 0)
    pltpu.make_async_copy(
        zcnt_v, cnt_sh.at[pl.ds(sid * rows_per_tile, rows_per_tile)],
        scat_sem.at[1]).wait()

    plsc.subcore_barrier()

    def issue_sidx(j):
        pltpu.async_copy(sidx_hbm.at[pl.ds(ebase + j * C, C)],
                         sidx_r.at[j % SIB], sidx_sem.at[j % SIB])

    def wait_sidx(j):
        pltpu.make_async_copy(sidx_hbm.at[pl.ds(ebase + j * C, C)],
                              sidx_r.at[j % SIB], sidx_sem.at[j % SIB]).wait()

    def issue_didx(j):
        pltpu.async_copy(didx_hbm.at[pl.ds(ebase + j * C, C)],
                         didx_r.at[j % DIB], didx_sem.at[j % DIB])

    def wait_didx(j):
        pltpu.make_async_copy(didx_hbm.at[pl.ds(ebase + j * C, C)],
                              didx_r.at[j % DIB], didx_sem.at[j % DIB]).wait()

    def issue_lin(j, b):
        pltpu.async_copy(edge_hbm.at[pl.ds(ebase + j * C, C)], erows.at[b],
                         lin_sem.at[b])

    def wait_lin(j, b):
        pltpu.make_async_copy(edge_hbm.at[pl.ds(ebase + j * C, C)],
                              erows.at[b], lin_sem.at[b]).wait()

    def issue_gadd(j, b, s):
        pltpu.async_copy(src_hbm.at[sidx_r.at[s]], erows.at[b],
                         gadd_sem.at[b], add=True)

    def wait_gadd(j, b, s):
        pltpu.make_async_copy(src_hbm.at[sidx_r.at[s]], erows.at[b],
                              gadd_sem.at[b]).wait()

    def issue_scat(j, b, s):
        pltpu.async_copy(erows.at[b], acc_sh.at[didx_r.at[s]],
                         scat_sem.at[b], add=True)
        pltpu.async_copy(ones_v, cnt_sh.at[didx_r.at[s]],
                         scat_sem.at[b], add=True)

    def wait_scat(j, b, s):
        pltpu.make_async_copy(erows.at[b], acc_sh.at[didx_r.at[s]],
                              scat_sem.at[b]).wait()
        pltpu.make_async_copy(ones_v, cnt_sh.at[didx_r.at[s]],
                              scat_sem.at[b]).wait()

    for p in range(3):
        issue_sidx(p)
        issue_didx(p)
    issue_lin(0, 0)
    issue_lin(1, 1)
    wait_sidx(0)
    wait_lin(0, 0)
    issue_gadd(0, 0, 0)

    def group(g, carry):
        for b4 in range(NBUF):
            j = g * NBUF + b4
            b, b1, b2 = b4, (b4 + 1) % NBUF, (b4 + 2) % NBUF
            s1 = (b4 + 1) % SIB

            @pl.when(j >= 2)
            def _():
                wait_scat(j - 2, b2, (j - 2) % DIB)

            @pl.when(j + 3 < chunks)
            def _():
                issue_sidx(j + 3)
                issue_didx(j + 3)

            @pl.when(j + 2 < chunks)
            def _():
                issue_lin(j + 2, b2)

            @pl.when(j + 1 < chunks)
            def _():
                wait_lin(j + 1, b1)
                wait_sidx(j + 1)
                issue_gadd(j + 1, b1, s1)

            wait_gadd(j, b, b4 % SIB)
            wait_didx(j)
            issue_scat(j, b, j % DIB)
        return carry
    lax.fori_loop(0, chunks // NBUF, group, 0)

    for j in range((chunks // NBUF) * NBUF, chunks):
        b = j % NBUF
        wait_scat(j - 2, (j - 2) % NBUF, (j - 2) % DIB)
        if j + 1 < chunks:
            wait_lin(j + 1, (j + 1) % NBUF)
            wait_sidx(j + 1)
            issue_gadd(j + 1, (j + 1) % NBUF, (j + 1) % SIB)
        wait_gadd(j, b, j % SIB)
        wait_didx(j)
        issue_scat(j, b, j % DIB)
    for j in range(chunks - 2, chunks):
        wait_scat(j, j % NBUF, j % DIB)

    plsc.subcore_barrier()

    pltpu.async_copy(cnt_sh.at[pl.ds(sid * rows_per_tile, rows_per_tile)],
                     cnt_out.at[cid, pl.ds(sid * rows_per_tile, rows_per_tile)],
                     scat_sem.at[1])

    last_base = 15 * rows_per_tile
    last_rows = N - last_base

    @pl.when(sid < 15)
    def _():
        pltpu.async_copy(acc_sh.at[pl.ds(sid * rows_per_tile, rows_per_tile)],
                         sum_out.at[cid, pl.ds(sid * rows_per_tile, rows_per_tile)],
                         scat_sem.at[0])
        pltpu.make_async_copy(
            acc_sh.at[pl.ds(sid * rows_per_tile, rows_per_tile)],
            sum_out.at[cid, pl.ds(sid * rows_per_tile, rows_per_tile)],
            scat_sem.at[0]).wait()

    @pl.when(sid == 15)
    def _():
        pltpu.async_copy(acc_sh.at[pl.ds(last_base, last_rows)],
                         sum_out.at[cid, pl.ds(last_base, last_rows)],
                         scat_sem.at[0])
        pltpu.make_async_copy(
            acc_sh.at[pl.ds(last_base, last_rows)],
            sum_out.at[cid, pl.ds(last_base, last_rows)],
            scat_sem.at[0]).wait()

    pltpu.make_async_copy(
        cnt_sh.at[pl.ds(sid * rows_per_tile, rows_per_tile)],
        cnt_out.at[cid, pl.ds(sid * rows_per_tile, rows_per_tile)],
        scat_sem.at[1]).wait()


def _tc_combine(sum_ref, cnt_ref, dst_ref, out_ref):
    s = sum_ref[0] + sum_ref[1]
    c = cnt_ref[0] + cnt_ref[1]
    mean = s / jnp.maximum(c, 1.0)
    agg = ALPHA_BLEND * dst_ref[...] + (1.0 - ALPHA_BLEND) * mean
    out_ref[...] = jnp.where(c > 0.0, agg, 0.0)


def kernel(src_embedding, dst_embedding, edge_embedding, edge_index):
    N, D = src_embedding.shape
    E = edge_embedding.shape[0]
    npad = ((N + 639) // 640) * 640

    src_idx = edge_index[0].astype(jnp.int32)
    dst_idx = edge_index[1].astype(jnp.int32)

    mesh = plsc.VectorSubcoreMesh(core_axis_name="c", subcore_axis_name="s")
    sc_call = pl.kernel(
        _sc_accumulate,
        out_type=(
            jax.ShapeDtypeStruct((2, N, D), jnp.float32),
            jax.ShapeDtypeStruct((2, npad), jnp.float32),
        ),
        mesh=mesh,
        scratch_types=[
            pltpu.VMEM_SHARED((npad, D), jnp.float32),
            pltpu.VMEM_SHARED((npad,), jnp.float32),
            pltpu.VMEM((SIB, C), jnp.int32),
            pltpu.VMEM((DIB, C), jnp.int32),
            pltpu.VMEM((NBUF, C, D), jnp.float32),
            pltpu.VMEM((C,), jnp.float32),
            pltpu.VMEM((npad // 16,), jnp.float32),
            pltpu.SemaphoreType.DMA((SIB,)),
            pltpu.SemaphoreType.DMA((DIB,)),
            pltpu.SemaphoreType.DMA((NBUF,)),
            pltpu.SemaphoreType.DMA((NBUF,)),
            pltpu.SemaphoreType.DMA((NBUF,)),
        ],
    )
    sums, cnts = sc_call(src_embedding, src_idx, dst_idx, edge_embedding)

    cnts3 = cnts[:, :N].reshape(2, N, 1)
    blocks = 5
    R = N // blocks
    out = pl.pallas_call(
        _tc_combine,
        grid=(blocks,),
        in_specs=[
            pl.BlockSpec((2, R, D), lambda i: (0, i, 0)),
            pl.BlockSpec((2, R, 1), lambda i: (0, i, 0)),
            pl.BlockSpec((R, D), lambda i: (i, 0)),
        ],
        out_specs=pl.BlockSpec((R, D), lambda i: (i, 0)),
        out_shape=jax.ShapeDtypeStruct((N, D), jnp.float32),
    )(sums, cnts3, dst_embedding)
    return out

# --- scband reference (transcript-rebuilt; emitter-appended) ---
"""Pipeline reference for scband-mul-layer-73976516706890 (READ-ONLY COPY).

The authoritative reference and input builder live on the scoring server;
editing this copy changes nothing except your own understanding.
"""

import jax, jax.numpy as jnp
import numpy as np

ALPHA = 0.3

def setup_inputs(seed: int = 0) -> dict:
    key = jax.random.key(seed)
    k1, k2, k3, k4 = jax.random.split(key, 4)
    N = 10000
    E = 320000
    D = 128
    src_embedding = jax.random.normal(k1, (N, D), dtype=jnp.float32)
    dst_embedding = jax.random.normal(k2, (N, D), dtype=jnp.float32)
    edge_embedding = jax.random.normal(k3, (E, D), dtype=jnp.float32)
    edge_index = jax.random.randint(k4, (2, E), 0, N, dtype=jnp.int64)
    return {
        "src_embedding": src_embedding,
        "dst_embedding": dst_embedding,
        "edge_embedding": edge_embedding,
        "edge_index": edge_index,
    }

def reference(src_embedding, dst_embedding, edge_embedding, edge_index):
    # DGL semantics: message = src['h1'] + edge['h1']; reduce = mean over mailbox;
    # agg = alpha*dst + (1-alpha)*mean ; dst nodes with zero in-degree get zeros.
    src_idx = edge_index[0]
    dst_idx = edge_index[1]
    N = dst_embedding.shape[0]
    msg = jnp.take(src_embedding, src_idx, axis=0) + edge_embedding  # [E, D]
    summed = jax.ops.segment_sum(msg, dst_idx, num_segments=N)       # [N, D]
    count = jax.ops.segment_sum(jnp.ones((msg.shape[0],), dtype=msg.dtype), dst_idx, num_segments=N)  # [N]
    mean = summed / jnp.maximum(count, 1.0)[:, None]
    agg = ALPHA * dst_embedding + (1.0 - ALPHA) * mean
    # DGL fills nodes that receive no messages with zeros for the reduced field
    out = jnp.where(count[:, None] > 0, agg, jnp.zeros_like(agg))
    return out

if __name__ == "__main__":
    import jax
    _d = setup_inputs()
    print(jax.jit(kernel)(*tuple(_d.values())))

</pallas_src>

<mosaic_0001>
#map = affine_map<(d0, d1) -> (0, 0)>
#map1 = affine_map<(d0, d1) -> (0)>
#map2 = affine_map<(d0, d1) -> (0, 0, 0)>
module attributes {stable_mosaic.version = 14 : i64} {
  func.func @_sc_accumulate(%arg0: i32, %arg1: i32, %arg2: memref<10000x128xf32, #tpu.memory_space<hbm>>, %arg3: memref<320000xi32, #tpu.memory_space<hbm>>, %arg4: memref<320000xi32, #tpu.memory_space<hbm>>, %arg5: memref<320000x128xf32, #tpu.memory_space<hbm>>, %arg6: memref<2x10000x128xf32, #tpu.memory_space<hbm>>, %arg7: memref<2x10240xf32, #tpu.memory_space<hbm>>, %arg8: memref<10240x128xf32, #tpu.memory_space<vmem_shared>>, %arg9: memref<10240xf32, #tpu.memory_space<vmem_shared>>, %arg10: memref<4x80xi32, #tpu.memory_space<vmem>>, %arg11: memref<8x80xi32, #tpu.memory_space<vmem>>, %arg12: memref<4x80x128xf32, #tpu.memory_space<vmem>>, %arg13: memref<80xf32, #tpu.memory_space<vmem>>, %arg14: memref<640xf32, #tpu.memory_space<vmem>>, %arg15: memref<4x!tpu.dma_semaphore, #tpu.memory_space<semaphore_mem>>, %arg16: memref<8x!tpu.dma_semaphore, #tpu.memory_space<semaphore_mem>>, %arg17: memref<4x!tpu.dma_semaphore, #tpu.memory_space<semaphore_mem>>, %arg18: memref<4x!tpu.dma_semaphore, #tpu.memory_space<semaphore_mem>>, %arg19: memref<4x!tpu.dma_semaphore, #tpu.memory_space<semaphore_mem>>) attributes {dimension_semantics = [#tpu.dimension_semantics<core_parallel>, #tpu.dimension_semantics<subcore_parallel>], iteration_bounds = array<i64: 2, 16>, scalar_prefetch = 0 : i64, scratch_operands = 12 : i64, tpu.core_type = #tpu.core_type<sc_vector_subcore>, window_params = [{transform_indices = #map}, {transform_indices = #map1}, {transform_indices = #map1}, {transform_indices = #map}, {transform_indices = #map2}, {transform_indices = #map}]} {
    %mul3A = arith.constant 2 : i32
    %mul3A_0 = arith.muli %arg1, %mul3A : i32
    %add3A = arith.addi %mul3A_0, %arg0 : i32
    %mul3A_1 = arith.constant 10000 : i32
    %mul3A_2 = arith.muli %add3A, %mul3A_1 : i32
    %broadcast_in_dim3A = arith.constant 0.000000e+00 : f32
    %broadcast_in_dim3A_3 = vector.broadcast %broadcast_in_dim3A : f32 to vector<16xf32>
    %broadcast_in_dim3A_4 = arith.constant 1.000000e+00 : f32
    %broadcast_in_dim3A_5 = vector.broadcast %broadcast_in_dim3A_4 : f32 to vector<16xf32>
    %scan3A = arith.constant 0 : i32
    %scan3A_6 = arith.constant 0 : i32
    %scan3A_7 = arith.constant 80 : i32
    %scan3A_8 = arith.addi %scan3A_6, %scan3A_7 : i32
    %scan3A_9 = arith.constant 1 : i32
    scf.for %scan3A_385 = %scan3A_6 to %scan3A_8 step %scan3A_9  : i32 {
      %swap3A_386 = arith.constant 0 : i32
      %swap3A_387 = arith.index_cast %swap3A_386 : i32 to index
      %swap3A_388 = arith.index_cast %scan3A_385 : i32 to index
      %swap3A_389 = arith.constant 0 : index
      %swap3A_390 = tpu.vector_load %arg12[%swap3A_387, %swap3A_388, %swap3A_389] {strides = array<i32>} : memref<4x80x128xf32, #tpu.memory_space<vmem>>, vector<1x1x16xf32>,
      %swap3A_391 = vector.shape_cast %swap3A_390 : vector<1x1x16xf32> to vector<16xf32>
      %swap3A_392 = vector.shape_cast %broadcast_in_dim3A_3 : vector<16xf32> to vector<1x1x16xf32>
      tpu.vector_store %arg12[%swap3A_387, %swap3A_388, %swap3A_389], %swap3A_392 {strides = array<i32>} : memref<4x80x128xf32, #tpu.memory_space<vmem>>, vector<1x1x16xf32>,
      %swap3A_393 = arith.constant 0 : i32
      %swap3A_394 = arith.index_cast %swap3A_393 : i32 to index
      %swap3A_395 = arith.index_cast %scan3A_385 : i32 to index
      %swap3A_396 = arith.constant 16 : index
      %swap3A_397 = tpu.vector_load %arg12[%swap3A_394, %swap3A_395, %swap3A_396] {strides = array<i32>} : memref<4x80x128xf32, #tpu.memory_space<vmem>>, vector<1x1x16xf32>,
      %swap3A_398 = vector.shape_cast %swap3A_397 : vector<1x1x16xf32> to vector<16xf32>
      %swap3A_399 = vector.shape_cast %broadcast_in_dim3A_3 : vector<16xf32> to vector<1x1x16xf32>
      tpu.vector_store %arg12[%swap3A_394, %swap3A_395, %swap3A_396], %swap3A_399 {strides = array<i32>} : memref<4x80x128xf32, #tpu.memory_space<vmem>>, vector<1x1x16xf32>,
      %swap3A_400 = arith.constant 0 : i32
      %swap3A_401 = arith.index_cast %swap3A_400 : i32 to index
      %swap3A_402 = arith.index_cast %scan3A_385 : i32 to index
      %swap3A_403 = arith.constant 32 : index
      %swap3A_404 = tpu.vector_load %arg12[%swap3A_401, %swap3A_402, %swap3A_403] {strides = array<i32>} : memref<4x80x128xf32, #tpu.memory_space<vmem>>, vector<1x1x16xf32>,
      %swap3A_405 = vector.shape_cast %swap3A_404 : vector<1x1x16xf32> to vector<16xf32>
      %swap3A_406 = vector.shape_cast %broadcast_in_dim3A_3 : vector<16xf32> to vector<1x1x16xf32>
      tpu.vector_store %arg12[%swap3A_401, %swap3A_402, %swap3A_403], %swap3A_406 {strides = array<i32>} : memref<4x80x128xf32, #tpu.memory_space<vmem>>, vector<1x1x16xf32>,
      %swap3A_407 = arith.constant 0 : i32
      %swap3A_408 = arith.index_cast %swap3A_407 : i32 to index
      %swap3A_409 = arith.index_cast %scan3A_385 : i32 to index
      %swap3A_410 = arith.constant 48 : index
      %swap3A_411 = tpu.vector_load %arg12[%swap3A_408, %swap3A_409, %swap3A_410] {strides = array<i32>} : memref<4x80x128xf32, #tpu.memory_space<vmem>>, vector<1x1x16xf32>,
      %swap3A_412 = vector.shape_cast %swap3A_411 : vector<1x1x16xf32> to vector<16xf32>
      %swap3A_413 = vector.shape_cast %broadcast_in_dim3A_3 : vector<16xf32> to vector<1x1x16xf32>
      tpu.vector_store %arg12[%swap3A_408, %swap3A_409, %swap3A_410], %swap3A_413 {strides = array<i32>} : memref<4x80x128xf32, #tpu.memory_space<vmem>>, vector<1x1x16xf32>,
      %swap3A_414 = arith.constant 0 : i32
      %swap3A_415 = arith.index_cast %swap3A_414 : i32 to index
      %swap3A_416 = arith.index_cast %scan3A_385 : i32 to index
      %swap3A_417 = arith.constant 64 : index
      %swap3A_418 = tpu.vector_load %arg12[%swap3A_415, %swap3A_416, %swap3A_417] {strides = array<i32>} : memref<4x80x128xf32, #tpu.memory_space<vmem>>, vector<1x1x16xf32>,
      %swap3A_419 = vector.shape_cast %swap3A_418 : vector<1x1x16xf32> to vector<16xf32>
      %swap3A_420 = vector.shape_cast %broadcast_in_dim3A_3 : vector<16xf32> to vector<1x1x16xf32>
      tpu.vector_store %arg12[%swap3A_415, %swap3A_416, %swap3A_417], %swap3A_420 {strides = array<i32>} : memref<4x80x128xf32, #tpu.memory_space<vmem>>, vector<1x1x16xf32>,
      %swap3A_421 = arith.constant 0 : i32
      %swap3A_422 = arith.index_cast %swap3A_421 : i32 to index
      %swap3A_423 = arith.index_cast %scan3A_385 : i32 to index
      %swap3A_424 = arith.constant 80 : index
      %swap3A_425 = tpu.vector_load %arg12[%swap3A_422, %swap3A_423, %swap3A_424] {strides = array<i32>} : memref<4x80x128xf32, #tpu.memory_space<vmem>>, vector<1x1x16xf32>,
      %swap3A_426 = vector.shape_cast %swap3A_425 : vector<1x1x16xf32> to vector<16xf32>
      %swap3A_427 = vector.shape_cast %broadcast_in_dim3A_3 : vector<16xf32> to vector<1x1x16xf32>
      tpu.vector_store %arg12[%swap3A_422, %swap3A_423, %swap3A_424], %swap3A_427 {strides = array<i32>} : memref<4x80x128xf32, #tpu.memory_space<vmem>>, vector<1x1x16xf32>,
      %swap3A_428 = arith.constant 0 : i32
      %swap3A_429 = arith.index_cast %swap3A_428 : i32 to index
      %swap3A_430 = arith.index_cast %scan3A_385 : i32 to index
      %swap3A_431 = arith.constant 96 : index
      %swap3A_432 = tpu.vector_load %arg12[%swap3A_429, %swap3A_430, %swap3A_431] {strides = array<i32>} : memref<4x80x128xf32, #tpu.memory_space<vmem>>, vector<1x1x16xf32>,
      %swap3A_433 = vector.shape_cast %swap3A_432 : vector<1x1x16xf32> to vector<16xf32>
      %swap3A_434 = vector.shape_cast %broadcast_in_dim3A_3 : vector<16xf32> to vector<1x1x16xf32>
      tpu.vector_store %arg12[%swap3A_429, %swap3A_430, %swap3A_431], %swap3A_434 {strides = array<i32>} : memref<4x80x128xf32, #tpu.memory_space<vmem>>, vector<1x1x16xf32>,
      %swap3A_435 = arith.constant 0 : i32
      %swap3A_436 = arith.index_cast %swap3A_435 : i32 to index
      %swap3A_437 = arith.index_cast %scan3A_385 : i32 to index
      %swap3A_438 = arith.constant 112 : index
      %swap3A_439 = tpu.vector_load %arg12[%swap3A_436, %swap3A_437, %swap3A_438] {strides = array<i32>} : memref<4x80x128xf32, #tpu.memory_space<vmem>>, vector<1x1x16xf32>,
      %swap3A_440 = vector.shape_cast %swap3A_439 : vector<1x1x16xf32> to vector<16xf32>
      %swap3A_441 = vector.shape_cast %broadcast_in_dim3A_3 : vector<16xf32> to vector<1x1x16xf32>
      tpu.vector_store %arg12[%swap3A_436, %swap3A_437, %swap3A_438], %swap3A_441 {strides = array<i32>} : memref<4x80x128xf32, #tpu.memory_space<vmem>>, vector<1x1x16xf32>,
    }
    %scan3A_10 = arith.constant 80 : i32
    %scan3A_11 = arith.constant 0 : i32
    %scan3A_12 = arith.constant 0 : i32
    %scan3A_13 = arith.constant 40 : i32
    %scan3A_14 = arith.addi %scan3A_12, %scan3A_13 : i32
    %scan3A_15 = arith.constant 1 : i32
    scf.for %scan3A_385 = %scan3A_12 to %scan3A_14 step %scan3A_15  : i32 {
      %mul3A_386 = arith.constant 16 : i32
      %mul3A_387 = arith.muli %scan3A_385, %mul3A_386 : i32
      %swap3A_388 = arith.index_cast %mul3A_387 : i32 to index
      %swap3A_389 = tpu.vector_load %arg14[%swap3A_388] {strides = array<i32>} : memref<640xf32, #tpu.memory_space<vmem>>, vector<16xf32>,
      %swap3A_390 = vector.shape_cast %swap3A_389 : vector<16xf32> to vector<16xf32>
      %swap3A_391 = vector.shape_cast %broadcast_in_dim3A_3 : vector<16xf32> to vector<16xf32>
      tpu.vector_store %arg14[%swap3A_388], %swap3A_391 {strides = array<i32>} : memref<640xf32, #tpu.memory_space<vmem>>, vector<16xf32>,
    }
    %scan3A_16 = arith.constant 40 : i32
    %swap3A = arith.constant 0 : index
    %swap3A_17 = tpu.vector_load %arg13[%swap3A] {strides = array<i32>} : memref<80xf32, #tpu.memory_space<vmem>>, vector<16xf32>,
    %swap3A_18 = vector.shape_cast %swap3A_17 : vector<16xf32> to vector<16xf32>
    %swap3A_19 = vector.shape_cast %broadcast_in_dim3A_5 : vector<16xf32> to vector<16xf32>
    tpu.vector_store %arg13[%swap3A], %swap3A_19 {strides = array<i32>} : memref<80xf32, #tpu.memory_space<vmem>>, vector<16xf32>,
    %swap3A_20 = arith.constant 16 : index
    %swap3A_21 = tpu.vector_load %arg13[%swap3A_20] {strides = array<i32>} : memref<80xf32, #tpu.memory_space<vmem>>, vector<16xf32>,
    %swap3A_22 = vector.shape_cast %swap3A_21 : vector<16xf32> to vector<16xf32>
    %swap3A_23 = vector.shape_cast %broadcast_in_dim3A_5 : vector<16xf32> to vector<16xf32>
    tpu.vector_store %arg13[%swap3A_20], %swap3A_23 {strides = array<i32>} : memref<80xf32, #tpu.memory_space<vmem>>, vector<16xf32>,
    %swap3A_24 = arith.constant 32 : index
    %swap3A_25 = tpu.vector_load %arg13[%swap3A_24] {strides = array<i32>} : memref<80xf32, #tpu.memory_space<vmem>>, vector<16xf32>,
    %swap3A_26 = vector.shape_cast %swap3A_25 : vector<16xf32> to vector<16xf32>
    %swap3A_27 = vector.shape_cast %broadcast_in_dim3A_5 : vector<16xf32> to vector<16xf32>
    tpu.vector_store %arg13[%swap3A_24], %swap3A_27 {strides = array<i32>} : memref<80xf32, #tpu.memory_space<vmem>>, vector<16xf32>,
    %swap3A_28 = arith.constant 48 : index
    %swap3A_29 = tpu.vector_load %arg13[%swap3A_28] {strides = array<i32>} : memref<80xf32, #tpu.memory_space<vmem>>, vector<16xf32>,
    %swap3A_30 = vector.shape_cast %swap3A_29 : vector<16xf32> to vector<16xf32>
    %swap3A_31 = vector.shape_cast %broadcast_in_dim3A_5 : vector<16xf32> to vector<16xf32>
    tpu.vector_store %arg13[%swap3A_28], %swap3A_31 {strides = array<i32>} : memref<80xf32, #tpu.memory_space<vmem>>, vector<16xf32>,
    %swap3A_32 = arith.constant 64 : index
    %swap3A_33 = tpu.vector_load %arg13[%swap3A_32] {strides = array<i32>} : memref<80xf32, #tpu.memory_space<vmem>>, vector<16xf32>,
    %swap3A_34 = vector.shape_cast %swap3A_33 : vector<16xf32> to vector<16xf32>
    %swap3A_35 = vector.shape_cast %broadcast_in_dim3A_5 : vector<16xf32> to vector<16xf32>
    tpu.vector_store %arg13[%swap3A_32], %swap3A_35 {strides = array<i32>} : memref<80xf32, #tpu.memory_space<vmem>>, vector<16xf32>,
    %scan3A_36 = arith.constant 0 : i32
    %scan3A_37 = arith.constant 0 : i32
    %scan3A_38 = arith.constant 8 : i32
    %scan3A_39 = arith.addi %scan3A_37, %scan3A_38 : i32
    %scan3A_40 = arith.constant 1 : i32
    scf.for %scan3A_385 = %scan3A_37 to %scan3A_39 step %scan3A_40  : i32 {
      %mul3A_386 = arith.constant 640 : i32
      %mul3A_387 = arith.muli %arg1, %mul3A_386 : i32
      %mul3A_388 = arith.constant 80 : i32
      %mul3A_389 = arith.muli %scan3A_385, %mul3A_388 : i32
      %add3A_390 = arith.addi %mul3A_387, %mul3A_389 : i32
      %dma_start3A_391 = arith.constant 0 : i32
      %dma_start3A_392 = arith.constant 0 : i32
      %dma_start3A_393 = arith.constant 0 : i32
      %dma_start3A_394 = arith.constant 0 : i32
      %dma_start3A_395 = tpu.memref_slice %arg12[%dma_start3A_391, %dma_start3A_393, %dma_start3A_394] : memref<4x80x128xf32, #tpu.memory_space<vmem>> -> memref<1x80x128xf32, #tpu.memory_space<vmem>>
      %dma_start3A_396 = tpu.memref_squeeze %dma_start3A_395 : memref<1x80x128xf32, #tpu.memory_space<vmem>> -> memref<80x128xf32, #tpu.memory_space<vmem>>
      %dma_start3A_397 = arith.constant 0 : i32
      %dma_start3A_398 = tpu.memref_slice %arg8[%add3A_390, %dma_start3A_397] : memref<10240x128xf32, #tpu.memory_space<vmem_shared>> -> memref<80x128xf32, #tpu.memory_space<vmem_shared>>
      %dma_start3A_399 = tpu.memref_slice %arg19[%dma_start3A_392] : memref<4x!tpu.dma_semaphore, #tpu.memory_space<semaphore_mem>> -> memref<1x!tpu.dma_semaphore, #tpu.memory_space<semaphore_mem>>
      %dma_start3A_400 = tpu.memref_squeeze %dma_start3A_399 : memref<1x!tpu.dma_semaphore, #tpu.memory_space<semaphore_mem>> -> memref<!tpu.dma_semaphore, #tpu.memory_space<semaphore_mem>>
      %dma_start3A_401 = arith.constant 0 : i32
      %dma_start3A_402 = tpu.memref_slice %arg8[%add3A_390, %dma_start3A_401] : memref<10240x128xf32, #tpu.memory_space<vmem_shared>> -> memref<80x128xf32, #tpu.memory_space<vmem_shared>>
      %dma_start3A_403 = arith.constant 0 : i32
      %dma_start3A_404 = arith.constant 0 : i32
      %dma_start3A_405 = tpu.memref_slice %arg12[%dma_start3A_391, %dma_start3A_403, %dma_start3A_404] : memref<4x80x128xf32, #tpu.memory_space<vmem>> -> memref<1x80x128xf32, #tpu.memory_space<vmem>>
      %dma_start3A_406 = tpu.memref_squeeze %dma_start3A_405 : memref<1x80x128xf32, #tpu.memory_space<vmem>> -> memref<80x128xf32, #tpu.memory_space<vmem>>
      tpu.enqueue_dma source(%dma_start3A_406 : memref<80x128xf32, #tpu.memory_space<vmem>>) target(%dma_start3A_402 : memref<80x128xf32, #tpu.memory_space<vmem_shared>>) target_semaphore(%dma_start3A_400 : memref<!tpu.dma_semaphore, #tpu.memory_space<semaphore_mem>>)
    }
    %scan3A_41 = arith.constant 8 : i32
    %mul3A_42 = arith.constant 640 : i32
    %mul3A_43 = arith.muli %arg1, %mul3A_42 : i32
    %dma_start3A = arith.constant 1 : i32
    %dma_start3A_44 = tpu.memref_slice %arg9[%mul3A_43] : memref<10240xf32, #tpu.memory_space<vmem_shared>> -> memref<640xf32, #tpu.memory_space<vmem_shared>>
    %dma_start3A_45 = tpu.memref_slice %arg19[%dma_start3A] : memref<4x!tpu.dma_semaphore, #tpu.memory_space<semaphore_mem>> -> memref<1x!tpu.dma_semaphore, #tpu.memory_space<semaphore_mem>>
    %dma_start3A_46 = tpu.memref_squeeze %dma_start3A_45 : memref<1x!tpu.dma_semaphore, #tpu.memory_space<semaphore_mem>> -> memref<!tpu.dma_semaphore, #tpu.memory_space<semaphore_mem>>
    %dma_start3A_47 = tpu.memref_slice %arg9[%mul3A_43] : memref<10240xf32, #tpu.memory_space<vmem_shared>> -> memref<640xf32, #tpu.memory_space<vmem_shared>>
    tpu.enqueue_dma source(%arg14 : memref<640xf32, #tpu.memory_space<vmem>>) target(%dma_start3A_47 : memref<640xf32, #tpu.memory_space<vmem_shared>>) target_semaphore(%dma_start3A_46 : memref<!tpu.dma_semaphore, #tpu.memory_space<semaphore_mem>>)
    %scan3A_48 = arith.constant 0 : i32
    %scan3A_49 = arith.constant 0 : i32
    %scan3A_50 = arith.constant 8 : i32
    %scan3A_51 = arith.addi %scan3A_49, %scan3A_50 : i32
    %scan3A_52 = arith.constant 1 : i32
    scf.for %scan3A_385 = %scan3A_49 to %scan3A_51 step %scan3A_52  : i32 {
      %mul3A_386 = arith.constant 640 : i32
      %mul3A_387 = arith.muli %arg1, %mul3A_386 : i32
      %mul3A_388 = arith.constant 80 : i32
      %mul3A_389 = arith.muli %scan3A_385, %mul3A_388 : i32
      %add3A_390 = arith.addi %mul3A_387, %mul3A_389 : i32
      %dma_wait3A_391 = arith.constant 0 : i32
      %dma_wait3A_392 = arith.constant 0 : i32
      %dma_wait3A_393 = arith.constant 0 : i32
      %dma_wait3A_394 = arith.constant 0 : i32
      %dma_wait3A_395 = tpu.memref_slice %arg12[%dma_wait3A_391, %dma_wait3A_393, %dma_wait3A_394] : memref<4x80x128xf32, #tpu.memory_space<vmem>> -> memref<1x80x128xf32, #tpu.memory_space<vmem>>
      %dma_wait3A_396 = tpu.memref_squeeze %dma_wait3A_395 : memref<1x80x128xf32, #tpu.memory_space<vmem>> -> memref<80x128xf32, #tpu.memory_space<vmem>>
      %dma_wait3A_397 = arith.constant 0 : i32
      %dma_wait3A_398 = tpu.memref_slice %arg8[%add3A_390, %dma_wait3A_397] : memref<10240x128xf32, #tpu.memory_space<vmem_shared>> -> memref<80x128xf32, #tpu.memory_space<vmem_shared>>
      %dma_wait3A_399 = tpu.memref_slice %arg19[%dma_wait3A_392] : memref<4x!tpu.dma_semaphore, #tpu.memory_space<semaphore_mem>> -> memref<1x!tpu.dma_semaphore, #tpu.memory_space<semaphore_mem>>
      %dma_wait3A_400 = tpu.memref_squeeze %dma_wait3A_399 : memref<1x!tpu.dma_semaphore, #tpu.memory_space<semaphore_mem>> -> memref<!tpu.dma_semaphore, #tpu.memory_space<semaphore_mem>>
      %dma_wait3A_401 = arith.constant 0 : i32
      %dma_wait3A_402 = tpu.memref_slice %arg8[%add3A_390, %dma_wait3A_401] : memref<10240x128xf32, #tpu.memory_space<vmem_shared>> -> memref<80x128xf32, #tpu.memory_space<vmem_shared>>
      %dma_wait3A_403 = arith.constant 0 : i32
      %dma_wait3A_404 = arith.constant 0 : i32
      %dma_wait3A_405 = tpu.memref_slice %arg12[%dma_wait3A_391, %dma_wait3A_403, %dma_wait3A_404] : memref<4x80x128xf32, #tpu.memory_space<vmem>> -> memref<1x80x128xf32, #tpu.memory_space<vmem>>
      %dma_wait3A_406 = tpu.memref_squeeze %dma_wait3A_405 : memref<1x80x128xf32, #tpu.memory_space<vmem>> -> memref<80x128xf32, #tpu.memory_space<vmem>>
      tpu.wait_dma2 semaphore(%dma_wait3A_400 : memref<!tpu.dma_semaphore, #tpu.memory_space<semaphore_mem>>) src(%dma_wait3A_406 : memref<80x128xf32, #tpu.memory_space<vmem>>) dst(%dma_wait3A_402 : memref<80x128xf32, #tpu.memory_space<vmem_shared>>)
    }
    %scan3A_53 = arith.constant 8 : i32
    %mul3A_54 = arith.constant 640 : i32
    %mul3A_55 = arith.muli %arg1, %mul3A_54 : i32
    %dma_wait3A = arith.constant 1 : i32
    %dma_wait3A_56 = tpu.memref_slice %arg9[%mul3A_55] : memref<10240xf32, #tpu.memory_space<vmem_shared>> -> memref<640xf32, #tpu.memory_space<vmem_shared>>
    %dma_wait3A_57 = tpu.memref_slice %arg19[%dma_wait3A] : memref<4x!tpu.dma_semaphore, #tpu.memory_space<semaphore_mem>> -> memref<1x!tpu.dma_semaphore, #tpu.memory_space<semaphore_mem>>
    %dma_wait3A_58 = tpu.memref_squeeze %dma_wait3A_57 : memref<1x!tpu.dma_semaphore, #tpu.memory_space<semaphore_mem>> -> memref<!tpu.dma_semaphore, #tpu.memory_space<semaphore_mem>>
    %dma_wait3A_59 = tpu.memref_slice %arg9[%mul3A_55] : memref<10240xf32, #tpu.memory_space<vmem_shared>> -> memref<640xf32, #tpu.memory_space<vmem_shared>>
    tpu.wait_dma2 semaphore(%dma_wait3A_58 : memref<!tpu.dma_semaphore, #tpu.memory_space<semaphore_mem>>) src(%arg14 : memref<640xf32, #tpu.memory_space<vmem>>) dst(%dma_wait3A_59 : memref<640xf32, #tpu.memory_space<vmem_shared>>)
    %barrier3A = arith.constant 0 : index
    tpu.barrier barrier_id(%barrier3A)
    %add3A_60 = arith.constant 0 : i32
    %add3A_61 = arith.addi %mul3A_2, %add3A_60 : i32
    %dma_start3A_62 = arith.constant 0 : i32
    %dma_start3A_63 = arith.constant 0 : i32
    %dma_start3A_64 = arith.constant 0 : i32
    %dma_start3A_65 = tpu.memref_slice %arg10[%dma_start3A_62, %dma_start3A_64] : memref<4x80xi32, #tpu.memory_space<vmem>> -> memref<1x80xi32, #tpu.memory_space<vmem>>
    %dma_start3A_66 = tpu.memref_squeeze %dma_start3A_65 : memref<1x80xi32, #tpu.memory_space<vmem>> -> memref<80xi32, #tpu.memory_space<vmem>>
    %dma_start3A_67 = tpu.memref_slice %arg3[%add3A_61] : memref<320000xi32, #tpu.memory_space<hbm>> -> memref<80xi32, #tpu.memory_space<hbm>>
    %dma_start3A_68 = tpu.memref_slice %arg15[%dma_start3A_63] : memref<4x!tpu.dma_semaphore, #tpu.memory_space<semaphore_mem>> -> memref<1x!tpu.dma_semaphore, #tpu.memory_space<semaphore_mem>>
    %dma_start3A_69 = tpu.memref_squeeze %dma_start3A_68 : memref<1x!tpu.dma_semaphore, #tpu.memory_space<semaphore_mem>> -> memref<!tpu.dma_semaphore, #tpu.memory_space<semaphore_mem>>
    %dma_start3A_70 = arith.constant 0 : i32
    %dma_start3A_71 = tpu.memref_slice %arg10[%dma_start3A_62, %dma_start3A_70] : memref<4x80xi32, #tpu.memory_space<vmem>> -> memref<1x80xi32, #tpu.memory_space<vmem>>
    %dma_start3A_72 = tpu.memref_squeeze %dma_start3A_71 : memref<1x80xi32, #tpu.memory_space<vmem>> -> memref<80xi32, #tpu.memory_space<vmem>>
    %dma_start3A_73 = tpu.memref_slice %arg3[%add3A_61] : memref<320000xi32, #tpu.memory_space<hbm>> -> memref<80xi32, #tpu.memory_space<hbm>>
    tpu.enqueue_dma source(%dma_start3A_73 : memref<80xi32, #tpu.memory_space<hbm>>) target(%dma_start3A_72 : memref<80xi32, #tpu.memory_space<vmem>>) target_semaphore(%dma_start3A_69 : memref<!tpu.dma_semaphore, #tpu.memory_space<semaphore_mem>>)
    %add3A_74 = arith.constant 0 : i32
    %add3A_75 = arith.addi %mul3A_2, %add3A_74 : i32
    %dma_start3A_76 = arith.constant 0 : i32
    %dma_start3A_77 = arith.constant 0 : i32
    %dma_start3A_78 = arith.constant 0 : i32
    %dma_start3A_79 = tpu.memref_slice %arg11[%dma_start3A_76, %dma_start3A_78] : memref<8x80xi32, #tpu.memory_space<vmem>> -> memref<1x80xi32, #tpu.memory_space<vmem>>
    %dma_start3A_80 = tpu.memref_squeeze %dma_start3A_79 : memref<1x80xi32, #tpu.memory_space<vmem>> -> memref<80xi32, #tpu.memory_space<vmem>>
    %dma_start3A_81 = tpu.memref_slice %arg4[%add3A_75] : memref<320000xi32, #tpu.memory_space<hbm>> -> memref<80xi32, #tpu.memory_space<hbm>>
    %dma_start3A_82 = tpu.memref_slice %arg16[%dma_start3A_77] : memref<8x!tpu.dma_semaphore, #tpu.memory_space<semaphore_mem>> -> memref<1x!tpu.dma_semaphore, #tpu.memory_space<semaphore_mem>>
    %dma_start3A_83 = tpu.memref_squeeze %dma_start3A_82 : memref<1x!tpu.dma_semaphore, #tpu.memory_space<semaphore_mem>> -> memref<!tpu.dma_semaphore, #tpu.memory_space<semaphore_mem>>
    %dma_start3A_84 = arith.constant 0 : i32
    %dma_start3A_85 = tpu.memref_slice %arg11[%dma_start3A_76, %dma_start3A_84] : memref<8x80xi32, #tpu.memory_space<vmem>> -> memref<1x80xi32, #tpu.memory_space<vmem>>
    %dma_start3A_86 = tpu.memref_squeeze %dma_start3A_85 : memref<1x80xi32, #tpu.memory_space<vmem>> -> memref<80xi32, #tpu.memory_space<vmem>>
    %dma_start3A_87 = tpu.memref_slice %arg4[%add3A_75] : memref<320000xi32, #tpu.memory_space<hbm>> -> memref<80xi32, #tpu.memory_space<hbm>>
    tpu.enqueue_dma source(%dma_start3A_87 : memref<80xi32, #tpu.memory_space<hbm>>) target(%dma_start3A_86 : memref<80xi32, #tpu.memory_space<vmem>>) target_semaphore(%dma_start3A_83 : memref<!tpu.dma_semaphore, #tpu.memory_space<semaphore_mem>>)
    %add3A_88 = arith.constant 80 : i32
    %add3A_89 = arith.addi %mul3A_2, %add3A_88 : i32
    %dma_start3A_90 = arith.constant 1 : i32
    %dma_start3A_91 = arith.constant 1 : i32
    %dma_start3A_92 = arith.constant 0 : i32
    %dma_start3A_93 = tpu.memref_slice %arg10[%dma_start3A_90, %dma_start3A_92] : memref<4x80xi32, #tpu.memory_space<vmem>> -> memref<1x80xi32, #tpu.memory_space<vmem>>
    %dma_start3A_94 = tpu.memref_squeeze %dma_start3A_93 : memref<1x80xi32, #tpu.memory_space<vmem>> -> memref<80xi32, #tpu.memory_space<vmem>>
    %dma_start3A_95 = tpu.memref_slice %arg3[%add3A_89] : memref<320000xi32, #tpu.memory_space<hbm>> -> memref<80xi32, #tpu.memory_space<hbm>>
    %dma_start3A_96 = tpu.memref_slice %arg15[%dma_start3A_91] : memref<4x!tpu.dma_semaphore, #tpu.memory_space<semaphore_mem>> -> memref<1x!tpu.dma_semaphore, #tpu.memory_space<semaphore_mem>>
    %dma_start3A_97 = tpu.memref_squeeze %dma_start3A_96 : memref<1x!tpu.dma_semaphore, #tpu.memory_space<semaphore_mem>> -> memref<!tpu.dma_semaphore, #tpu.memory_space<semaphore_mem>>
    %dma_start3A_98 = arith.constant 0 : i32
    %dma_start3A_99 = tpu.memref_slice %arg10[%dma_start3A_90, %dma_start3A_98] : memref<4x80xi32, #tpu.memory_space<vmem>> -> memref<1x80xi32, #tpu.memory_space<vmem>>
    %dma_start3A_100 = tpu.memref_squeeze %dma_start3A_99 : memref<1x80xi32, #tpu.memory_space<vmem>> -> memref<80xi32, #tpu.memory_space<vmem>>
    %dma_start3A_101 = tpu.memref_slice %arg3[%add3A_89] : memref<320000xi32, #tpu.memory_space<hbm>> -> memref<80xi32, #tpu.memory_space<hbm>>
    tpu.enqueue_dma source(%dma_start3A_101 : memref<80xi32, #tpu.memory_space<hbm>>) target(%dma_start3A_100 : memref<80xi32, #tpu.memory_space<vmem>>) target_semaphore(%dma_start3A_97 : memref<!tpu.dma_semaphore, #tpu.memory_space<semaphore_mem>>)
    %add3A_102 = arith.constant 80 : i32
    %add3A_103 = arith.addi %mul3A_2, %add3A_102 : i32
    %dma_start3A_104 = arith.constant 1 : i32
    %dma_start3A_105 = arith.constant 1 : i32
    %dma_start3A_106 = arith.constant 0 : i32
    %dma_start3A_107 = tpu.memref_slice %arg11[%dma_start3A_104, %dma_start3A_106] : memref<8x80xi32, #tpu.memory_space<vmem>> -> memref<1x80xi32, #tpu.memory_space<vmem>>
    %dma_start3A_108 = tpu.memref_squeeze %dma_start3A_107 : memref<1x80xi32, #tpu.memory_space<vmem>> -> memref<80xi32, #tpu.memory_space<vmem>>
    %dma_start3A_109 = tpu.memref_slice %arg4[%add3A_103] : memref<320000xi32, #tpu.memory_space<hbm>> -> memref<80xi32, #tpu.memory_space<hbm>>
    %dma_start3A_110 = tpu.memref_slice %arg16[%dma_start3A_105] : memref<8x!tpu.dma_semaphore, #tpu.memory_space<semaphore_mem>> -> memref<1x!tpu.dma_semaphore, #tpu.memory_space<semaphore_mem>>
    %dma_start3A_111 = tpu.memref_squeeze %dma_start3A_110 : memref<1x!tpu.dma_semaphore, #tpu.memory_space<semaphore_mem>> -> memref<!tpu.dma_semaphore, #tpu.memory_space<semaphore_mem>>
    %dma_start3A_112 = arith.constant 0 : i32
    %dma_start3A_113 = tpu.memref_slice %arg11[%dma_start3A_104, %dma_start3A_112] : memref<8x80xi32, #tpu.memory_space<vmem>> -> memref<1x80xi32, #tpu.memory_space<vmem>>
    %dma_start3A_114 = tpu.memref_squeeze %dma_start3A_113 : memref<1x80xi32, #tpu.memory_space<vmem>> -> memref<80xi32, #tpu.memory_space<vmem>>
    %dma_start3A_115 = tpu.memref_slice %arg4[%add3A_103] : memref<320000xi32, #tpu.memory_space<hbm>> -> memref<80xi32, #tpu.memory_space<hbm>>
    tpu.enqueue_dma source(%dma_start3A_115 : memref<80xi32, #tpu.memory_space<hbm>>) target(%dma_start3A_114 : memref<80xi32, #tpu.memory_space<vmem>>) target_semaphore(%dma_start3A_111 : memref<!tpu.dma_semaphore, #tpu.memory_space<semaphore_mem>>)
    %add3A_116 = arith.constant 160 : i32
    %add3A_117 = arith.addi %mul3A_2, %add3A_116 : i32
    %dma_start3A_118 = arith.constant 2 : i32
    %dma_start3A_119 = arith.constant 2 : i32
    %dma_start3A_120 = arith.constant 0 : i32
    %dma_start3A_121 = tpu.memref_slice %arg10[%dma_start3A_118, %dma_start3A_120] : memref<4x80xi32, #tpu.memory_space<vmem>> -> memref<1x80xi32, #tpu.memory_space<vmem>>
    %dma_start3A_122 = tpu.memref_squeeze %dma_start3A_121 : memref<1x80xi32, #tpu.memory_space<vmem>> -> memref<80xi32, #tpu.memory_space<vmem>>
    %dma_start3A_123 = tpu.memref_slice %arg3[%add3A_117] : memref<320000xi32, #tpu.memory_space<hbm>> -> memref<80xi32, #tpu.memory_space<hbm>>
    %dma_start3A_124 = tpu.memref_slice %arg15[%dma_start3A_119] : memref<4x!tpu.dma_semaphore, #tpu.memory_space<semaphore_mem>> -> memref<1x!tpu.dma_semaphore, #tpu.memory_space<semaphore_mem>>
    %dma_start3A_125 = tpu.memref_squeeze %dma_start3A_124 : memref<1x!tpu.dma_semaphore, #tpu.memory_space<semaphore_mem>> -> memref<!tpu.dma_semaphore, #tpu.memory_space<semaphore_mem>>
    %dma_start3A_126 = arith.constant 0 : i32
    %dma_start3A_127 = tpu.memref_slice %arg10[%dma_start3A_118, %dma_start3A_126] : memref<4x80xi32, #tpu.memory_space<vmem>> -> memref<1x80xi32, #tpu.memory_space<vmem>>
    %dma_start3A_128 = tpu.memref_squeeze %dma_start3A_127 : memref<1x80xi32, #tpu.memory_space<vmem>> -> memref<80xi32, #tpu.memory_space<vmem>>
    %dma_start3A_129 = tpu.memref_slice %arg3[%add3A_117] : memref<320000xi32, #tpu.memory_space<hbm>> -> memref<80xi32, #tpu.memory_space<hbm>>
    tpu.enqueue_dma source(%dma_start3A_129 : memref<80xi32, #tpu.memory_space<hbm>>) target(%dma_start3A_128 : memref<80xi32, #tpu.memory_space<vmem>>) target_semaphore(%dma_start3A_125 : memref<!tpu.dma_semaphore, #tpu.memory_space<semaphore_mem>>)
    %add3A_130 = arith.constant 160 : i32
    %add3A_131 = arith.addi %mul3A_2, %add3A_130 : i32
    %dma_start3A_132 = arith.constant 2 : i32
    %dma_start3A_133 = arith.constant 2 : i32
    %dma_start3A_134 = arith.constant 0 : i32
    %dma_start3A_135 = tpu.memref_slice %arg11[%dma_start3A_132, %dma_start3A_134] : memref<8x80xi32, #tpu.memory_space<vmem>> -> memref<1x80xi32, #tpu.memory_space<vmem>>
    %dma_start3A_136 = tpu.memref_squeeze %dma_start3A_135 : memref<1x80xi32, #tpu.memory_space<vmem>> -> memref<80xi32, #tpu.memory_space<vmem>>
    %dma_start3A_137 = tpu.memref_slice %arg4[%add3A_131] : memref<320000xi32, #tpu.memory_space<hbm>> -> memref<80xi32, #tpu.memory_space<hbm>>
    %dma_start3A_138 = tpu.memref_slice %arg16[%dma_start3A_133] : memref<8x!tpu.dma_semaphore, #tpu.memory_space<semaphore_mem>> -> memref<1x!tpu.dma_semaphore, #tpu.memory_space<semaphore_mem>>
    %dma_start3A_139 = tpu.memref_squeeze %dma_start3A_138 : memref<1x!tpu.dma_semaphore, #tpu.memory_space<semaphore_mem>> -> memref<!tpu.dma_semaphore, #tpu.memory_space<semaphore_mem>>
    %dma_start3A_140 = arith.constant 0 : i32
    %dma_start3A_141 = tpu.memref_slice %arg11[%dma_start3A_132, %dma_start3A_140] : memref<8x80xi32, #tpu.memory_space<vmem>> -> memref<1x80xi32, #tpu.memory_space<vmem>>
    %dma_start3A_142 = tpu.memref_squeeze %dma_start3A_141 : memref<1x80xi32, #tpu.memory_space<vmem>> -> memref<80xi32, #tpu.memory_space<vmem>>
    %dma_start3A_143 = tpu.memref_slice %arg4[%add3A_131] : memref<320000xi32, #tpu.memory_space<hbm>> -> memref<80xi32, #tpu.memory_space<hbm>>
    tpu.enqueue_dma source(%dma_start3A_143 : memref<80xi32, #tpu.memory_space<hbm>>) target(%dma_start3A_142 : memref<80xi32, #tpu.memory_space<vmem>>) target_semaphore(%dma_start3A_139 : memref<!tpu.dma_semaphore, #tpu.memory_space<semaphore_mem>>)
    %add3A_144 = arith.constant 0 : i32
    %add3A_145 = arith.addi %mul3A_2, %add3A_144 : i32
    %dma_start3A_146 = arith.constant 0 : i32
    %dma_start3A_147 = arith.constant 0 : i32
    %dma_start3A_148 = arith.constant 0 : i32
    %dma_start3A_149 = arith.constant 0 : i32
    %dma_start3A_150 = tpu.memref_slice %arg12[%dma_start3A_146, %dma_start3A_148, %dma_start3A_149] : memref<4x80x128xf32, #tpu.memory_space<vmem>> -> memref<1x80x128xf32, #tpu.memory_space<vmem>>
    %dma_start3A_151 = tpu.memref_squeeze %dma_start3A_150 : memref<1x80x128xf32, #tpu.memory_space<vmem>> -> memref<80x128xf32, #tpu.memory_space<vmem>>
    %dma_start3A_152 = arith.constant 0 : i32
    %dma_start3A_153 = tpu.memref_slice %arg5[%add3A_145, %dma_start3A_152] : memref<320000x128xf32, #tpu.memory_space<hbm>> -> memref<80x128xf32, #tpu.memory_space<hbm>>
    %dma_start3A_154 = tpu.memref_slice %arg17[%dma_start3A_147] : memref<4x!tpu.dma_semaphore, #tpu.memory_space<semaphore_mem>> -> memref<1x!tpu.dma_semaphore, #tpu.memory_space<semaphore_mem>>
    %dma_start3A_155 = tpu.memref_squeeze %dma_start3A_154 : memref<1x!tpu.dma_semaphore, #tpu.memory_space<semaphore_mem>> -> memref<!tpu.dma_semaphore, #tpu.memory_space<semaphore_mem>>
    %dma_start3A_156 = arith.constant 0 : i32
    %dma_start3A_157 = arith.constant 0 : i32
    %dma_start3A_158 = tpu.memref_slice %arg12[%dma_start3A_146, %dma_start3A_156, %dma_start3A_157] : memref<4x80x128xf32, #tpu.memory_space<vmem>> -> memref<1x80x128xf32, #tpu.memory_space<vmem>>
    %dma_start3A_159 = tpu.memref_squeeze %dma_start3A_158 : memref<1x80x128xf32, #tpu.memory_space<vmem>> -> memref<80x128xf32, #tpu.memory_space<vmem>>
    %dma_start3A_160 = arith.constant 0 : i32
    %dma_start3A_161 = tpu.memref_slice %arg5[%add3A_145, %dma_start3A_160] : memref<320000x128xf32, #tpu.memory_space<hbm>> -> memref<80x128xf32, #tpu.memory_space<hbm>>
    tpu.enqueue_dma source(%dma_start3A_161 : memref<80x128xf32, #tpu.memory_space<hbm>>) target(%dma_start3A_159 : memref<80x128xf32, #tpu.memory_space<vmem>>) target_semaphore(%dma_start3A_155 : memref<!tpu.dma_semaphore, #tpu.memory_space<semaphore_mem>>)
    %add3A_162 = arith.constant 80 : i32
    %add3A_163 = arith.addi %mul3A_2, %add3A_162 : i32
    %dma_start3A_164 = arith.constant 1 : i32
    %dma_start3A_165 = arith.constant 1 : i32
    %dma_start3A_166 = arith.constant 0 : i32
    %dma_start3A_167 = arith.constant 0 : i32
    %dma_start3A_168 = tpu.memref_slice %arg12[%dma_start3A_164, %dma_start3A_166, %dma_start3A_167] : memref<4x80x128xf32, #tpu.memory_space<vmem>> -> memref<1x80x128xf32, #tpu.memory_space<vmem>>
    %dma_start3A_169 = tpu.memref_squeeze %dma_start3A_168 : memref<1x80x128xf32, #tpu.memory_space<vmem>> -> memref<80x128xf32, #tpu.memory_space<vmem>>
    %dma_start3A_170 = arith.constant 0 : i32
    %dma_start3A_171 = tpu.memref_slice %arg5[%add3A_163, %dma_start3A_170] : memref<320000x128xf32, #tpu.memory_space<hbm>> -> memref<80x128xf32, #tpu.memory_space<hbm>>
    %dma_start3A_172 = tpu.memref_slice %arg17[%dma_start3A_165] : memref<4x!tpu.dma_semaphore, #tpu.memory_space<semaphore_mem>> -> memref<1x!tpu.dma_semaphore, #tpu.memory_space<semaphore_mem>>
    %dma_start3A_173 = tpu.memref_squeeze %dma_start3A_172 : memref<1x!tpu.dma_semaphore, #tpu.memory_space<semaphore_mem>> -> memref<!tpu.dma_semaphore, #tpu.memory_space<semaphore_mem>>
    %dma_start3A_174 = arith.constant 0 : i32
    %dma_start3A_175 = arith.constant 0 : i32
    %dma_start3A_176 = tpu.memref_slice %arg12[%dma_start3A_164, %dma_start3A_174, %dma_start3A_175] : memref<4x80x128xf32, #tpu.memory_space<vmem>> -> memref<1x80x128xf32, #tpu.memory_space<vmem>>
    %dma_start3A_177 = tpu.memref_squeeze %dma_start3A_176 : memref<1x80x128xf32, #tpu.memory_space<vmem>> -> memref<80x128xf32, #tpu.memory_space<vmem>>
    %dma_start3A_178 = arith.constant 0 : i32
    %dma_start3A_179 = tpu.memref_slice %arg5[%add3A_163, %dma_start3A_178] : memref<320000x128xf32, #tpu.memory_space<hbm>> -> memref<80x128xf32, #tpu.memory_space<hbm>>
    tpu.enqueue_dma source(%dma_start3A_179 : memref<80x128xf32, #tpu.memory_space<hbm>>) target(%dma_start3A_177 : memref<80x128xf32, #tpu.memory_space<vmem>>) target_semaphore(%dma_start3A_173 : memref<!tpu.dma_semaphore, #tpu.memory_space<semaphore_mem>>)
    %add3A_180 = arith.constant 0 : i32
    %add3A_181 = arith.addi %mul3A_2, %add3A_180 : i32
    %dma_wait3A_182 = arith.constant 0 : i32
    %dma_wait3A_183 = arith.constant 0 : i32
    %dma_wait3A_184 = arith.constant 0 : i32
    %dma_wait3A_185 = tpu.memref_slice %arg10[%dma_wait3A_182, %dma_wait3A_184] : memref<4x80xi32, #tpu.memory_space<vmem>> -> memref<1x80xi32, #tpu.memory_space<vmem>>
    %dma_wait3A_186 = tpu.memref_squeeze %dma_wait3A_185 : memref<1x80xi32, #tpu.memory_space<vmem>> -> memref<80xi32, #tpu.memory_space<vmem>>
    %dma_wait3A_187 = tpu.memref_slice %arg3[%add3A_181] : memref<320000xi32, #tpu.memory_space<hbm>> -> memref<80xi32, #tpu.memory_space<hbm>>
    %dma_wait3A_188 = tpu.memref_slice %arg15[%dma_wait3A_183] : memref<4x!tpu.dma_semaphore, #tpu.memory_space<semaphore_mem>> -> memref<1x!tpu.dma_semaphore, #tpu.memory_space<semaphore_mem>>
    %dma_wait3A_189 = tpu.memref_squeeze %dma_wait3A_188 : memref<1x!tpu.dma_semaphore, #tpu.memory_space<semaphore_mem>> -> memref<!tpu.dma_semaphore, #tpu.memory_space<semaphore_mem>>
    %dma_wait3A_190 = arith.constant 0 : i32
    %dma_wait3A_191 = tpu.memref_slice %arg10[%dma_wait3A_182, %dma_wait3A_190] : memref<4x80xi32, #tpu.memory_space<vmem>> -> memref<1x80xi32, #tpu.memory_space<vmem>>
    %dma_wait3A_192 = tpu.memref_squeeze %dma_wait3A_191 : memref<1x80xi32, #tpu.memory_space<vmem>> -> memref<80xi32, #tpu.memory_space<vmem>>
    %dma_wait3A_193 = tpu.memref_slice %arg3[%add3A_181] : memref<320000xi32, #tpu.memory_space<hbm>> -> memref<80xi32, #tpu.memory_space<hbm>>
    tpu.wait_dma2 semaphore(%dma_wait3A_189 : memref<!tpu.dma_semaphore, #tpu.memory_space<semaphore_mem>>) src(%dma_wait3A_193 : memref<80xi32, #tpu.memory_space<hbm>>) dst(%dma_wait3A_192 : memref<80xi32, #tpu.memory_space<vmem>>)
    %add3A_194 = arith.constant 0 : i32
    %add3A_195 = arith.addi %mul3A_2, %add3A_194 : i32
    %dma_wait3A_196 = arith.constant 0 : i32
    %dma_wait3A_197 = arith.constant 0 : i32
    %dma_wait3A_198 = arith.constant 0 : i32
    %dma_wait3A_199 = arith.constant 0 : i32
    %dma_wait3A_200 = tpu.memref_slice %arg12[%dma_wait3A_196, %dma_wait3A_198, %dma_wait3A_199] : memref<4x80x128xf32, #tpu.memory_space<vmem>> -> memref<1x80x128xf32, #tpu.memory_space<vmem>>
    %dma_wait3A_201 = tpu.memref_squeeze %dma_wait3A_200 : memref<1x80x128xf32, #tpu.memory_space<vmem>> -> memref<80x128xf32, #tpu.memory_space<vmem>>
    %dma_wait3A_202 = arith.constant 0 : i32
    %dma_wait3A_203 = tpu.memref_slice %arg5[%add3A_195, %dma_wait3A_202] : memref<320000x128xf32, #tpu.memory_space<hbm>> -> memref<80x128xf32, #tpu.memory_space<hbm>>
    %dma_wait3A_204 = tpu.memref_slice %arg17[%dma_wait3A_197] : memref<4x!tpu.dma_semaphore, #tpu.memory_space<semaphore_mem>> -> memref<1x!tpu.dma_semaphore, #tpu.memory_space<semaphore_mem>>
    %dma_wait3A_205 = tpu.memref_squeeze %dma_wait3A_204 : memref<1x!tpu.dma_semaphore, #tpu.memory_space<semaphore_mem>> -> memref<!tpu.dma_semaphore, #tpu.memory_space<semaphore_mem>>
    %dma_wait3A_206 = arith.constant 0 : i32
    %dma_wait3A_207 = arith.constant 0 : i32
    %dma_wait3A_208 = tpu.memref_slice %arg12[%dma_wait3A_196, %dma_wait3A_206, %dma_wait3A_207] : memref<4x80x128xf32, #tpu.memory_space<vmem>> -> memref<1x80x128xf32, #tpu.memory_space<vmem>>
    %dma_wait3A_209 = tpu.memref_squeeze %dma_wait3A_208 : memref<1x80x128xf32, #tpu.memory_space<vmem>> -> memref<80x128xf32, #tpu.memory_space<vmem>>
    %dma_wait3A_210 = arith.constant 0 : i32
    %dma_wait3A_211 = tpu.memref_slice %arg5[%add3A_195, %dma_wait3A_210] : memref<320000x128xf32, #tpu.memory_space<hbm>> -> memref<80x128xf32, #tpu.memory_space<hbm>>
    tpu.wait_dma2 semaphore(%dma_wait3A_205 : memref<!tpu.dma_semaphore, #tpu.memory_space<semaphore_mem>>) src(%dma_wait3A_211 : memref<80x128xf32, #tpu.memory_space<hbm>>) dst(%dma_wait3A_209 : memref<80x128xf32, #tpu.memory_space<vmem>>)
    %dma_start3A_212 = arith.constant 0 : i32
    %dma_start3A_213 = arith.constant 0 : i32
    %dma_start3A_214 = arith.constant 0 : i32
    %dma_start3A_215 = arith.constant 0 : i32
    %dma_start3A_216 = arith.constant 0 : i32
    %dma_start3A_217 = tpu.memref_slice %arg12[%dma_start3A_213, %dma_start3A_215, %dma_start3A_216] : memref<4x80x128xf32, #tpu.memory_space<vmem>> -> memref<1x80x128xf32, #tpu.memory_space<vmem>>
    %dma_start3A_218 = tpu.memref_squeeze %dma_start3A_217 : memref<1x80x128xf32, #tpu.memory_space<vmem>> -> memref<80x128xf32, #tpu.memory_space<vmem>>
    %dma_start3A_219 = arith.constant 0 : i32
    %dma_start3A_220 = tpu.memref_slice %arg10[%dma_start3A_212, %dma_start3A_219] : memref<4x80xi32, #tpu.memory_space<vmem>> -> memref<1x80xi32, #tpu.memory_space<vmem>>
    %dma_start3A_221 = tpu.memref_squeeze %dma_start3A_220 : memref<1x80xi32, #tpu.memory_space<vmem>> -> memref<80xi32, #tpu.memory_space<vmem>>
    %dma_start3A_222 = arith.constant 0 : i32
    %dma_start3A_223 = arith.constant 0 : i32
    %dma_start3A_224 = tpu.memref_slice %arg2[%dma_start3A_222, %dma_start3A_223] : memref<10000x128xf32, #tpu.memory_space<hbm>> -> memref<10000x128xf32, #tpu.memory_space<hbm>>
    %dma_start3A_225 = tpu.memref_slice %arg18[%dma_start3A_214] : memref<4x!tpu.dma_semaphore, #tpu.memory_space<semaphore_mem>> -> memref<1x!tpu.dma_semaphore, #tpu.memory_space<semaphore_mem>>
    %dma_start3A_226 = tpu.memref_squeeze %dma_start3A_225 : memref<1x!tpu.dma_semaphore, #tpu.memory_space<semaphore_mem>> -> memref<!tpu.dma_semaphore, #tpu.memory_space<semaphore_mem>>
    tpu.enqueue_indirect_dma source(%dma_start3A_224 : memref<10000x128xf32, #tpu.memory_space<hbm>>) target(%dma_start3A_218 : memref<80x128xf32, #tpu.memory_space<vmem>>) offsets(%dma_start3A_221 : memref<80xi32, #tpu.memory_space<vmem>>) semaphore(%dma_start3A_226 : memref<!tpu.dma_semaphore, #tpu.memory_space<semaphore_mem>>) {add = true}
    %scan3A_227 = arith.constant 0 : i32
    %scan3A_228 = arith.constant 0 : i32
    %scan3A_229 = arith.constant 31 : i32
    %scan3A_230 = arith.addi %scan3A_228, %scan3A_229 : i32
    %scan3A_231 = arith.constant 1 : i32
    scf.for %scan3A_385 = %scan3A_228 to %scan3A_230 step %scan3A_231  : i32 {
      %mul3A_386 = arith.constant 4 : i32
      %mul3A_387 = arith.muli %scan3A_385, %mul3A_386 : i32
      %add3A_388 = arith.constant 0 : i32
      %add3A_389 = arith.addi %mul3A_387, %add3A_388 : i32
      %ge3A = arith.constant 2 : i32
      %ge3A_390 = arith.cmpi sge, %add3A_389, %ge3A : i32
      %convert_element_type3A_391 = arith.extui %ge3A_390 : i1 to i32
      %cond3A_392 = arith.constant 0 : i32
      %cond3A_393 = arith.cmpi ne, %convert_element_type3A_391, %cond3A_392 : i32
      scf.if %cond3A_393 {
        %sub3A = arith.constant 2 : i32
        %sub3A_892 = arith.subi %add3A_389, %sub3A : i32
        %sub3A_893 = arith.constant 2 : i32
        %sub3A_894 = arith.subi %add3A_389, %sub3A_893 : i32
        %jit3A_895 = arith.constant 8 : i32
        %eq3A_896 = arith.constant 0 : i32
        %eq3A_897 = arith.cmpi eq, %jit3A_895, %eq3A_896 : i32
        %jit3A_898 = arith.constant 1 : i32
        %select_n3A_899 = arith.select %eq3A_897, %jit3A_898, %jit3A_895 : i32
        %rem3A_900 = arith.remsi %sub3A_894, %select_n3A_899 : i32
        %ne3A_901 = arith.constant 0 : i32
        %ne3A_902 = arith.cmpi ne, %rem3A_900, %ne3A_901 : i32
        %lt3A_903 = arith.constant 0 : i32
        %lt3A_904 = arith.cmpi slt, %rem3A_900, %lt3A_903 : i32
        %lt3A_905 = arith.constant 0 : i32
        %lt3A_906 = arith.cmpi slt, %select_n3A_899, %lt3A_905 : i32
        %ne3A_907 = arith.xori %lt3A_904, %lt3A_906 : i1
        %and3A_908 = arith.andi %ne3A_907, %ne3A_902 : i1
        %add3A_909 = arith.addi %rem3A_900, %select_n3A_899 : i32
        %select_n3A_910 = arith.select %and3A_908, %add3A_909, %rem3A_900 : i32
        %dma_wait3A_911 = arith.constant 2 : i32
        %dma_wait3A_912 = arith.constant 2 : i32
        %dma_wait3A_913 = arith.constant 0 : i32
        %dma_wait3A_914 = arith.constant 0 : i32
        %dma_wait3A_915 = tpu.memref_slice %arg12[%dma_wait3A_911, %dma_wait3A_913, %dma_wait3A_914] : memref<4x80x128xf32, #tpu.memory_space<vmem>> -> memref<1x80x128xf32, #tpu.memory_space<vmem>>
        %dma_wait3A_916 = tpu.memref_squeeze %dma_wait3A_915 : memref<1x80x128xf32, #tpu.memory_space<vmem>> -> memref<80x128xf32, #tpu.memory_space<vmem>>
        %dma_wait3A_917 = arith.constant 0 : i32
        %dma_wait3A_918 = tpu.memref_slice %arg11[%select_n3A_910, %dma_wait3A_917] : memref<8x80xi32, #tpu.memory_space<vmem>> -> memref<1x80xi32, #tpu.memory_space<vmem>>
        %dma_wait3A_919 = tpu.memref_squeeze %dma_wait3A_918 : memref<1x80xi32, #tpu.memory_space<vmem>> -> memref<80xi32, #tpu.memory_space<vmem>>
        %dma_wait3A_920 = arith.constant 0 : i32
        %dma_wait3A_921 = arith.constant 0 : i32
        %dma_wait3A_922 = tpu.memref_slice %arg8[%dma_wait3A_920, %dma_wait3A_921] : memref<10240x128xf32, #tpu.memory_space<vmem_shared>> -> memref<10240x128xf32, #tpu.memory_space<vmem_shared>>
        %dma_wait3A_923 = tpu.memref_slice %arg19[%dma_wait3A_912] : memref<4x!tpu.dma_semaphore, #tpu.memory_space<semaphore_mem>> -> memref<1x!tpu.dma_semaphore, #tpu.memory_space<semaphore_mem>>
        %dma_wait3A_924 = tpu.memref_squeeze %dma_wait3A_923 : memref<1x!tpu.dma_semaphore, #tpu.memory_space<semaphore_mem>> -> memref<!tpu.dma_semaphore, #tpu.memory_space<semaphore_mem>>
        tpu.wait_indirect_dma semaphore(%dma_wait3A_924 : memref<!tpu.dma_semaphore, #tpu.memory_space<semaphore_mem>>) src(%dma_wait3A_916 : memref<80x128xf32, #tpu.memory_space<vmem>>) dst(%dma_wait3A_922 : memref<10240x128xf32, #tpu.memory_space<vmem_shared>>)
        %dma_wait3A_925 = arith.constant 2 : i32
        %dma_wait3A_926 = arith.constant 0 : i32
        %dma_wait3A_927 = tpu.memref_slice %arg11[%select_n3A_910, %dma_wait3A_926] : memref<8x80xi32, #tpu.memory_space<vmem>> -> memref<1x80xi32, #tpu.memory_space<vmem>>
        %dma_wait3A_928 = tpu.memref_squeeze %dma_wait3A_927 : memref<1x80xi32, #tpu.memory_space<vmem>> -> memref<80xi32, #tpu.memory_space<vmem>>
        %dma_wait3A_929 = arith.constant 0 : i32
        %dma_wait3A_930 = tpu.memref_slice %arg9[%dma_wait3A_929] : memref<10240xf32, #tpu.memory_space<vmem_shared>> -> memref<10240xf32, #tpu.memory_space<vmem_shared>>
        %dma_wait3A_931 = tpu.memref_slice %arg19[%dma_wait3A_925] : memref<4x!tpu.dma_semaphore, #tpu.memory_space<semaphore_mem>> -> memref<1x!tpu.dma_semaphore, #tpu.memory_space<semaphore_mem>>
        %dma_wait3A_932 = tpu.memref_squeeze %dma_wait3A_931 : memref<1x!tpu.dma_semaphore, #tpu.memory_space<semaphore_mem>> -> memref<!tpu.dma_semaphore, #tpu.memory_space<semaphore_mem>>
        tpu.wait_indirect_dma semaphore(%dma_wait3A_932 : memref<!tpu.dma_semaphore, #tpu.memory_space<semaphore_mem>>) src(%arg13 : memref<80xf32, #tpu.memory_space<vmem>>) dst(%dma_wait3A_930 : memref<10240xf32, #tpu.memory_space<vmem_shared>>)
      } else {
      }
      %add3A_394 = arith.constant 3 : i32
      %add3A_395 = arith.addi %add3A_389, %add3A_394 : i32
      %lt3A_396 = arith.constant 125 : i32
      %lt3A_397 = arith.cmpi slt, %add3A_395, %lt3A_396 : i32
      %convert_element_type3A_398 = arith.extui %lt3A_397 : i1 to i32
      %cond3A_399 = arith.constant 0 : i32
      %cond3A_400 = arith.cmpi ne, %convert_element_type3A_398, %cond3A_399 : i32
      scf.if %cond3A_400 {
        %add3A_892 = arith.constant 3 : i32
        %add3A_893 = arith.addi %add3A_389, %add3A_892 : i32
        %mul3A_894 = arith.constant 80 : i32
        %mul3A_895 = arith.muli %add3A_893, %mul3A_894 : i32
        %add3A_896 = arith.addi %mul3A_2, %mul3A_895 : i32
        %jit3A_897 = arith.constant 4 : i32
        %eq3A_898 = arith.constant 0 : i32
        %eq3A_899 = arith.cmpi eq, %jit3A_897, %eq3A_898 : i32
        %jit3A_900 = arith.constant 1 : i32
        %select_n3A_901 = arith.select %eq3A_899, %jit3A_900, %jit3A_897 : i32
        %rem3A_902 = arith.remsi %add3A_893, %select_n3A_901 : i32
        %ne3A_903 = arith.constant 0 : i32
        %ne3A_904 = arith.cmpi ne, %rem3A_902, %ne3A_903 : i32
        %lt3A_905 = arith.constant 0 : i32
        %lt3A_906 = arith.cmpi slt, %rem3A_902, %lt3A_905 : i32
        %lt3A_907 = arith.constant 0 : i32
        %lt3A_908 = arith.cmpi slt, %select_n3A_901, %lt3A_907 : i32
        %ne3A_909 = arith.xori %lt3A_906, %lt3A_908 : i1
        %and3A_910 = arith.andi %ne3A_909, %ne3A_904 : i1
        %add3A_911 = arith.addi %rem3A_902, %select_n3A_901 : i32
        %select_n3A_912 = arith.select %and3A_910, %add3A_911, %rem3A_902 : i32
        %jit3A_913 = arith.constant 4 : i32
        %eq3A_914 = arith.constant 0 : i32
        %eq3A_915 = arith.cmpi eq, %jit3A_913, %eq3A_914 : i32
        %jit3A_916 = arith.constant 1 : i32
        %select_n3A_917 = arith.select %eq3A_915, %jit3A_916, %jit3A_913 : i32
        %rem3A_918 = arith.remsi %add3A_893, %select_n3A_917 : i32
        %ne3A_919 = arith.constant 0 : i32
        %ne3A_920 = arith.cmpi ne, %rem3A_918, %ne3A_919 : i32
        %lt3A_921 = arith.constant 0 : i32
        %lt3A_922 = arith.cmpi slt, %rem3A_918, %lt3A_921 : i32
        %lt3A_923 = arith.constant 0 : i32
        %lt3A_924 = arith.cmpi slt, %select_n3A_917, %lt3A_923 : i32
        %ne3A_925 = arith.xori %lt3A_922, %lt3A_924 : i1
        %and3A_926 = arith.andi %ne3A_925, %ne3A_920 : i1
        %add3A_927 = arith.addi %rem3A_918, %select_n3A_917 : i32
        %select_n3A_928 = arith.select %and3A_926, %add3A_927, %rem3A_918 : i32
        %dma_start3A_929 = arith.constant 0 : i32
        %dma_start3A_930 = tpu.memref_slice %arg10[%select_n3A_912, %dma_start3A_929] : memref<4x80xi32, #tpu.memory_space<vmem>> -> memref<1x80xi32, #tpu.memory_space<vmem>>
        %dma_start3A_931 = tpu.memref_squeeze %dma_start3A_930 : memref<1x80xi32, #tpu.memory_space<vmem>> -> memref<80xi32, #tpu.memory_space<vmem>>
        %dma_start3A_932 = tpu.memref_slice %arg3[%add3A_896] : memref<320000xi32, #tpu.memory_space<hbm>> -> memref<80xi32, #tpu.memory_space<hbm>>
        %dma_start3A_933 = tpu.memref_slice %arg15[%select_n3A_928] : memref<4x!tpu.dma_semaphore, #tpu.memory_space<semaphore_mem>> -> memref<1x!tpu.dma_semaphore, #tpu.memory_space<semaphore_mem>>
        %dma_start3A_934 = tpu.memref_squeeze %dma_start3A_933 : memref<1x!tpu.dma_semaphore, #tpu.memory_space<semaphore_mem>> -> memref<!tpu.dma_semaphore, #tpu.memory_space<semaphore_mem>>
        %dma_start3A_935 = arith.constant 0 : i32
        %dma_start3A_936 = tpu.memref_slice %arg10[%select_n3A_912, %dma_start3A_935] : memref<4x80xi32, #tpu.memory_space<vmem>> -> memref<1x80xi32, #tpu.memory_space<vmem>>
        %dma_start3A_937 = tpu.memref_squeeze %dma_start3A_936 : memref<1x80xi32, #tpu.memory_space<vmem>> -> memref<80xi32, #tpu.memory_space<vmem>>
        %dma_start3A_938 = tpu.memref_slice %arg3[%add3A_896] : memref<320000xi32, #tpu.memory_space<hbm>> -> memref<80xi32, #tpu.memory_space<hbm>>
        tpu.enqueue_dma source(%dma_start3A_938 : memref<80xi32, #tpu.memory_space<hbm>>) target(%dma_start3A_937 : memref<80xi32, #tpu.memory_space<vmem>>) target_semaphore(%dma_start3A_934 : memref<!tpu.dma_semaphore, #tpu.memory_space<semaphore_mem>>)
        %add3A_939 = arith.constant 3 : i32
        %add3A_940 = arith.addi %add3A_389, %add3A_939 : i32
        %mul3A_941 = arith.constant 80 : i32
        %mul3A_942 = arith.muli %add3A_940, %mul3A_941 : i32
        %add3A_943 = arith.addi %mul3A_2, %mul3A_942 : i32
        %jit3A_944 = arith.constant 8 : i32
        %eq3A_945 = arith.constant 0 : i32
        %eq3A_946 = arith.cmpi eq, %jit3A_944, %eq3A_945 : i32
        %jit3A_947 = arith.constant 1 : i32
        %select_n3A_948 = arith.select %eq3A_946, %jit3A_947, %jit3A_944 : i32
        %rem3A_949 = arith.remsi %add3A_940, %select_n3A_948 : i32
        %ne3A_950 = arith.constant 0 : i32
        %ne3A_951 = arith.cmpi ne, %rem3A_949, %ne3A_950 : i32
        %lt3A_952 = arith.constant 0 : i32
        %lt3A_953 = arith.cmpi slt, %rem3A_949, %lt3A_952 : i32
        %lt3A_954 = arith.constant 0 : i32
        %lt3A_955 = arith.cmpi slt, %select_n3A_948, %lt3A_954 : i32
        %ne3A_956 = arith.xori %lt3A_953, %lt3A_955 : i1
        %and3A_957 = arith.andi %ne3A_956, %ne3A_951 : i1
        %add3A_958 = arith.addi %rem3A_949, %select_n3A_948 : i32
        %select_n3A_959 = arith.select %and3A_957, %add3A_958, %rem3A_949 : i32
        %jit3A_960 = arith.constant 8 : i32
        %eq3A_961 = arith.constant 0 : i32
        %eq3A_962 = arith.cmpi eq, %jit3A_960, %eq3A_961 : i32
        %jit3A_963 = arith.constant 1 : i32
        %select_n3A_964 = arith.select %eq3A_962, %jit3A_963, %jit3A_960 : i32
        %rem3A_965 = arith.remsi %add3A_940, %select_n3A_964 : i32
        %ne3A_966 = arith.constant 0 : i32
        %ne3A_967 = arith.cmpi ne, %rem3A_965, %ne3A_966 : i32
        %lt3A_968 = arith.constant 0 : i32
        %lt3A_969 = arith.cmpi slt, %rem3A_965, %lt3A_968 : i32
        %lt3A_970 = arith.constant 0 : i32
        %lt3A_971 = arith.cmpi slt, %select_n3A_964, %lt3A_970 : i32
        %ne3A_972 = arith.xori %lt3A_969, %lt3A_971 : i1
        %and3A_973 = arith.andi %ne3A_972, %ne3A_967 : i1
        %add3A_974 = arith.addi %rem3A_965, %select_n3A_964 : i32
        %select_n3A_975 = arith.select %and3A_973, %add3A_974, %rem3A_965 : i32
        %dma_start3A_976 = arith.constant 0 : i32
        %dma_start3A_977 = tpu.memref_slice %arg11[%select_n3A_959, %dma_start3A_976] : memref<8x80xi32, #tpu.memory_space<vmem>> -> memref<1x80xi32, #tpu.memory_space<vmem>>
        %dma_start3A_978 = tpu.memref_squeeze %dma_start3A_977 : memref<1x80xi32, #tpu.memory_space<vmem>> -> memref<80xi32, #tpu.memory_space<vmem>>
        %dma_start3A_979 = tpu.memref_slice %arg4[%add3A_943] : memref<320000xi32, #tpu.memory_space<hbm>> -> memref<80xi32, #tpu.memory_space<hbm>>
        %dma_start3A_980 = tpu.memref_slice %arg16[%select_n3A_975] : memref<8x!tpu.dma_semaphore, #tpu.memory_space<semaphore_mem>> -> memref<1x!tpu.dma_semaphore, #tpu.memory_space<semaphore_mem>>
        %dma_start3A_981 = tpu.memref_squeeze %dma_start3A_980 : memref<1x!tpu.dma_semaphore, #tpu.memory_space<semaphore_mem>> -> memref<!tpu.dma_semaphore, #tpu.memory_space<semaphore_mem>>
        %dma_start3A_982 = arith.constant 0 : i32
        %dma_start3A_983 = tpu.memref_slice %arg11[%select_n3A_959, %dma_start3A_982] : memref<8x80xi32, #tpu.memory_space<vmem>> -> memref<1x80xi32, #tpu.memory_space<vmem>>
        %dma_start3A_984 = tpu.memref_squeeze %dma_start3A_983 : memref<1x80xi32, #tpu.memory_space<vmem>> -> memref<80xi32, #tpu.memory_space<vmem>>
        %dma_start3A_985 = tpu.memref_slice %arg4[%add3A_943] : memref<320000xi32, #tpu.memory_space<hbm>> -> memref<80xi32, #tpu.memory_space<hbm>>
        tpu.enqueue_dma source(%dma_start3A_985 : memref<80xi32, #tpu.memory_space<hbm>>) target(%dma_start3A_984 : memref<80xi32, #tpu.memory_space<vmem>>) target_semaphore(%dma_start3A_981 : memref<!tpu.dma_semaphore, #tpu.memory_space<semaphore_mem>>)
      } else {
      }
      %add3A_401 = arith.constant 2 : i32
      %add3A_402 = arith.addi %add3A_389, %add3A_401 : i32
      %lt3A_403 = arith.constant 125 : i32
      %lt3A_404 = arith.cmpi slt, %add3A_402, %lt3A_403 : i32
      %convert_element_type3A_405 = arith.extui %lt3A_404 : i1 to i32
      %cond3A_406 = arith.constant 0 : i32
      %cond3A_407 = arith.cmpi ne, %convert_element_type3A_405, %cond3A_406 : i32
      scf.if %cond3A_407 {
        %add3A_892 = arith.constant 2 : i32
        %add3A_893 = arith.addi %add3A_389, %add3A_892 : i32
        %mul3A_894 = arith.constant 80 : i32
        %mul3A_895 = arith.muli %add3A_893, %mul3A_894 : i32
        %add3A_896 = arith.addi %mul3A_2, %mul3A_895 : i32
        %dma_start3A_897 = arith.constant 2 : i32
        %dma_start3A_898 = arith.constant 2 : i32
        %dma_start3A_899 = arith.constant 0 : i32
        %dma_start3A_900 = arith.constant 0 : i32
        %dma_start3A_901 = tpu.memref_slice %arg12[%dma_start3A_897, %dma_start3A_899, %dma_start3A_900] : memref<4x80x128xf32, #tpu.memory_space<vmem>> -> memref<1x80x128xf32, #tpu.memory_space<vmem>>
        %dma_start3A_902 = tpu.memref_squeeze %dma_start3A_901 : memref<1x80x128xf32, #tpu.memory_space<vmem>> -> memref<80x128xf32, #tpu.memory_space<vmem>>
        %dma_start3A_903 = arith.constant 0 : i32
        %dma_start3A_904 = tpu.memref_slice %arg5[%add3A_896, %dma_start3A_903] : memref<320000x128xf32, #tpu.memory_space<hbm>> -> memref<80x128xf32, #tpu.memory_space<hbm>>
        %dma_start3A_905 = tpu.memref_slice %arg17[%dma_start3A_898] : memref<4x!tpu.dma_semaphore, #tpu.memory_space<semaphore_mem>> -> memref<1x!tpu.dma_semaphore, #tpu.memory_space<semaphore_mem>>
        %dma_start3A_906 = tpu.memref_squeeze %dma_start3A_905 : memref<1x!tpu.dma_semaphore, #tpu.memory_space<semaphore_mem>> -> memref<!tpu.dma_semaphore, #tpu.memory_space<semaphore_mem>>
        %dma_start3A_907 = arith.constant 0 : i32
        %dma_start3A_908 = arith.constant 0 : i32
        %dma_start3A_909 = tpu.memref_slice %arg12[%dma_start3A_897, %dma_start3A_907, %dma_start3A_908] : memref<4x80x128xf32, #tpu.memory_space<vmem>> -> memref<1x80x128xf32, #tpu.memory_space<vmem>>
        %dma_start3A_910 = tpu.memref_squeeze %dma_start3A_909 : memref<1x80x128xf32, #tpu.memory_space<vmem>> -> memref<80x128xf32, #tpu.memory_space<vmem>>
        %dma_start3A_911 = arith.constant 0 : i32
        %dma_start3A_912 = tpu.memref_slice %arg5[%add3A_896, %dma_start3A_911] : memref<320000x128xf32, #tpu.memory_space<hbm>> -> memref<80x128xf32, #tpu.memory_space<hbm>>
        tpu.enqueue_dma source(%dma_start3A_912 : memref<80x128xf32, #tpu.memory_space<hbm>>) target(%dma_start3A_910 : memref<80x128xf32, #tpu.memory_space<vmem>>) target_semaphore(%dma_start3A_906 : memref<!tpu.dma_semaphore, #tpu.memory_space<semaphore_mem>>)
      } else {
      }
      %add3A_408 = arith.constant 1 : i32
      %add3A_409 = arith.addi %add3A_389, %add3A_408 : i32
      %lt3A_410 = arith.constant 125 : i32
      %lt3A_411 = arith.cmpi slt, %add3A_409, %lt3A_410 : i32
      %convert_element_type3A_412 = arith.extui %lt3A_411 : i1 to i32
      %cond3A_413 = arith.constant 0 : i32
      %cond3A_414 = arith.cmpi ne, %convert_element_type3A_412, %cond3A_413 : i32
      scf.if %cond3A_414 {
        %add3A_892 = arith.constant 1 : i32
        %add3A_893 = arith.addi %add3A_389, %add3A_892 : i32
        %mul3A_894 = arith.constant 80 : i32
        %mul3A_895 = arith.muli %add3A_893, %mul3A_894 : i32
        %add3A_896 = arith.addi %mul3A_2, %mul3A_895 : i32
        %dma_wait3A_897 = arith.constant 1 : i32
        %dma_wait3A_898 = arith.constant 1 : i32
        %dma_wait3A_899 = arith.constant 0 : i32
        %dma_wait3A_900 = arith.constant 0 : i32
        %dma_wait3A_901 = tpu.memref_slice %arg12[%dma_wait3A_897, %dma_wait3A_899, %dma_wait3A_900] : memref<4x80x128xf32, #tpu.memory_space<vmem>> -> memref<1x80x128xf32, #tpu.memory_space<vmem>>
        %dma_wait3A_902 = tpu.memref_squeeze %dma_wait3A_901 : memref<1x80x128xf32, #tpu.memory_space<vmem>> -> memref<80x128xf32, #tpu.memory_space<vmem>>
        %dma_wait3A_903 = arith.constant 0 : i32
        %dma_wait3A_904 = tpu.memref_slice %arg5[%add3A_896, %dma_wait3A_903] : memref<320000x128xf32, #tpu.memory_space<hbm>> -> memref<80x128xf32, #tpu.memory_space<hbm>>
        %dma_wait3A_905 = tpu.memref_slice %arg17[%dma_wait3A_898] : memref<4x!tpu.dma_semaphore, #tpu.memory_space<semaphore_mem>> -> memref<1x!tpu.dma_semaphore, #tpu.memory_space<semaphore_mem>>
        %dma_wait3A_906 = tpu.memref_squeeze %dma_wait3A_905 : memref<1x!tpu.dma_semaphore, #tpu.memory_space<semaphore_mem>> -> memref<!tpu.dma_semaphore, #tpu.memory_space<semaphore_mem>>
        %dma_wait3A_907 = arith.constant 0 : i32
        %dma_wait3A_908 = arith.constant 0 : i32
        %dma_wait3A_909 = tpu.memref_slice %arg12[%dma_wait3A_897, %dma_wait3A_907, %dma_wait3A_908] : memref<4x80x128xf32, #tpu.memory_space<vmem>> -> memref<1x80x128xf32, #tpu.memory_space<vmem>>
        %dma_wait3A_910 = tpu.memref_squeeze %dma_wait3A_909 : memref<1x80x128xf32, #tpu.memory_space<vmem>> -> memref<80x128xf32, #tpu.memory_space<vmem>>
        %dma_wait3A_911 = arith.constant 0 : i32
        %dma_wait3A_912 = tpu.memref_slice %arg5[%add3A_896, %dma_wait3A_911] : memref<320000x128xf32, #tpu.memory_space<hbm>> -> memref<80x128xf32, #tpu.memory_space<hbm>>
        tpu.wait_dma2 semaphore(%dma_wait3A_906 : memref<!tpu.dma_semaphore, #tpu.memory_space<semaphore_mem>>) src(%dma_wait3A_912 : memref<80x128xf32, #tpu.memory_space<hbm>>) dst(%dma_wait3A_910 : memref<80x128xf32, #tpu.memory_space<vmem>>)
        %add3A_913 = arith.constant 1 : i32
        %add3A_914 = arith.addi %add3A_389, %add3A_913 : i32
        %mul3A_915 = arith.constant 80 : i32
        %mul3A_916 = arith.muli %add3A_914, %mul3A_915 : i32
        %add3A_917 = arith.addi %mul3A_2, %mul3A_916 : i32
        %jit3A_918 = arith.constant 4 : i32
        %eq3A_919 = arith.constant 0 : i32
        %eq3A_920 = arith.cmpi eq, %jit3A_918, %eq3A_919 : i32
        %jit3A_921 = arith.constant 1 : i32
        %select_n3A_922 = arith.select %eq3A_920, %jit3A_921, %jit3A_918 : i32
        %rem3A_923 = arith.remsi %add3A_914, %select_n3A_922 : i32
        %ne3A_924 = arith.constant 0 : i32
        %ne3A_925 = arith.cmpi ne, %rem3A_923, %ne3A_924 : i32
        %lt3A_926 = arith.constant 0 : i32
        %lt3A_927 = arith.cmpi slt, %rem3A_923, %lt3A_926 : i32
        %lt3A_928 = arith.constant 0 : i32
        %lt3A_929 = arith.cmpi slt, %select_n3A_922, %lt3A_928 : i32
        %ne3A_930 = arith.xori %lt3A_927, %lt3A_929 : i1
        %and3A_931 = arith.andi %ne3A_930, %ne3A_925 : i1
        %add3A_932 = arith.addi %rem3A_923, %select_n3A_922 : i32
        %select_n3A_933 = arith.select %and3A_931, %add3A_932, %rem3A_923 : i32
        %jit3A_934 = arith.constant 4 : i32
        %eq3A_935 = arith.constant 0 : i32
        %eq3A_936 = arith.cmpi eq, %jit3A_934, %eq3A_935 : i32
        %jit3A_937 = arith.constant 1 : i32
        %select_n3A_938 = arith.select %eq3A_936, %jit3A_937, %jit3A_934 : i32
        %rem3A_939 = arith.remsi %add3A_914, %select_n3A_938 : i32
        %ne3A_940 = arith.constant 0 : i32
        %ne3A_941 = arith.cmpi ne, %rem3A_939, %ne3A_940 : i32
        %lt3A_942 = arith.constant 0 : i32
        %lt3A_943 = arith.cmpi slt, %rem3A_939, %lt3A_942 : i32
        %lt3A_944 = arith.constant 0 : i32
        %lt3A_945 = arith.cmpi slt, %select_n3A_938, %lt3A_944 : i32
        %ne3A_946 = arith.xori %lt3A_943, %lt3A_945 : i1
        %and3A_947 = arith.andi %ne3A_946, %ne3A_941 : i1
        %add3A_948 = arith.addi %rem3A_939, %select_n3A_938 : i32
        %select_n3A_949 = arith.select %and3A_947, %add3A_948, %rem3A_939 : i32
        %dma_wait3A_950 = arith.constant 0 : i32
        %dma_wait3A_951 = tpu.memref_slice %arg10[%select_n3A_933, %dma_wait3A_950] : memref<4x80xi32, #tpu.memory_space<vmem>> -> memref<1x80xi32, #tpu.memory_space<vmem>>
        %dma_wait3A_952 = tpu.memref_squeeze %dma_wait3A_951 : memref<1x80xi32, #tpu.memory_space<vmem>> -> memref<80xi32, #tpu.memory_space<vmem>>
        %dma_wait3A_953 = tpu.memref_slice %arg3[%add3A_917] : memref<320000xi32, #tpu.memory_space<hbm>> -> memref<80xi32, #tpu.memory_space<hbm>>
        %dma_wait3A_954 = tpu.memref_slice %arg15[%select_n3A_949] : memref<4x!tpu.dma_semaphore, #tpu.memory_space<semaphore_mem>> -> memref<1x!tpu.dma_semaphore, #tpu.memory_space<semaphore_mem>>
        %dma_wait3A_955 = tpu.memref_squeeze %dma_wait3A_954 : memref<1x!tpu.dma_semaphore, #tpu.memory_space<semaphore_mem>> -> memref<!tpu.dma_semaphore, #tpu.memory_space<semaphore_mem>>
        %dma_wait3A_956 = arith.constant 0 : i32
        %dma_wait3A_957 = tpu.memref_slice %arg10[%select_n3A_933, %dma_wait3A_956] : memref<4x80xi32, #tpu.memory_space<vmem>> -> memref<1x80xi32, #tpu.memory_space<vmem>>
        %dma_wait3A_958 = tpu.memref_squeeze %dma_wait3A_957 : memref<1x80xi32, #tpu.memory_space<vmem>> -> memref<80xi32, #tpu.memory_space<vmem>>
        %dma_wait3A_959 = tpu.memref_slice %arg3[%add3A_917] : memref<320000xi32, #tpu.memory_space<hbm>> -> memref<80xi32, #tpu.memory_space<hbm>>
        tpu.wait_dma2 semaphore(%dma_wait3A_955 : memref<!tpu.dma_semaphore, #tpu.memory_space<semaphore_mem>>) src(%dma_wait3A_959 : memref<80xi32, #tpu.memory_space<hbm>>) dst(%dma_wait3A_958 : memref<80xi32, #tpu.memory_space<vmem>>)
        %add3A_960 = arith.constant 1 : i32
        %add3A_961 = arith.addi %add3A_389, %add3A_960 : i32
        %dma_start3A_962 = arith.constant 1 : i32
        %dma_start3A_963 = arith.constant 1 : i32
        %dma_start3A_964 = arith.constant 1 : i32
        %dma_start3A_965 = arith.constant 0 : i32
        %dma_start3A_966 = arith.constant 0 : i32
        %dma_start3A_967 = tpu.memref_slice %arg12[%dma_start3A_963, %dma_start3A_965, %dma_start3A_966] : memref<4x80x128xf32, #tpu.memory_space<vmem>> -> memref<1x80x128xf32, #tpu.memory_space<vmem>>
        %dma_start3A_968 = tpu.memref_squeeze %dma_start3A_967 : memref<1x80x128xf32, #tpu.memory_space<vmem>> -> memref<80x128xf32, #tpu.memory_space<vmem>>
        %dma_start3A_969 = arith.constant 0 : i32
        %dma_start3A_970 = tpu.memref_slice %arg10[%dma_start3A_962, %dma_start3A_969] : memref<4x80xi32, #tpu.memory_space<vmem>> -> memref<1x80xi32, #tpu.memory_space<vmem>>
        %dma_start3A_971 = tpu.memref_squeeze %dma_start3A_970 : memref<1x80xi32, #tpu.memory_space<vmem>> -> memref<80xi32, #tpu.memory_space<vmem>>
        %dma_start3A_972 = arith.constant 0 : i32
        %dma_start3A_973 = arith.constant 0 : i32
        %dma_start3A_974 = tpu.memref_slice %arg2[%dma_start3A_972, %dma_start3A_973] : memref<10000x128xf32, #tpu.memory_space<hbm>> -> memref<10000x128xf32, #tpu.memory_space<hbm>>
        %dma_start3A_975 = tpu.memref_slice %arg18[%dma_start3A_964] : memref<4x!tpu.dma_semaphore, #tpu.memory_space<semaphore_mem>> -> memref<1x!tpu.dma_semaphore, #tpu.memory_space<semaphore_mem>>
        %dma_start3A_976 = tpu.memref_squeeze %dma_start3A_975 : memref<1x!tpu.dma_semaphore, #tpu.memory_space<semaphore_mem>> -> memref<!tpu.dma_semaphore, #tpu.memory_space<semaphore_mem>>
        tpu.enqueue_indirect_dma source(%dma_start3A_974 : memref<10000x128xf32, #tpu.memory_space<hbm>>) target(%dma_start3A_968 : memref<80x128xf32, #tpu.memory_space<vmem>>) offsets(%dma_start3A_971 : memref<80xi32, #tpu.memory_space<vmem>>) semaphore(%dma_start3A_976 : memref<!tpu.dma_semaphore, #tpu.memory_space<semaphore_mem>>) {add = true}
      } else {
      }
      %dma_wait3A_415 = arith.constant 0 : i32
      %dma_wait3A_416 = arith.constant 0 : i32
      %dma_wait3A_417 = arith.constant 0 : i32
      %dma_wait3A_418 = arith.constant 0 : i32
      %dma_wait3A_419 = arith.constant 0 : i32
      %dma_wait3A_420 = tpu.memref_slice %arg12[%dma_wait3A_416, %dma_wait3A_418, %dma_wait3A_419] : memref<4x80x128xf32, #tpu.memory_space<vmem>> -> memref<1x80x128xf32, #tpu.memory_space<vmem>>
      %dma_wait3A_421 = tpu.memref_squeeze %dma_wait3A_420 : memref<1x80x128xf32, #tpu.memory_space<vmem>> -> memref<80x128xf32, #tpu.memory_space<vmem>>
      %dma_wait3A_422 = arith.constant 0 : i32
      %dma_wait3A_423 = tpu.memref_slice %arg10[%dma_wait3A_415, %dma_wait3A_422] : memref<4x80xi32, #tpu.memory_space<vmem>> -> memref<1x80xi32, #tpu.memory_space<vmem>>
      %dma_wait3A_424 = tpu.memref_squeeze %dma_wait3A_423 : memref<1x80xi32, #tpu.memory_space<vmem>> -> memref<80xi32, #tpu.memory_space<vmem>>
      %dma_wait3A_425 = arith.constant 0 : i32
      %dma_wait3A_426 = arith.constant 0 : i32
      %dma_wait3A_427 = tpu.memref_slice %arg2[%dma_wait3A_425, %dma_wait3A_426] : memref<10000x128xf32, #tpu.memory_space<hbm>> -> memref<10000x128xf32, #tpu.memory_space<hbm>>
      %dma_wait3A_428 = tpu.memref_slice %arg18[%dma_wait3A_417] : memref<4x!tpu.dma_semaphore, #tpu.memory_space<semaphore_mem>> -> memref<1x!tpu.dma_semaphore, #tpu.memory_space<semaphore_mem>>
      %dma_wait3A_429 = tpu.memref_squeeze %dma_wait3A_428 : memref<1x!tpu.dma_semaphore, #tpu.memory_space<semaphore_mem>> -> memref<!tpu.dma_semaphore, #tpu.memory_space<semaphore_mem>>
      tpu.wait_indirect_dma semaphore(%dma_wait3A_429 : memref<!tpu.dma_semaphore, #tpu.memory_space<semaphore_mem>>) src(%dma_wait3A_427 : memref<10000x128xf32, #tpu.memory_space<hbm>>) dst(%dma_wait3A_421 : memref<80x128xf32, #tpu.memory_space<vmem>>)
      %mul3A_430 = arith.constant 80 : i32
      %mul3A_431 = arith.muli %add3A_389, %mul3A_430 : i32
      %add3A_432 = arith.addi %mul3A_2, %mul3A_431 : i32
      %jit3A = arith.constant 8 : i32
      %eq3A_433 = arith.constant 0 : i32
      %eq3A_434 = arith.cmpi eq, %jit3A, %eq3A_433 : i32
      %jit3A_435 = arith.constant 1 : i32
      %select_n3A = arith.select %eq3A_434, %jit3A_435, %jit3A : i32
      %rem3A = arith.remsi %add3A_389, %select_n3A : i32
      %ne3A = arith.constant 0 : i32
      %ne3A_436 = arith.cmpi ne, %rem3A, %ne3A : i32
      %lt3A_437 = arith.constant 0 : i32
      %lt3A_438 = arith.cmpi slt, %rem3A, %lt3A_437 : i32
      %lt3A_439 = arith.constant 0 : i32
      %lt3A_440 = arith.cmpi slt, %select_n3A, %lt3A_439 : i32
      %ne3A_441 = arith.xori %lt3A_438, %lt3A_440 : i1
      %and3A = arith.andi %ne3A_441, %ne3A_436 : i1
      %add3A_442 = arith.addi %rem3A, %select_n3A : i32
      %select_n3A_443 = arith.select %and3A, %add3A_442, %rem3A : i32
      %jit3A_444 = arith.constant 8 : i32
      %eq3A_445 = arith.constant 0 : i32
      %eq3A_446 = arith.cmpi eq, %jit3A_444, %eq3A_445 : i32
      %jit3A_447 = arith.constant 1 : i32
      %select_n3A_448 = arith.select %eq3A_446, %jit3A_447, %jit3A_444 : i32
      %rem3A_449 = arith.remsi %add3A_389, %select_n3A_448 : i32
      %ne3A_450 = arith.constant 0 : i32
      %ne3A_451 = arith.cmpi ne, %rem3A_449, %ne3A_450 : i32
      %lt3A_452 = arith.constant 0 : i32
      %lt3A_453 = arith.cmpi slt, %rem3A_449, %lt3A_452 : i32
      %lt3A_454 = arith.constant 0 : i32
      %lt3A_455 = arith.cmpi slt, %select_n3A_448, %lt3A_454 : i32
      %ne3A_456 = arith.xori %lt3A_453, %lt3A_455 : i1
      %and3A_457 = arith.andi %ne3A_456, %ne3A_451 : i1
      %add3A_458 = arith.addi %rem3A_449, %select_n3A_448 : i32
      %select_n3A_459 = arith.select %and3A_457, %add3A_458, %rem3A_449 : i32
      %dma_wait3A_460 = arith.constant 0 : i32
      %dma_wait3A_461 = tpu.memref_slice %arg11[%select_n3A_443, %dma_wait3A_460] : memref<8x80xi32, #tpu.memory_space<vmem>> -> memref<1x80xi32, #tpu.memory_space<vmem>>
      %dma_wait3A_462 = tpu.memref_squeeze %dma_wait3A_461 : memref<1x80xi32, #tpu.memory_space<vmem>> -> memref<80xi32, #tpu.memory_space<vmem>>
      %dma_wait3A_463 = tpu.memref_slice %arg4[%add3A_432] : memref<320000xi32, #tpu.memory_space<hbm>> -> memref<80xi32, #tpu.memory_space<hbm>>
      %dma_wait3A_464 = tpu.memref_slice %arg16[%select_n3A_459] : memref<8x!tpu.dma_semaphore, #tpu.memory_space<semaphore_mem>> -> memref<1x!tpu.dma_semaphore, #tpu.memory_space<semaphore_mem>>
      %dma_wait3A_465 = tpu.memref_squeeze %dma_wait3A_464 : memref<1x!tpu.dma_semaphore, #tpu.memory_space<semaphore_mem>> -> memref<!tpu.dma_semaphore, #tpu.memory_space<semaphore_mem>>
      %dma_wait3A_466 = arith.constant 0 : i32
      %dma_wait3A_467 = tpu.memref_slice %arg11[%select_n3A_443, %dma_wait3A_466] : memref<8x80xi32, #tpu.memory_space<vmem>> -> memref<1x80xi32, #tpu.memory_space<vmem>>
      %dma_wait3A_468 = tpu.memref_squeeze %dma_wait3A_467 : memref<1x80xi32, #tpu.memory_space<vmem>> -> memref<80xi32, #tpu.memory_space<vmem>>
      %dma_wait3A_469 = tpu.memref_slice %arg4[%add3A_432] : memref<320000xi32, #tpu.memory_space<hbm>> -> memref<80xi32, #tpu.memory_space<hbm>>
      tpu.wait_dma2 semaphore(%dma_wait3A_465 : memref<!tpu.dma_semaphore, #tpu.memory_space<semaphore_mem>>) src(%dma_wait3A_469 : memref<80xi32, #tpu.memory_space<hbm>>) dst(%dma_wait3A_468 : memref<80xi32, #tpu.memory_space<vmem>>)
      %jit3A_470 = arith.constant 8 : i32
      %eq3A_471 = arith.constant 0 : i32
      %eq3A_472 = arith.cmpi eq, %jit3A_470, %eq3A_471 : i32
      %jit3A_473 = arith.constant 1 : i32
      %select_n3A_474 = arith.select %eq3A_472, %jit3A_473, %jit3A_470 : i32
      %rem3A_475 = arith.remsi %add3A_389, %select_n3A_474 : i32
      %ne3A_476 = arith.constant 0 : i32
      %ne3A_477 = arith.cmpi ne, %rem3A_475, %ne3A_476 : i32
      %lt3A_478 = arith.constant 0 : i32
      %lt3A_479 = arith.cmpi slt, %rem3A_475, %lt3A_478 : i32
      %lt3A_480 = arith.constant 0 : i32
      %lt3A_481 = arith.cmpi slt, %select_n3A_474, %lt3A_480 : i32
      %ne3A_482 = arith.xori %lt3A_479, %lt3A_481 : i1
      %and3A_483 = arith.andi %ne3A_482, %ne3A_477 : i1
      %add3A_484 = arith.addi %rem3A_475, %select_n3A_474 : i32
      %select_n3A_485 = arith.select %and3A_483, %add3A_484, %rem3A_475 : i32
      %dma_start3A_486 = arith.constant 0 : i32
      %dma_start3A_487 = arith.constant 0 : i32
      %dma_start3A_488 = arith.constant 0 : i32
      %dma_start3A_489 = arith.constant 0 : i32
      %dma_start3A_490 = tpu.memref_slice %arg12[%dma_start3A_486, %dma_start3A_488, %dma_start3A_489] : memref<4x80x128xf32, #tpu.memory_space<vmem>> -> memref<1x80x128xf32, #tpu.memory_space<vmem>>
      %dma_start3A_491 = tpu.memref_squeeze %dma_start3A_490 : memref<1x80x128xf32, #tpu.memory_space<vmem>> -> memref<80x128xf32, #tpu.memory_space<vmem>>
      %dma_start3A_492 = arith.constant 0 : i32
      %dma_start3A_493 = tpu.memref_slice %arg11[%select_n3A_485, %dma_start3A_492] : memref<8x80xi32, #tpu.memory_space<vmem>> -> memref<1x80xi32, #tpu.memory_space<vmem>>
      %dma_start3A_494 = tpu.memref_squeeze %dma_start3A_493 : memref<1x80xi32, #tpu.memory_space<vmem>> -> memref<80xi32, #tpu.memory_space<vmem>>
      %dma_start3A_495 = arith.constant 0 : i32
      %dma_start3A_496 = arith.constant 0 : i32
      %dma_start3A_497 = tpu.memref_slice %arg8[%dma_start3A_495, %dma_start3A_496] : memref<10240x128xf32, #tpu.memory_space<vmem_shared>> -> memref<10240x128xf32, #tpu.memory_space<vmem_shared>>
      %dma_start3A_498 = tpu.memref_slice %arg19[%dma_start3A_487] : memref<4x!tpu.dma_semaphore, #tpu.memory_space<semaphore_mem>> -> memref<1x!tpu.dma_semaphore, #tpu.memory_space<semaphore_mem>>
      %dma_start3A_499 = tpu.memref_squeeze %dma_start3A_498 : memref<1x!tpu.dma_semaphore, #tpu.memory_space<semaphore_mem>> -> memref<!tpu.dma_semaphore, #tpu.memory_space<semaphore_mem>>
      tpu.enqueue_indirect_dma source(%dma_start3A_491 : memref<80x128xf32, #tpu.memory_space<vmem>>) target(%dma_start3A_497 : memref<10240x128xf32, #tpu.memory_space<vmem_shared>>) offsets(%dma_start3A_494 : memref<80xi32, #tpu.memory_space<vmem>>) semaphore(%dma_start3A_499 : memref<!tpu.dma_semaphore, #tpu.memory_space<semaphore_mem>>) {add = true}
      %dma_start3A_500 = arith.constant 0 : i32
      %dma_start3A_501 = arith.constant 0 : i32
      %dma_start3A_502 = tpu.memref_slice %arg11[%select_n3A_485, %dma_start3A_501] : memref<8x80xi32, #tpu.memory_space<vmem>> -> memref<1x80xi32, #tpu.memory_space<vmem>>
      %dma_start3A_503 = tpu.memref_squeeze %dma_start3A_502 : memref<1x80xi32, #tpu.memory_space<vmem>> -> memref<80xi32, #tpu.memory_space<vmem>>
      %dma_start3A_504 = arith.constant 0 : i32
      %dma_start3A_505 = tpu.memref_slice %arg9[%dma_start3A_504] : memref<10240xf32, #tpu.memory_space<vmem_shared>> -> memref<10240xf32, #tpu.memory_space<vmem_shared>>
      %dma_start3A_506 = tpu.memref_slice %arg19[%dma_start3A_500] : memref<4x!tpu.dma_semaphore, #tpu.memory_space<semaphore_mem>> -> memref<1x!tpu.dma_semaphore, #tpu.memory_space<semaphore_mem>>
      %dma_start3A_507 = tpu.memref_squeeze %dma_start3A_506 : memref<1x!tpu.dma_semaphore, #tpu.memory_space<semaphore_mem>> -> memref<!tpu.dma_semaphore, #tpu.memory_space<semaphore_mem>>
      tpu.enqueue_indirect_dma source(%arg13 : memref<80xf32, #tpu.memory_space<vmem>>) target(%dma_start3A_505 : memref<10240xf32, #tpu.memory_space<vmem_shared>>) offsets(%dma_start3A_503 : memref<80xi32, #tpu.memory_space<vmem>>) semaphore(%dma_start3A_507 : memref<!tpu.dma_semaphore, #tpu.memory_space<semaphore_mem>>) {add = true}
      %mul3A_508 = arith.constant 4 : i32
      %mul3A_509 = arith.muli %scan3A_385, %mul3A_508 : i32
      %add3A_510 = arith.constant 1 : i32
      %add3A_511 = arith.addi %mul3A_509, %add3A_510 : i32
      %ge3A_512 = arith.constant 2 : i32
      %ge3A_513 = arith.cmpi sge, %add3A_511, %ge3A_512 : i32
      %convert_element_type3A_514 = arith.extui %ge3A_513 : i1 to i32
      %cond3A_515 = arith.constant 0 : i32
      %cond3A_516 = arith.cmpi ne, %convert_element_type3A_514, %cond3A_515 : i32
      scf.if %cond3A_516 {
        %sub3A = arith.constant 2 : i32
        %sub3A_892 = arith.subi %add3A_511, %sub3A : i32
        %sub3A_893 = arith.constant 2 : i32
        %sub3A_894 = arith.subi %add3A_511, %sub3A_893 : i32
        %jit3A_895 = arith.constant 8 : i32
        %eq3A_896 = arith.constant 0 : i32
        %eq3A_897 = arith.cmpi eq, %jit3A_895, %eq3A_896 : i32
        %jit3A_898 = arith.constant 1 : i32
        %select_n3A_899 = arith.select %eq3A_897, %jit3A_898, %jit3A_895 : i32
        %rem3A_900 = arith.remsi %sub3A_894, %select_n3A_899 : i32
        %ne3A_901 = arith.constant 0 : i32
        %ne3A_902 = arith.cmpi ne, %rem3A_900, %ne3A_901 : i32
        %lt3A_903 = arith.constant 0 : i32
        %lt3A_904 = arith.cmpi slt, %rem3A_900, %lt3A_903 : i32
        %lt3A_905 = arith.constant 0 : i32
        %lt3A_906 = arith.cmpi slt, %select_n3A_899, %lt3A_905 : i32
        %ne3A_907 = arith.xori %lt3A_904, %lt3A_906 : i1
        %and3A_908 = arith.andi %ne3A_907, %ne3A_902 : i1
        %add3A_909 = arith.addi %rem3A_900, %select_n3A_899 : i32
        %select_n3A_910 = arith.select %and3A_908, %add3A_909, %rem3A_900 : i32
        %dma_wait3A_911 = arith.constant 3 : i32
        %dma_wait3A_912 = arith.constant 3 : i32
        %dma_wait3A_913 = arith.constant 0 : i32
        %dma_wait3A_914 = arith.constant 0 : i32
        %dma_wait3A_915 = tpu.memref_slice %arg12[%dma_wait3A_911, %dma_wait3A_913, %dma_wait3A_914] : memref<4x80x128xf32, #tpu.memory_space<vmem>> -> memref<1x80x128xf32, #tpu.memory_space<vmem>>
        %dma_wait3A_916 = tpu.memref_squeeze %dma_wait3A_915 : memref<1x80x128xf32, #tpu.memory_space<vmem>> -> memref<80x128xf32, #tpu.memory_space<vmem>>
        %dma_wait3A_917 = arith.constant 0 : i32
        %dma_wait3A_918 = tpu.memref_slice %arg11[%select_n3A_910, %dma_wait3A_917] : memref<8x80xi32, #tpu.memory_space<vmem>> -> memref<1x80xi32, #tpu.memory_space<vmem>>
        %dma_wait3A_919 = tpu.memref_squeeze %dma_wait3A_918 : memref<1x80xi32, #tpu.memory_space<vmem>> -> memref<80xi32, #tpu.memory_space<vmem>>
        %dma_wait3A_920 = arith.constant 0 : i32
        %dma_wait3A_921 = arith.constant 0 : i32
        %dma_wait3A_922 = tpu.memref_slice %arg8[%dma_wait3A_920, %dma_wait3A_921] : memref<10240x128xf32, #tpu.memory_space<vmem_shared>> -> memref<10240x128xf32, #tpu.memory_space<vmem_shared>>
        %dma_wait3A_923 = tpu.memref_slice %arg19[%dma_wait3A_912] : memref<4x!tpu.dma_semaphore, #tpu.memory_space<semaphore_mem>> -> memref<1x!tpu.dma_semaphore, #tpu.memory_space<semaphore_mem>>
        %dma_wait3A_924 = tpu.memref_squeeze %dma_wait3A_923 : memref<1x!tpu.dma_semaphore, #tpu.memory_space<semaphore_mem>> -> memref<!tpu.dma_semaphore, #tpu.memory_space<semaphore_mem>>
        tpu.wait_indirect_dma semaphore(%dma_wait3A_924 : memref<!tpu.dma_semaphore, #tpu.memory_space<semaphore_mem>>) src(%dma_wait3A_916 : memref<80x128xf32, #tpu.memory_space<vmem>>) dst(%dma_wait3A_922 : memref<10240x128xf32, #tpu.memory_space<vmem_shared>>)
        %dma_wait3A_925 = arith.constant 3 : i32
        %dma_wait3A_926 = arith.constant 0 : i32
        %dma_wait3A_927 = tpu.memref_slice %arg11[%select_n3A_910, %dma_wait3A_926] : memref<8x80xi32, #tpu.memory_space<vmem>> -> memref<1x80xi32, #tpu.memory_space<vmem>>
        %dma_wait3A_928 = tpu.memref_squeeze %dma_wait3A_927 : memref<1x80xi32, #tpu.memory_space<vmem>> -> memref<80xi32, #tpu.memory_space<vmem>>
        %dma_wait3A_929 = arith.constant 0 : i32
        %dma_wait3A_930 = tpu.memref_slice %arg9[%dma_wait3A_929] : memref<10240xf32, #tpu.memory_space<vmem_shared>> -> memref<10240xf32, #tpu.memory_space<vmem_shared>>
        %dma_wait3A_931 = tpu.memref_slice %arg19[%dma_wait3A_925] : memref<4x!tpu.dma_semaphore, #tpu.memory_space<semaphore_mem>> -> memref<1x!tpu.dma_semaphore, #tpu.memory_space<semaphore_mem>>
        %dma_wait3A_932 = tpu.memref_squeeze %dma_wait3A_931 : memref<1x!tpu.dma_semaphore, #tpu.memory_space<semaphore_mem>> -> memref<!tpu.dma_semaphore, #tpu.memory_space<semaphore_mem>>
        tpu.wait_indirect_dma semaphore(%dma_wait3A_932 : memref<!tpu.dma_semaphore, #tpu.memory_space<semaphore_mem>>) src(%arg13 : memref<80xf32, #tpu.memory_space<vmem>>) dst(%dma_wait3A_930 : memref<10240xf32, #tpu.memory_space<vmem_shared>>)
      } else {
      }
      %add3A_517 = arith.constant 3 : i32
      %add3A_518 = arith.addi %add3A_511, %add3A_517 : i32
      %lt3A_519 = arith.constant 125 : i32
      %lt3A_520 = arith.cmpi slt, %add3A_518, %lt3A_519 : i32
      %convert_element_type3A_521 = arith.extui %lt3A_520 : i1 to i32
      %cond3A_522 = arith.constant 0 : i32
      %cond3A_523 = arith.cmpi ne, %convert_element_type3A_521, %cond3A_522 : i32
      scf.if %cond3A_523 {
        %add3A_892 = arith.constant 3 : i32
        %add3A_893 = arith.addi %add3A_511, %add3A_892 : i32
        %mul3A_894 = arith.constant 80 : i32
        %mul3A_895 = arith.muli %add3A_893, %mul3A_894 : i32
        %add3A_896 = arith.addi %mul3A_2, %mul3A_895 : i32
        %jit3A_897 = arith.constant 4 : i32
        %eq3A_898 = arith.constant 0 : i32
        %eq3A_899 = arith.cmpi eq, %jit3A_897, %eq3A_898 : i32
        %jit3A_900 = arith.constant 1 : i32
        %select_n3A_901 = arith.select %eq3A_899, %jit3A_900, %jit3A_897 : i32
        %rem3A_902 = arith.remsi %add3A_893, %select_n3A_901 : i32
        %ne3A_903 = arith.constant 0 : i32
        %ne3A_904 = arith.cmpi ne, %rem3A_902, %ne3A_903 : i32
        %lt3A_905 = arith.constant 0 : i32
        %lt3A_906 = arith.cmpi slt, %rem3A_902, %lt3A_905 : i32
        %lt3A_907 = arith.constant 0 : i32
        %lt3A_908 = arith.cmpi slt, %select_n3A_901, %lt3A_907 : i32
        %ne3A_909 = arith.xori %lt3A_906, %lt3A_908 : i1
        %and3A_910 = arith.andi %ne3A_909, %ne3A_904 : i1
        %add3A_911 = arith.addi %rem3A_902, %select_n3A_901 : i32
        %select_n3A_912 = arith.select %and3A_910, %add3A_911, %rem3A_902 : i32
        %jit3A_913 = arith.constant 4 : i32
        %eq3A_914 = arith.constant 0 : i32
        %eq3A_915 = arith.cmpi eq, %jit3A_913, %eq3A_914 : i32
        %jit3A_916 = arith.constant 1 : i32
        %select_n3A_917 = arith.select %eq3A_915, %jit3A_916, %jit3A_913 : i32
        %rem3A_918 = arith.remsi %add3A_893, %select_n3A_917 : i32
        %ne3A_919 = arith.constant 0 : i32
        %ne3A_920 = arith.cmpi ne, %rem3A_918, %ne3A_919 : i32
        %lt3A_921 = arith.constant 0 : i32
        %lt3A_922 = arith.cmpi slt, %rem3A_918, %lt3A_921 : i32
        %lt3A_923 = arith.constant 0 : i32
        %lt3A_924 = arith.cmpi slt, %select_n3A_917, %lt3A_923 : i32
        %ne3A_925 = arith.xori %lt3A_922, %lt3A_924 : i1
        %and3A_926 = arith.andi %ne3A_925, %ne3A_920 : i1
        %add3A_927 = arith.addi %rem3A_918, %select_n3A_917 : i32
        %select_n3A_928 = arith.select %and3A_926, %add3A_927, %rem3A_918 : i32
        %dma_start3A_929 = arith.constant 0 : i32
        %dma_start3A_930 = tpu.memref_slice %arg10[%select_n3A_912, %dma_start3A_929] : memref<4x80xi32, #tpu.memory_space<vmem>> -> memref<1x80xi32, #tpu.memory_space<vmem>>
        %dma_start3A_931 = tpu.memref_squeeze %dma_start3A_930 : memref<1x80xi32, #tpu.memory_space<vmem>> -> memref<80xi32, #tpu.memory_space<vmem>>
        %dma_start3A_932 = tpu.memref_slice %arg3[%add3A_896] : memref<320000xi32, #tpu.memory_space<hbm>> -> memref<80xi32, #tpu.memory_space<hbm>>
        %dma_start3A_933 = tpu.memref_slice %arg15[%select_n3A_928] : memref<4x!tpu.dma_semaphore, #tpu.memory_space<semaphore_mem>> -> memref<1x!tpu.dma_semaphore, #tpu.memory_space<semaphore_mem>>
        %dma_start3A_934 = tpu.memref_squeeze %dma_start3A_933 : memref<1x!tpu.dma_semaphore, #tpu.memory_space<semaphore_mem>> -> memref<!tpu.dma_semaphore, #tpu.memory_space<semaphore_mem>>
        %dma_start3A_935 = arith.constant 0 : i32
        %dma_start3A_936 = tpu.memref_slice %arg10[%select_n3A_912, %dma_start3A_935] : memref<4x80xi32, #tpu.memory_space<vmem>> -> memref<1x80xi32, #tpu.memory_space<vmem>>
        %dma_start3A_937 = tpu.memref_squeeze %dma_start3A_936 : memref<1x80xi32, #tpu.memory_space<vmem>> -> memref<80xi32, #tpu.memory_space<vmem>>
        %dma_start3A_938 = tpu.memref_slice %arg3[%add3A_896] : memref<320000xi32, #tpu.memory_space<hbm>> -> memref<80xi32, #tpu.memory_space<hbm>>
        tpu.enqueue_dma source(%dma_start3A_938 : memref<80xi32, #tpu.memory_space<hbm>>) target(%dma_start3A_937 : memref<80xi32, #tpu.memory_space<vmem>>) target_semaphore(%dma_start3A_934 : memref<!tpu.dma_semaphore, #tpu.memory_space<semaphore_mem>>)
        %add3A_939 = arith.constant 3 : i32
        %add3A_940 = arith.addi %add3A_511, %add3A_939 : i32
        %mul3A_941 = arith.constant 80 : i32
        %mul3A_942 = arith.muli %add3A_940, %mul3A_941 : i32
        %add3A_943 = arith.addi %mul3A_2, %mul3A_942 : i32
        %jit3A_944 = arith.constant 8 : i32
        %eq3A_945 = arith.constant 0 : i32
        %eq3A_946 = arith.cmpi eq, %jit3A_944, %eq3A_945 : i32
        %jit3A_947 = arith.constant 1 : i32
        %select_n3A_948 = arith.select %eq3A_946, %jit3A_947, %jit3A_944 : i32
        %rem3A_949 = arith.remsi %add3A_940, %select_n3A_948 : i32
        %ne3A_950 = arith.constant 0 : i32
        %ne3A_951 = arith.cmpi ne, %rem3A_949, %ne3A_950 : i32
        %lt3A_952 = arith.constant 0 : i32
        %lt3A_953 = arith.cmpi slt, %rem3A_949, %lt3A_952 : i32
        %lt3A_954 = arith.constant 0 : i32
        %lt3A_955 = arith.cmpi slt, %select_n3A_948, %lt3A_954 : i32
        %ne3A_956 = arith.xori %lt3A_953, %lt3A_955 : i1
        %and3A_957 = arith.andi %ne3A_956, %ne3A_951 : i1
        %add3A_958 = arith.addi %rem3A_949, %select_n3A_948 : i32
        %select_n3A_959 = arith.select %and3A_957, %add3A_958, %rem3A_949 : i32
        %jit3A_960 = arith.constant 8 : i32
        %eq3A_961 = arith.constant 0 : i32
        %eq3A_962 = arith.cmpi eq, %jit3A_960, %eq3A_961 : i32
        %jit3A_963 = arith.constant 1 : i32
        %select_n3A_964 = arith.select %eq3A_962, %jit3A_963, %jit3A_960 : i32
        %rem3A_965 = arith.remsi %add3A_940, %select_n3A_964 : i32
        %ne3A_966 = arith.constant 0 : i32
        %ne3A_967 = arith.cmpi ne, %rem3A_965, %ne3A_966 : i32
        %lt3A_968 = arith.constant 0 : i32
        %lt3A_969 = arith.cmpi slt, %rem3A_965, %lt3A_968 : i32
        %lt3A_970 = arith.constant 0 : i32
        %lt3A_971 = arith.cmpi slt, %select_n3A_964, %lt3A_970 : i32
        %ne3A_972 = arith.xori %lt3A_969, %lt3A_971 : i1
        %and3A_973 = arith.andi %ne3A_972, %ne3A_967 : i1
        %add3A_974 = arith.addi %rem3A_965, %select_n3A_964 : i32
        %select_n3A_975 = arith.select %and3A_973, %add3A_974, %rem3A_965 : i32
        %dma_start3A_976 = arith.constant 0 : i32
        %dma_start3A_977 = tpu.memref_slice %arg11[%select_n3A_959, %dma_start3A_976] : memref<8x80xi32, #tpu.memory_space<vmem>> -> memref<1x80xi32, #tpu.memory_space<vmem>>
        %dma_start3A_978 = tpu.memref_squeeze %dma_start3A_977 : memref<1x80xi32, #tpu.memory_space<vmem>> -> memref<80xi32, #tpu.memory_space<vmem>>
        %dma_start3A_979 = tpu.memref_slice %arg4[%add3A_943] : memref<320000xi32, #tpu.memory_space<hbm>> -> memref<80xi32, #tpu.memory_space<hbm>>
        %dma_start3A_980 = tpu.memref_slice %arg16[%select_n3A_975] : memref<8x!tpu.dma_semaphore, #tpu.memory_space<semaphore_mem>> -> memref<1x!tpu.dma_semaphore, #tpu.memory_space<semaphore_mem>>
        %dma_start3A_981 = tpu.memref_squeeze %dma_start3A_980 : memref<1x!tpu.dma_semaphore, #tpu.memory_space<semaphore_mem>> -> memref<!tpu.dma_semaphore, #tpu.memory_space<semaphore_mem>>
        %dma_start3A_982 = arith.constant 0 : i32
        %dma_start3A_983 = tpu.memref_slice %arg11[%select_n3A_959, %dma_start3A_982] : memref<8x80xi32, #tpu.memory_space<vmem>> -> memref<1x80xi32, #tpu.memory_space<vmem>>
        %dma_start3A_984 = tpu.memref_squeeze %dma_start3A_983 : memref<1x80xi32, #tpu.memory_space<vmem>> -> memref<80xi32, #tpu.memory_space<vmem>>
        %dma_start3A_985 = tpu.memref_slice %arg4[%add3A_943] : memref<320000xi32, #tpu.memory_space<hbm>> -> memref<80xi32, #tpu.memory_space<hbm>>
        tpu.enqueue_dma source(%dma_start3A_985 : memref<80xi32, #tpu.memory_space<hbm>>) target(%dma_start3A_984 : memref<80xi32, #tpu.memory_space<vmem>>) target_semaphore(%dma_start3A_981 : memref<!tpu.dma_semaphore, #tpu.memory_space<semaphore_mem>>)
      } else {
      }
      %add3A_524 = arith.constant 2 : i32
      %add3A_525 = arith.addi %add3A_511, %add3A_524 : i32
      %lt3A_526 = arith.constant 125 : i32
      %lt3A_527 = arith.cmpi slt, %add3A_525, %lt3A_526 : i32
      %convert_element_type3A_528 = arith.extui %lt3A_527 : i1 to i32
      %cond3A_529 = arith.constant 0 : i32
      %cond3A_530 = arith.cmpi ne, %convert_element_type3A_528, %cond3A_529 : i32
      scf.if %cond3A_530 {
        %add3A_892 = arith.constant 2 : i32
        %add3A_893 = arith.addi %add3A_511, %add3A_892 : i32
        %mul3A_894 = arith.constant 80 : i32
        %mul3A_895 = arith.muli %add3A_893, %mul3A_894 : i32
        %add3A_896 = arith.addi %mul3A_2, %mul3A_895 : i32
        %dma_start3A_897 = arith.constant 3 : i32
        %dma_start3A_898 = arith.constant 3 : i32
        %dma_start3A_899 = arith.constant 0 : i32
        %dma_start3A_900 = arith.constant 0 : i32
        %dma_start3A_901 = tpu.memref_slice %arg12[%dma_start3A_897, %dma_start3A_899, %dma_start3A_900] : memref<4x80x128xf32, #tpu.memory_space<vmem>> -> memref<1x80x128xf32, #tpu.memory_space<vmem>>
        %dma_start3A_902 = tpu.memref_squeeze %dma_start3A_901 : memref<1x80x128xf32, #tpu.memory_space<vmem>> -> memref<80x128xf32, #tpu.memory_space<vmem>>
        %dma_start3A_903 = arith.constant 0 : i32
        %dma_start3A_904 = tpu.memref_slice %arg5[%add3A_896, %dma_start3A_903] : memref<320000x128xf32, #tpu.memory_space<hbm>> -> memref<80x128xf32, #tpu.memory_space<hbm>>
        %dma_start3A_905 = tpu.memref_slice %arg17[%dma_start3A_898] : memref<4x!tpu.dma_semaphore, #tpu.memory_space<semaphore_mem>> -> memref<1x!tpu.dma_semaphore, #tpu.memory_space<semaphore_mem>>
        %dma_start3A_906 = tpu.memref_squeeze %dma_start3A_905 : memref<1x!tpu.dma_semaphore, #tpu.memory_space<semaphore_mem>> -> memref<!tpu.dma_semaphore, #tpu.memory_space<semaphore_mem>>
        %dma_start3A_907 = arith.constant 0 : i32
        %dma_start3A_908 = arith.constant 0 : i32
        %dma_start3A_909 = tpu.memref_slice %arg12[%dma_start3A_897, %dma_start3A_907, %dma_start3A_908] : memref<4x80x128xf32, #tpu.memory_space<vmem>> -> memref<1x80x128xf32, #tpu.memory_space<vmem>>
        %dma_start3A_910 = tpu.memref_squeeze %dma_start3A_909 : memref<1x80x128xf32, #tpu.memory_space<vmem>> -> memref<80x128xf32, #tpu.memory_space<vmem>>
        %dma_start3A_911 = arith.constant 0 : i32
        %dma_start3A_912 = tpu.memref_slice %arg5[%add3A_896, %dma_start3A_911] : memref<320000x128xf32, #tpu.memory_space<hbm>> -> memref<80x128xf32, #tpu.memory_space<hbm>>
        tpu.enqueue_dma source(%dma_start3A_912 : memref<80x128xf32, #tpu.memory_space<hbm>>) target(%dma_start3A_910 : memref<80x128xf32, #tpu.memory_space<vmem>>) target_semaphore(%dma_start3A_906 : memref<!tpu.dma_semaphore, #tpu.memory_space<semaphore_mem>>)
      } else {
      }
      %add3A_531 = arith.constant 1 : i32
      %add3A_532 = arith.addi %add3A_511, %add3A_531 : i32
      %lt3A_533 = arith.constant 125 : i32
      %lt3A_534 = arith.cmpi slt, %add3A_532, %lt3A_533 : i32
      %convert_element_type3A_535 = arith.extui %lt3A_534 : i1 to i32
      %cond3A_536 = arith.constant 0 : i32
      %cond3A_537 = arith.cmpi ne, %convert_element_type3A_535, %cond3A_536 : i32
      scf.if %cond3A_537 {
        %add3A_892 = arith.constant 1 : i32
        %add3A_893 = arith.addi %add3A_511, %add3A_892 : i32
        %mul3A_894 = arith.constant 80 : i32
        %mul3A_895 = arith.muli %add3A_893, %mul3A_894 : i32
        %add3A_896 = arith.addi %mul3A_2, %mul3A_895 : i32
        %dma_wait3A_897 = arith.constant 2 : i32
        %dma_wait3A_898 = arith.constant 2 : i32
        %dma_wait3A_899 = arith.constant 0 : i32
        %dma_wait3A_900 = arith.constant 0 : i32
        %dma_wait3A_901 = tpu.memref_slice %arg12[%dma_wait3A_897, %dma_wait3A_899, %dma_wait3A_900] : memref<4x80x128xf32, #tpu.memory_space<vmem>> -> memref<1x80x128xf32, #tpu.memory_space<vmem>>
        %dma_wait3A_902 = tpu.memref_squeeze %dma_wait3A_901 : memref<1x80x128xf32, #tpu.memory_space<vmem>> -> memref<80x128xf32, #tpu.memory_space<vmem>>
        %dma_wait3A_903 = arith.constant 0 : i32
        %dma_wait3A_904 = tpu.memref_slice %arg5[%add3A_896, %dma_wait3A_903] : memref<320000x128xf32, #tpu.memory_space<hbm>> -> memref<80x128xf32, #tpu.memory_space<hbm>>
        %dma_wait3A_905 = tpu.memref_slice %arg17[%dma_wait3A_898] : memref<4x!tpu.dma_semaphore, #tpu.memory_space<semaphore_mem>> -> memref<1x!tpu.dma_semaphore, #tpu.memory_space<semaphore_mem>>
        %dma_wait3A_906 = tpu.memref_squeeze %dma_wait3A_905 : memref<1x!tpu.dma_semaphore, #tpu.memory_space<semaphore_mem>> -> memref<!tpu.dma_semaphore, #tpu.memory_space<semaphore_mem>>
        %dma_wait3A_907 = arith.constant 0 : i32
        %dma_wait3A_908 = arith.constant 0 : i32
        %dma_wait3A_909 = tpu.memref_slice %arg12[%dma_wait3A_897, %dma_wait3A_907, %dma_wait3A_908] : memref<4x80x128xf32, #tpu.memory_space<vmem>> -> memref<1x80x128xf32, #tpu.memory_space<vmem>>
        %dma_wait3A_910 = tpu.memref_squeeze %dma_wait3A_909 : memref<1x80x128xf32, #tpu.memory_space<vmem>> -> memref<80x128xf32, #tpu.memory_space<vmem>>
        %dma_wait3A_911 = arith.constant 0 : i32
        %dma_wait3A_912 = tpu.memref_slice %arg5[%add3A_896, %dma_wait3A_911] : memref<320000x128xf32, #tpu.memory_space<hbm>> -> memref<80x128xf32, #tpu.memory_space<hbm>>
        tpu.wait_dma2 semaphore(%dma_wait3A_906 : memref<!tpu.dma_semaphore, #tpu.memory_space<semaphore_mem>>) src(%dma_wait3A_912 : memref<80x128xf32, #tpu.memory_space<hbm>>) dst(%dma_wait3A_910 : memref<80x128xf32, #tpu.memory_space<vmem>>)
        %add3A_913 = arith.constant 1 : i32
        %add3A_914 = arith.addi %add3A_511, %add3A_913 : i32
        %mul3A_915 = arith.constant 80 : i32
        %mul3A_916 = arith.muli %add3A_914, %mul3A_915 : i32
        %add3A_917 = arith.addi %mul3A_2, %mul3A_916 : i32
        %jit3A_918 = arith.constant 4 : i32
        %eq3A_919 = arith.constant 0 : i32
        %eq3A_920 = arith.cmpi eq, %jit3A_918, %eq3A_919 : i32
        %jit3A_921 = arith.constant 1 : i32
        %select_n3A_922 = arith.select %eq3A_920, %jit3A_921, %jit3A_918 : i32
        %rem3A_923 = arith.remsi %add3A_914, %select_n3A_922 : i32
        %ne3A_924 = arith.constant 0 : i32
        %ne3A_925 = arith.cmpi ne, %rem3A_923, %ne3A_924 : i32
        %lt3A_926 = arith.constant 0 : i32
        %lt3A_927 = arith.cmpi slt, %rem3A_923, %lt3A_926 : i32
        %lt3A_928 = arith.constant 0 : i32
        %lt3A_929 = arith.cmpi slt, %select_n3A_922, %lt3A_928 : i32
        %ne3A_930 = arith.xori %lt3A_927, %lt3A_929 : i1
        %and3A_931 = arith.andi %ne3A_930, %ne3A_925 : i1
        %add3A_932 = arith.addi %rem3A_923, %select_n3A_922 : i32
        %select_n3A_933 = arith.select %and3A_931, %add3A_932, %rem3A_923 : i32
        %jit3A_934 = arith.constant 4 : i32
        %eq3A_935 = arith.constant 0 : i32
        %eq3A_936 = arith.cmpi eq, %jit3A_934, %eq3A_935 : i32
        %jit3A_937 = arith.constant 1 : i32
        %select_n3A_938 = arith.select %eq3A_936, %jit3A_937, %jit3A_934 : i32
        %rem3A_939 = arith.remsi %add3A_914, %select_n3A_938 : i32
        %ne3A_940 = arith.constant 0 : i32
        %ne3A_941 = arith.cmpi ne, %rem3A_939, %ne3A_940 : i32
        %lt3A_942 = arith.constant 0 : i32
        %lt3A_943 = arith.cmpi slt, %rem3A_939, %lt3A_942 : i32
        %lt3A_944 = arith.constant 0 : i32
        %lt3A_945 = arith.cmpi slt, %select_n3A_938, %lt3A_944 : i32
        %ne3A_946 = arith.xori %lt3A_943, %lt3A_945 : i1
        %and3A_947 = arith.andi %ne3A_946, %ne3A_941 : i1
        %add3A_948 = arith.addi %rem3A_939, %select_n3A_938 : i32
        %select_n3A_949 = arith.select %and3A_947, %add3A_948, %rem3A_939 : i32
        %dma_wait3A_950 = arith.constant 0 : i32
        %dma_wait3A_951 = tpu.memref_slice %arg10[%select_n3A_933, %dma_wait3A_950] : memref<4x80xi32, #tpu.memory_space<vmem>> -> memref<1x80xi32, #tpu.memory_space<vmem>>
        %dma_wait3A_952 = tpu.memref_squeeze %dma_wait3A_951 : memref<1x80xi32, #tpu.memory_space<vmem>> -> memref<80xi32, #tpu.memory_space<vmem>>
        %dma_wait3A_953 = tpu.memref_slice %arg3[%add3A_917] : memref<320000xi32, #tpu.memory_space<hbm>> -> memref<80xi32, #tpu.memory_space<hbm>>
        %dma_wait3A_954 = tpu.memref_slice %arg15[%select_n3A_949] : memref<4x!tpu.dma_semaphore, #tpu.memory_space<semaphore_mem>> -> memref<1x!tpu.dma_semaphore, #tpu.memory_space<semaphore_mem>>
        %dma_wait3A_955 = tpu.memref_squeeze %dma_wait3A_954 : memref<1x!tpu.dma_semaphore, #tpu.memory_space<semaphore_mem>> -> memref<!tpu.dma_semaphore, #tpu.memory_space<semaphore_mem>>
        %dma_wait3A_956 = arith.constant 0 : i32
        %dma_wait3A_957 = tpu.memref_slice %arg10[%select_n3A_933, %dma_wait3A_956] : memref<4x80xi32, #tpu.memory_space<vmem>> -> memref<1x80xi32, #tpu.memory_space<vmem>>
        %dma_wait3A_958 = tpu.memref_squeeze %dma_wait3A_957 : memref<1x80xi32, #tpu.memory_space<vmem>> -> memref<80xi32, #tpu.memory_space<vmem>>
        %dma_wait3A_959 = tpu.memref_slice %arg3[%add3A_917] : memref<320000xi32, #tpu.memory_space<hbm>> -> memref<80xi32, #tpu.memory_space<hbm>>
        tpu.wait_dma2 semaphore(%dma_wait3A_955 : memref<!tpu.dma_semaphore, #tpu.memory_space<semaphore_mem>>) src(%dma_wait3A_959 : memref<80xi32, #tpu.memory_space<hbm>>) dst(%dma_wait3A_958 : memref<80xi32, #tpu.memory_space<vmem>>)
        %add3A_960 = arith.constant 1 : i32
        %add3A_961 = arith.addi %add3A_511, %add3A_960 : i32
        %dma_start3A_962 = arith.constant 2 : i32
        %dma_start3A_963 = arith.constant 2 : i32
        %dma_start3A_964 = arith.constant 2 : i32
        %dma_start3A_965 = arith.constant 0 : i32
        %dma_start3A_966 = arith.constant 0 : i32
        %dma_start3A_967 = tpu.memref_slice %arg12[%dma_start3A_963, %dma_start3A_965, %dma_start3A_966] : memref<4x80x128xf32, #tpu.memory_space<vmem>> -> memref<1x80x128xf32, #tpu.memory_space<vmem>>
        %dma_start3A_968 = tpu.memref_squeeze %dma_start3A_967 : memref<1x80x128xf32, #tpu.memory_space<vmem>> -> memref<80x128xf32, #tpu.memory_space<vmem>>
        %dma_start3A_969 = arith.constant 0 : i32
        %dma_start3A_970 = tpu.memref_slice %arg10[%dma_start3A_962, %dma_start3A_969] : memref<4x80xi32, #tpu.memory_space<vmem>> -> memref<1x80xi32, #tpu.memory_space<vmem>>
        %dma_start3A_971 = tpu.memref_squeeze %dma_start3A_970 : memref<1x80xi32, #tpu.memory_space<vmem>> -> memref<80xi32, #tpu.memory_space<vmem>>
        %dma_start3A_972 = arith.constant 0 : i32
        %dma_start3A_973 = arith.constant 0 : i32
        %dma_start3A_974 = tpu.memref_slice %arg2[%dma_start3A_972, %dma_start3A_973] : memref<10000x128xf32, #tpu.memory_space<hbm>> -> memref<10000x128xf32, #tpu.memory_space<hbm>>
        %dma_start3A_975 = tpu.memref_slice %arg18[%dma_start3A_964] : memref<4x!tpu.dma_semaphore, #tpu.memory_space<semaphore_mem>> -> memref<1x!tpu.dma_semaphore, #tpu.memory_space<semaphore_mem>>
        %dma_start3A_976 = tpu.memref_squeeze %dma_start3A_975 : memref<1x!tpu.dma_semaphore, #tpu.memory_space<semaphore_mem>> -> memref<!tpu.dma_semaphore, #tpu.memory_space<semaphore_mem>>
        tpu.enqueue_indirect_dma source(%dma_start3A_974 : memref<10000x128xf32, #tpu.memory_space<hbm>>) target(%dma_start3A_968 : memref<80x128xf32, #tpu.memory_space<vmem>>) offsets(%dma_start3A_971 : memref<80xi32, #tpu.memory_space<vmem>>) semaphore(%dma_start3A_976 : memref<!tpu.dma_semaphore, #tpu.memory_space<semaphore_mem>>) {add = true}
      } else {
      }
      %dma_wait3A_538 = arith.constant 1 : i32
      %dma_wait3A_539 = arith.constant 1 : i32
      %dma_wait3A_540 = arith.constant 1 : i32
      %dma_wait3A_541 = arith.constant 0 : i32
      %dma_wait3A_542 = arith.constant 0 : i32
      %dma_wait3A_543 = tpu.memref_slice %arg12[%dma_wait3A_539, %dma_wait3A_541, %dma_wait3A_542] : memref<4x80x128xf32, #tpu.memory_space<vmem>> -> memref<1x80x128xf32, #tpu.memory_space<vmem>>
      %dma_wait3A_544 = tpu.memref_squeeze %dma_wait3A_543 : memref<1x80x128xf32, #tpu.memory_space<vmem>> -> memref<80x128xf32, #tpu.memory_space<vmem>>
      %dma_wait3A_545 = arith.constant 0 : i32
      %dma_wait3A_546 = tpu.memref_slice %arg10[%dma_wait3A_538, %dma_wait3A_545] : memref<4x80xi32, #tpu.memory_space<vmem>> -> memref<1x80xi32, #tpu.memory_space<vmem>>
      %dma_wait3A_547 = tpu.memref_squeeze %dma_wait3A_546 : memref<1x80xi32, #tpu.memory_space<vmem>> -> memref<80xi32, #tpu.memory_space<vmem>>
      %dma_wait3A_548 = arith.constant 0 : i32
      %dma_wait3A_549 = arith.constant 0 : i32
      %dma_wait3A_550 = tpu.memref_slice %arg2[%dma_wait3A_548, %dma_wait3A_549] : memref<10000x128xf32, #tpu.memory_space<hbm>> -> memref<10000x128xf32, #tpu.memory_space<hbm>>
      %dma_wait3A_551 = tpu.memref_slice %arg18[%dma_wait3A_540] : memref<4x!tpu.dma_semaphore, #tpu.memory_space<semaphore_mem>> -> memref<1x!tpu.dma_semaphore, #tpu.memory_space<semaphore_mem>>
      %dma_wait3A_552 = tpu.memref_squeeze %dma_wait3A_551 : memref<1x!tpu.dma_semaphore, #tpu.memory_space<semaphore_mem>> -> memref<!tpu.dma_semaphore, #tpu.memory_space<semaphore_mem>>
      tpu.wait_indirect_dma semaphore(%dma_wait3A_552 : memref<!tpu.dma_semaphore, #tpu.memory_space<semaphore_mem>>) src(%dma_wait3A_550 : memref<10000x128xf32, #tpu.memory_space<hbm>>) dst(%dma_wait3A_544 : memref<80x128xf32, #tpu.memory_space<vmem>>)
      %mul3A_553 = arith.constant 80 : i32
      %mul3A_554 = arith.muli %add3A_511, %mul3A_553 : i32
      %add3A_555 = arith.addi %mul3A_2, %mul3A_554 : i32
      %jit3A_556 = arith.constant 8 : i32
      %eq3A_557 = arith.constant 0 : i32
      %eq3A_558 = arith.cmpi eq, %jit3A_556, %eq3A_557 : i32
      %jit3A_559 = arith.constant 1 : i32
      %select_n3A_560 = arith.select %eq3A_558, %jit3A_559, %jit3A_556 : i32
      %rem3A_561 = arith.remsi %add3A_511, %select_n3A_560 : i32
      %ne3A_562 = arith.constant 0 : i32
      %ne3A_563 = arith.cmpi ne, %rem3A_561, %ne3A_562 : i32
      %lt3A_564 = arith.constant 0 : i32
      %lt3A_565 = arith.cmpi slt, %rem3A_561, %lt3A_564 : i32
      %lt3A_566 = arith.constant 0 : i32
      %lt3A_567 = arith.cmpi slt, %select_n3A_560, %lt3A_566 : i32
      %ne3A_568 = arith.xori %lt3A_565, %lt3A_567 : i1
      %and3A_569 = arith.andi %ne3A_568, %ne3A_563 : i1
      %add3A_570 = arith.addi %rem3A_561, %select_n3A_560 : i32
      %select_n3A_571 = arith.select %and3A_569, %add3A_570, %rem3A_561 : i32
      %jit3A_572 = arith.constant 8 : i32
      %eq3A_573 = arith.constant 0 : i32
      %eq3A_574 = arith.cmpi eq, %jit3A_572, %eq3A_573 : i32
      %jit3A_575 = arith.constant 1 : i32
      %select_n3A_576 = arith.select %eq3A_574, %jit3A_575, %jit3A_572 : i32
      %rem3A_577 = arith.remsi %add3A_511, %select_n3A_576 : i32
      %ne3A_578 = arith.constant 0 : i32
      %ne3A_579 = arith.cmpi ne, %rem3A_577, %ne3A_578 : i32
      %lt3A_580 = arith.constant 0 : i32
      %lt3A_581 = arith.cmpi slt, %rem3A_577, %lt3A_580 : i32
      %lt3A_582 = arith.constant 0 : i32
      %lt3A_583 = arith.cmpi slt, %select_n3A_576, %lt3A_582 : i32
      %ne3A_584 = arith.xori %lt3A_581, %lt3A_583 : i1
      %and3A_585 = arith.andi %ne3A_584, %ne3A_579 : i1
      %add3A_586 = arith.addi %rem3A_577, %select_n3A_576 : i32
      %select_n3A_587 = arith.select %and3A_585, %add3A_586, %rem3A_577 : i32
      %dma_wait3A_588 = arith.constant 0 : i32
      %dma_wait3A_589 = tpu.memref_slice %arg11[%select_n3A_571, %dma_wait3A_588] : memref<8x80xi32, #tpu.memory_space<vmem>> -> memref<1x80xi32, #tpu.memory_space<vmem>>
      %dma_wait3A_590 = tpu.memref_squeeze %dma_wait3A_589 : memref<1x80xi32, #tpu.memory_space<vmem>> -> memref<80xi32, #tpu.memory_space<vmem>>
      %dma_wait3A_591 = tpu.memref_slice %arg4[%add3A_555] : memref<320000xi32, #tpu.memory_space<hbm>> -> memref<80xi32, #tpu.memory_space<hbm>>
      %dma_wait3A_592 = tpu.memref_slice %arg16[%select_n3A_587] : memref<8x!tpu.dma_semaphore, #tpu.memory_space<semaphore_mem>> -> memref<1x!tpu.dma_semaphore, #tpu.memory_space<semaphore_mem>>
      %dma_wait3A_593 = tpu.memref_squeeze %dma_wait3A_592 : memref<1x!tpu.dma_semaphore, #tpu.memory_space<semaphore_mem>> -> memref<!tpu.dma_semaphore, #tpu.memory_space<semaphore_mem>>
      %dma_wait3A_594 = arith.constant 0 : i32
      %dma_wait3A_595 = tpu.memref_slice %arg11[%select_n3A_571, %dma_wait3A_594] : memref<8x80xi32, #tpu.memory_space<vmem>> -> memref<1x80xi32, #tpu.memory_space<vmem>>
      %dma_wait3A_596 = tpu.memref_squeeze %dma_wait3A_595 : memref<1x80xi32, #tpu.memory_space<vmem>> -> memref<80xi32, #tpu.memory_space<vmem>>
      %dma_wait3A_597 = tpu.memref_slice %arg4[%add3A_555] : memref<320000xi32, #tpu.memory_space<hbm>> -> memref<80xi32, #tpu.memory_space<hbm>>
      tpu.wait_dma2 semaphore(%dma_wait3A_593 : memref<!tpu.dma_semaphore, #tpu.memory_space<semaphore_mem>>) src(%dma_wait3A_597 : memref<80xi32, #tpu.memory_space<hbm>>) dst(%dma_wait3A_596 : memref<80xi32, #tpu.memory_space<vmem>>)
      %jit3A_598 = arith.constant 8 : i32
      %eq3A_599 = arith.constant 0 : i32
      %eq3A_600 = arith.cmpi eq, %jit3A_598, %eq3A_599 : i32
      %jit3A_601 = arith.constant 1 : i32
      %select_n3A_602 = arith.select %eq3A_600, %jit3A_601, %jit3A_598 : i32
      %rem3A_603 = arith.remsi %add3A_511, %select_n3A_602 : i32
      %ne3A_604 = arith.constant 0 : i32
      %ne3A_605 = arith.cmpi ne, %rem3A_603, %ne3A_604 : i32
      %lt3A_606 = arith.constant 0 : i32
      %lt3A_607 = arith.cmpi slt, %rem3A_603, %lt3A_606 : i32
      %lt3A_608 = arith.constant 0 : i32
      %lt3A_609 = arith.cmpi slt, %select_n3A_602, %lt3A_608 : i32
      %ne3A_610 = arith.xori %lt3A_607, %lt3A_609 : i1
      %and3A_611 = arith.andi %ne3A_610, %ne3A_605 : i1
      %add3A_612 = arith.addi %rem3A_603, %select_n3A_602 : i32
      %select_n3A_613 = arith.select %and3A_611, %add3A_612, %rem3A_603 : i32
      %dma_start3A_614 = arith.constant 1 : i32
      %dma_start3A_615 = arith.constant 1 : i32
      %dma_start3A_616 = arith.constant 0 : i32
      %dma_start3A_617 = arith.constant 0 : i32
      %dma_start3A_618 = tpu.memref_slice %arg12[%dma_start3A_614, %dma_start3A_616, %dma_start3A_617] : memref<4x80x128xf32, #tpu.memory_space<vmem>> -> memref<1x80x128xf32, #tpu.memory_space<vmem>>
      %dma_start3A_619 = tpu.memref_squeeze %dma_start3A_618 : memref<1x80x128xf32, #tpu.memory_space<vmem>> -> memref<80x128xf32, #tpu.memory_space<vmem>>
      %dma_start3A_620 = arith.constant 0 : i32
      %dma_start3A_621 = tpu.memref_slice %arg11[%select_n3A_613, %dma_start3A_620] : memref<8x80xi32, #tpu.memory_space<vmem>> -> memref<1x80xi32, #tpu.memory_space<vmem>>
      %dma_start3A_622 = tpu.memref_squeeze %dma_start3A_621 : memref<1x80xi32, #tpu.memory_space<vmem>> -> memref<80xi32, #tpu.memory_space<vmem>>
      %dma_start3A_623 = arith.constant 0 : i32
      %dma_start3A_624 = arith.constant 0 : i32
      %dma_start3A_625 = tpu.memref_slice %arg8[%dma_start3A_623, %dma_start3A_624] : memref<10240x128xf32, #tpu.memory_space<vmem_shared>> -> memref<10240x128xf32, #tpu.memory_space<vmem_shared>>
      %dma_start3A_626 = tpu.memref_slice %arg19[%dma_start3A_615] : memref<4x!tpu.dma_semaphore, #tpu.memory_space<semaphore_mem>> -> memref<1x!tpu.dma_semaphore, #tpu.memory_space<semaphore_mem>>
      %dma_start3A_627 = tpu.memref_squeeze %dma_start3A_626 : memref<1x!tpu.dma_semaphore, #tpu.memory_space<semaphore_mem>> -> memref<!tpu.dma_semaphore, #tpu.memory_space<semaphore_mem>>
      tpu.enqueue_indirect_dma source(%dma_start3A_619 : memref<80x128xf32, #tpu.memory_space<vmem>>) target(%dma_start3A_625 : memref<10240x128xf32, #tpu.memory_space<vmem_shared>>) offsets(%dma_start3A_622 : memref<80xi32, #tpu.memory_space<vmem>>) semaphore(%dma_start3A_627 : memref<!tpu.dma_semaphore, #tpu.memory_space<semaphore_mem>>) {add = true}
      %dma_start3A_628 = arith.constant 1 : i32
      %dma_start3A_629 = arith.constant 0 : i32
      %dma_start3A_630 = tpu.memref_slice %arg11[%select_n3A_613, %dma_start3A_629] : memref<8x80xi32, #tpu.memory_space<vmem>> -> memref<1x80xi32, #tpu.memory_space<vmem>>
      %dma_start3A_631 = tpu.memref_squeeze %dma_start3A_630 : memref<1x80xi32, #tpu.memory_space<vmem>> -> memref<80xi32, #tpu.memory_space<vmem>>
      %dma_start3A_632 = arith.constant 0 : i32
      %dma_start3A_633 = tpu.memref_slice %arg9[%dma_start3A_632] : memref<10240xf32, #tpu.memory_space<vmem_shared>> -> memref<10240xf32, #tpu.memory_space<vmem_shared>>
      %dma_start3A_634 = tpu.memref_slice %arg19[%dma_start3A_628] : memref<4x!tpu.dma_semaphore, #tpu.memory_space<semaphore_mem>> -> memref<1x!tpu.dma_semaphore, #tpu.memory_space<semaphore_mem>>
      %dma_start3A_635 = tpu.memref_squeeze %dma_start3A_634 : memref<1x!tpu.dma_semaphore, #tpu.memory_space<semaphore_mem>> -> memref<!tpu.dma_semaphore, #tpu.memory_space<semaphore_mem>>
      tpu.enqueue_indirect_dma source(%arg13 : memref<80xf32, #tpu.memory_space<vmem>>) target(%dma_start3A_633 : memref<10240xf32, #tpu.memory_space<vmem_shared>>) offsets(%dma_start3A_631 : memref<80xi32, #tpu.memory_space<vmem>>) semaphore(%dma_start3A_635 : memref<!tpu.dma_semaphore, #tpu.memory_space<semaphore_mem>>) {add = true}
      %mul3A_636 = arith.constant 4 : i32
      %mul3A_637 = arith.muli %scan3A_385, %mul3A_636 : i32
      %add3A_638 = arith.constant 2 : i32
      %add3A_639 = arith.addi %mul3A_637, %add3A_638 : i32
      %ge3A_640 = arith.constant 2 : i32
      %ge3A_641 = arith.cmpi sge, %add3A_639, %ge3A_640 : i32
      %convert_element_type3A_642 = arith.extui %ge3A_641 : i1 to i32
      %cond3A_643 = arith.constant 0 : i32
      %cond3A_644 = arith.cmpi ne, %convert_element_type3A_642, %cond3A_643 : i32
      scf.if %cond3A_644 {
        %sub3A = arith.constant 2 : i32
        %sub3A_892 = arith.subi %add3A_639, %sub3A : i32
        %sub3A_893 = arith.constant 2 : i32
        %sub3A_894 = arith.subi %add3A_639, %sub3A_893 : i32
        %jit3A_895 = arith.constant 8 : i32
        %eq3A_896 = arith.constant 0 : i32
        %eq3A_897 = arith.cmpi eq, %jit3A_895, %eq3A_896 : i32
        %jit3A_898 = arith.constant 1 : i32
        %select_n3A_899 = arith.select %eq3A_897, %jit3A_898, %jit3A_895 : i32
        %rem3A_900 = arith.remsi %sub3A_894, %select_n3A_899 : i32
        %ne3A_901 = arith.constant 0 : i32
        %ne3A_902 = arith.cmpi ne, %rem3A_900, %ne3A_901 : i32
        %lt3A_903 = arith.constant 0 : i32
        %lt3A_904 = arith.cmpi slt, %rem3A_900, %lt3A_903 : i32
        %lt3A_905 = arith.constant 0 : i32
        %lt3A_906 = arith.cmpi slt, %select_n3A_899, %lt3A_905 : i32
        %ne3A_907 = arith.xori %lt3A_904, %lt3A_906 : i1
        %and3A_908 = arith.andi %ne3A_907, %ne3A_902 : i1
        %add3A_909 = arith.addi %rem3A_900, %select_n3A_899 : i32
        %select_n3A_910 = arith.select %and3A_908, %add3A_909, %rem3A_900 : i32
        %dma_wait3A_911 = arith.constant 0 : i32
        %dma_wait3A_912 = arith.constant 0 : i32
        %dma_wait3A_913 = arith.constant 0 : i32
        %dma_wait3A_914 = arith.constant 0 : i32
        %dma_wait3A_915 = tpu.memref_slice %arg12[%dma_wait3A_911, %dma_wait3A_913, %dma_wait3A_914] : memref<4x80x128xf32, #tpu.memory_space<vmem>> -> memref<1x80x128xf32, #tpu.memory_space<vmem>>
        %dma_wait3A_916 = tpu.memref_squeeze %dma_wait3A_915 : memref<1x80x128xf32, #tpu.memory_space<vmem>> -> memref<80x128xf32, #tpu.memory_space<vmem>>
        %dma_wait3A_917 = arith.constant 0 : i32
        %dma_wait3A_918 = tpu.memref_slice %arg11[%select_n3A_910, %dma_wait3A_917] : memref<8x80xi32, #tpu.memory_space<vmem>> -> memref<1x80xi32, #tpu.memory_space<vmem>>
        %dma_wait3A_919 = tpu.memref_squeeze %dma_wait3A_918 : memref<1x80xi32, #tpu.memory_space<vmem>> -> memref<80xi32, #tpu.memory_space<vmem>>
        %dma_wait3A_920 = arith.constant 0 : i32
        %dma_wait3A_921 = arith.constant 0 : i32
        %dma_wait3A_922 = tpu.memref_slice %arg8[%dma_wait3A_920, %dma_wait3A_921] : memref<10240x128xf32, #tpu.memory_space<vmem_shared>> -> memref<10240x128xf32, #tpu.memory_space<vmem_shared>>
        %dma_wait3A_923 = tpu.memref_slice %arg19[%dma_wait3A_912] : memref<4x!tpu.dma_semaphore, #tpu.memory_space<semaphore_mem>> -> memref<1x!tpu.dma_semaphore, #tpu.memory_space<semaphore_mem>>
        %dma_wait3A_924 = tpu.memref_squeeze %dma_wait3A_923 : memref<1x!tpu.dma_semaphore, #tpu.memory_space<semaphore_mem>> -> memref<!tpu.dma_semaphore, #tpu.memory_space<semaphore_mem>>
        tpu.wait_indirect_dma semaphore(%dma_wait3A_924 : memref<!tpu.dma_semaphore, #tpu.memory_space<semaphore_mem>>) src(%dma_wait3A_916 : memref<80x128xf32, #tpu.memory_space<vmem>>) dst(%dma_wait3A_922 : memref<10240x128xf32, #tpu.memory_space<vmem_shared>>)
        %dma_wait3A_925 = arith.constant 0 : i32
        %dma_wait3A_926 = arith.constant 0 : i32
        %dma_wait3A_927 = tpu.memref_slice %arg11[%select_n3A_910, %dma_wait3A_926] : memref<8x80xi32, #tpu.memory_space<vmem>> -> memref<1x80xi32, #tpu.memory_space<vmem>>
        %dma_wait3A_928 = tpu.memref_squeeze %dma_wait3A_927 : memref<1x80xi32, #tpu.memory_space<vmem>> -> memref<80xi32, #tpu.memory_space<vmem>>
        %dma_wait3A_929 = arith.constant 0 : i32
        %dma_wait3A_930 = tpu.memref_slice %arg9[%dma_wait3A_929] : memref<10240xf32, #tpu.memory_space<vmem_shared>> -> memref<10240xf32, #tpu.memory_space<vmem_shared>>
        %dma_wait3A_931 = tpu.memref_slice %arg19[%dma_wait3A_925] : memref<4x!tpu.dma_semaphore, #tpu.memory_space<semaphore_mem>> -> memref<1x!tpu.dma_semaphore, #tpu.memory_space<semaphore_mem>>
        %dma_wait3A_932 = tpu.memref_squeeze %dma_wait3A_931 : memref<1x!tpu.dma_semaphore, #tpu.memory_space<semaphore_mem>> -> memref<!tpu.dma_semaphore, #tpu.memory_space<semaphore_mem>>
        tpu.wait_indirect_dma semaphore(%dma_wait3A_932 : memref<!tpu.dma_semaphore, #tpu.memory_space<semaphore_mem>>) src(%arg13 : memref<80xf32, #tpu.memory_space<vmem>>) dst(%dma_wait3A_930 : memref<10240xf32, #tpu.memory_space<vmem_shared>>)
      } else {
      }
      %add3A_645 = arith.constant 3 : i32
      %add3A_646 = arith.addi %add3A_639, %add3A_645 : i32
      %lt3A_647 = arith.constant 125 : i32
      %lt3A_648 = arith.cmpi slt, %add3A_646, %lt3A_647 : i32
      %convert_element_type3A_649 = arith.extui %lt3A_648 : i1 to i32
      %cond3A_650 = arith.constant 0 : i32
      %cond3A_651 = arith.cmpi ne, %convert_element_type3A_649, %cond3A_650 : i32
      scf.if %cond3A_651 {
        %add3A_892 = arith.constant 3 : i32
        %add3A_893 = arith.addi %add3A_639, %add3A_892 : i32
        %mul3A_894 = arith.constant 80 : i32
        %mul3A_895 = arith.muli %add3A_893, %mul3A_894 : i32
        %add3A_896 = arith.addi %mul3A_2, %mul3A_895 : i32
        %jit3A_897 = arith.constant 4 : i32
        %eq3A_898 = arith.constant 0 : i32
        %eq3A_899 = arith.cmpi eq, %jit3A_897, %eq3A_898 : i32
        %jit3A_900 = arith.constant 1 : i32
        %select_n3A_901 = arith.select %eq3A_899, %jit3A_900, %jit3A_897 : i32
        %rem3A_902 = arith.remsi %add3A_893, %select_n3A_901 : i32
        %ne3A_903 = arith.constant 0 : i32
        %ne3A_904 = arith.cmpi ne, %rem3A_902, %ne3A_903 : i32
        %lt3A_905 = arith.constant 0 : i32
        %lt3A_906 = arith.cmpi slt, %rem3A_902, %lt3A_905 : i32
        %lt3A_907 = arith.constant 0 : i32
        %lt3A_908 = arith.cmpi slt, %select_n3A_901, %lt3A_907 : i32
        %ne3A_909 = arith.xori %lt3A_906, %lt3A_908 : i1
        %and3A_910 = arith.andi %ne3A_909, %ne3A_904 : i1
        %add3A_911 = arith.addi %rem3A_902, %select_n3A_901 : i32
        %select_n3A_912 = arith.select %and3A_910, %add3A_911, %rem3A_902 : i32
        %jit3A_913 = arith.constant 4 : i32
        %eq3A_914 = arith.constant 0 : i32
        %eq3A_915 = arith.cmpi eq, %jit3A_913, %eq3A_914 : i32
        %jit3A_916 = arith.constant 1 : i32
        %select_n3A_917 = arith.select %eq3A_915, %jit3A_916, %jit3A_913 : i32
        %rem3A_918 = arith.remsi %add3A_893, %select_n3A_917 : i32
        %ne3A_919 = arith.constant 0 : i32
        %ne3A_920 = arith.cmpi ne, %rem3A_918, %ne3A_919 : i32
        %lt3A_921 = arith.constant 0 : i32
        %lt3A_922 = arith.cmpi slt, %rem3A_918, %lt3A_921 : i32
        %lt3A_923 = arith.constant 0 : i32
        %lt3A_924 = arith.cmpi slt, %select_n3A_917, %lt3A_923 : i32
        %ne3A_925 = arith.xori %lt3A_922, %lt3A_924 : i1
        %and3A_926 = arith.andi %ne3A_925, %ne3A_920 : i1
        %add3A_927 = arith.addi %rem3A_918, %select_n3A_917 : i32
        %select_n3A_928 = arith.select %and3A_926, %add3A_927, %rem3A_918 : i32
        %dma_start3A_929 = arith.constant 0 : i32
        %dma_start3A_930 = tpu.memref_slice %arg10[%select_n3A_912, %dma_start3A_929] : memref<4x80xi32, #tpu.memory_space<vmem>> -> memref<1x80xi32, #tpu.memory_space<vmem>>
        %dma_start3A_931 = tpu.memref_squeeze %dma_start3A_930 : memref<1x80xi32, #tpu.memory_space<vmem>> -> memref<80xi32, #tpu.memory_space<vmem>>
        %dma_start3A_932 = tpu.memref_slice %arg3[%add3A_896] : memref<320000xi32, #tpu.memory_space<hbm>> -> memref<80xi32, #tpu.memory_space<hbm>>
        %dma_start3A_933 = tpu.memref_slice %arg15[%select_n3A_928] : memref<4x!tpu.dma_semaphore, #tpu.memory_space<semaphore_mem>> -> memref<1x!tpu.dma_semaphore, #tpu.memory_space<semaphore_mem>>
        %dma_start3A_934 = tpu.memref_squeeze %dma_start3A_933 : memref<1x!tpu.dma_semaphore, #tpu.memory_space<semaphore_mem>> -> memref<!tpu.dma_semaphore, #tpu.memory_space<semaphore_mem>>
        %dma_start3A_935 = arith.constant 0 : i32
        %dma_start3A_936 = tpu.memref_slice %arg10[%select_n3A_912, %dma_start3A_935] : memref<4x80xi32, #tpu.memory_space<vmem>> -> memref<1x80xi32, #tpu.memory_space<vmem>>
        %dma_start3A_937 = tpu.memref_squeeze %dma_start3A_936 : memref<1x80xi32, #tpu.memory_space<vmem>> -> memref<80xi32, #tpu.memory_space<vmem>>
        %dma_start3A_938 = tpu.memref_slice %arg3[%add3A_896] : memref<320000xi32, #tpu.memory_space<hbm>> -> memref<80xi32, #tpu.memory_space<hbm>>
        tpu.enqueue_dma source(%dma_start3A_938 : memref<80xi32, #tpu.memory_space<hbm>>) target(%dma_start3A_937 : memref<80xi32, #tpu.memory_space<vmem>>) target_semaphore(%dma_start3A_934 : memref<!tpu.dma_semaphore, #tpu.memory_space<semaphore_mem>>)
        %add3A_939 = arith.constant 3 : i32
        %add3A_940 = arith.addi %add3A_639, %add3A_939 : i32
        %mul3A_941 = arith.constant 80 : i32
        %mul3A_942 = arith.muli %add3A_940, %mul3A_941 : i32
        %add3A_943 = arith.addi %mul3A_2, %mul3A_942 : i32
        %jit3A_944 = arith.constant 8 : i32
        %eq3A_945 = arith.constant 0 : i32
        %eq3A_946 = arith.cmpi eq, %jit3A_944, %eq3A_945 : i32
        %jit3A_947 = arith.constant 1 : i32
        %select_n3A_948 = arith.select %eq3A_946, %jit3A_947, %jit3A_944 : i32
        %rem3A_949 = arith.remsi %add3A_940, %select_n3A_948 : i32
        %ne3A_950 = arith.constant 0 : i32
        %ne3A_951 = arith.cmpi ne, %rem3A_949, %ne3A_950 : i32
        %lt3A_952 = arith.constant 0 : i32
        %lt3A_953 = arith.cmpi slt, %rem3A_949, %lt3A_952 : i32
        %lt3A_954 = arith.constant 0 : i32
        %lt3A_955 = arith.cmpi slt, %select_n3A_948, %lt3A_954 : i32
        %ne3A_956 = arith.xori %lt3A_953, %lt3A_955 : i1
        %and3A_957 = arith.andi %ne3A_956, %ne3A_951 : i1
        %add3A_958 = arith.addi %rem3A_949, %select_n3A_948 : i32
        %select_n3A_959 = arith.select %and3A_957, %add3A_958, %rem3A_949 : i32
        %jit3A_960 = arith.constant 8 : i32
        %eq3A_961 = arith.constant 0 : i32
        %eq3A_962 = arith.cmpi eq, %jit3A_960, %eq3A_961 : i32
        %jit3A_963 = arith.constant 1 : i32
        %select_n3A_964 = arith.select %eq3A_962, %jit3A_963, %jit3A_960 : i32
        %rem3A_965 = arith.remsi %add3A_940, %select_n3A_964 : i32
        %ne3A_966 = arith.constant 0 : i32
        %ne3A_967 = arith.cmpi ne, %rem3A_965, %ne3A_966 : i32
        %lt3A_968 = arith.constant 0 : i32
        %lt3A_969 = arith.cmpi slt, %rem3A_965, %lt3A_968 : i32
        %lt3A_970 = arith.constant 0 : i32
        %lt3A_971 = arith.cmpi slt, %select_n3A_964, %lt3A_970 : i32
        %ne3A_972 = arith.xori %lt3A_969, %lt3A_971 : i1
        %and3A_973 = arith.andi %ne3A_972, %ne3A_967 : i1
        %add3A_974 = arith.addi %rem3A_965, %select_n3A_964 : i32
        %select_n3A_975 = arith.select %and3A_973, %add3A_974, %rem3A_965 : i32
        %dma_start3A_976 = arith.constant 0 : i32
        %dma_start3A_977 = tpu.memref_slice %arg11[%select_n3A_959, %dma_start3A_976] : memref<8x80xi32, #tpu.memory_space<vmem>> -> memref<1x80xi32, #tpu.memory_space<vmem>>
        %dma_start3A_978 = tpu.memref_squeeze %dma_start3A_977 : memref<1x80xi32, #tpu.memory_space<vmem>> -> memref<80xi32, #tpu.memory_space<vmem>>
        %dma_start3A_979 = tpu.memref_slice %arg4[%add3A_943] : memref<320000xi32, #tpu.memory_space<hbm>> -> memref<80xi32, #tpu.memory_space<hbm>>
        %dma_start3A_980 = tpu.memref_slice %arg16[%select_n3A_975] : memref<8x!tpu.dma_semaphore, #tpu.memory_space<semaphore_mem>> -> memref<1x!tpu.dma_semaphore, #tpu.memory_space<semaphore_mem>>
        %dma_start3A_981 = tpu.memref_squeeze %dma_start3A_980 : memref<1x!tpu.dma_semaphore, #tpu.memory_space<semaphore_mem>> -> memref<!tpu.dma_semaphore, #tpu.memory_space<semaphore_mem>>
        %dma_start3A_982 = arith.constant 0 : i32
        %dma_start3A_983 = tpu.memref_slice %arg11[%select_n3A_959, %dma_start3A_982] : memref<8x80xi32, #tpu.memory_space<vmem>> -> memref<1x80xi32, #tpu.memory_space<vmem>>
        %dma_start3A_984 = tpu.memref_squeeze %dma_start3A_983 : memref<1x80xi32, #tpu.memory_space<vmem>> -> memref<80xi32, #tpu.memory_space<vmem>>
        %dma_start3A_985 = tpu.memref_slice %arg4[%add3A_943] : memref<320000xi32, #tpu.memory_space<hbm>> -> memref<80xi32, #tpu.memory_space<hbm>>
        tpu.enqueue_dma source(%dma_start3A_985 : memref<80xi32, #tpu.memory_space<hbm>>) target(%dma_start3A_984 : memref<80xi32, #tpu.memory_space<vmem>>) target_semaphore(%dma_start3A_981 : memref<!tpu.dma_semaphore, #tpu.memory_space<semaphore_mem>>)
      } else {
      }
      %add3A_652 = arith.constant 2 : i32
      %add3A_653 = arith.addi %add3A_639, %add3A_652 : i32
      %lt3A_654 = arith.constant 125 : i32
      %lt3A_655 = arith.cmpi slt, %add3A_653, %lt3A_654 : i32
      %convert_element_type3A_656 = arith.extui %lt3A_655 : i1 to i32
      %cond3A_657 = arith.constant 0 : i32
      %cond3A_658 = arith.cmpi ne, %convert_element_type3A_656, %cond3A_657 : i32
      scf.if %cond3A_658 {
        %add3A_892 = arith.constant 2 : i32
        %add3A_893 = arith.addi %add3A_639, %add3A_892 : i32
        %mul3A_894 = arith.constant 80 : i32
        %mul3A_895 = arith.muli %add3A_893, %mul3A_894 : i32
        %add3A_896 = arith.addi %mul3A_2, %mul3A_895 : i32
        %dma_start3A_897 = arith.constant 0 : i32
        %dma_start3A_898 = arith.constant 0 : i32
        %dma_start3A_899 = arith.constant 0 : i32
        %dma_start3A_900 = arith.constant 0 : i32
        %dma_start3A_901 = tpu.memref_slice %arg12[%dma_start3A_897, %dma_start3A_899, %dma_start3A_900] : memref<4x80x128xf32, #tpu.memory_space<vmem>> -> memref<1x80x128xf32, #tpu.memory_space<vmem>>
        %dma_start3A_902 = tpu.memref_squeeze %dma_start3A_901 : memref<1x80x128xf32, #tpu.memory_space<vmem>> -> memref<80x128xf32, #tpu.memory_space<vmem>>
        %dma_start3A_903 = arith.constant 0 : i32
        %dma_start3A_904 = tpu.memref_slice %arg5[%add3A_896, %dma_start3A_903] : memref<320000x128xf32, #tpu.memory_space<hbm>> -> memref<80x128xf32, #tpu.memory_space<hbm>>
        %dma_start3A_905 = tpu.memref_slice %arg17[%dma_start3A_898] : memref<4x!tpu.dma_semaphore, #tpu.memory_space<semaphore_mem>> -> memref<1x!tpu.dma_semaphore, #tpu.memory_space<semaphore_mem>>
        %dma_start3A_906 = tpu.memref_squeeze %dma_start3A_905 : memref<1x!tpu.dma_semaphore, #tpu.memory_space<semaphore_mem>> -> memref<!tpu.dma_semaphore, #tpu.memory_space<semaphore_mem>>
        %dma_start3A_907 = arith.constant 0 : i32
        %dma_start3A_908 = arith.constant 0 : i32
        %dma_start3A_909 = tpu.memref_slice %arg12[%dma_start3A_897, %dma_start3A_907, %dma_start3A_908] : memref<4x80x128xf32, #tpu.memory_space<vmem>> -> memref<1x80x128xf32, #tpu.memory_space<vmem>>
        %dma_start3A_910 = tpu.memref_squeeze %dma_start3A_909 : memref<1x80x128xf32, #tpu.memory_space<vmem>> -> memref<80x128xf32, #tpu.memory_space<vmem>>
        %dma_start3A_911 = arith.constant 0 : i32
        %dma_start3A_912 = tpu.memref_slice %arg5[%add3A_896, %dma_start3A_911] : memref<320000x128xf32, #tpu.memory_space<hbm>> -> memref<80x128xf32, #tpu.memory_space<hbm>>
        tpu.enqueue_dma source(%dma_start3A_912 : memref<80x128xf32, #tpu.memory_space<hbm>>) target(%dma_start3A_910 : memref<80x128xf32, #tpu.memory_space<vmem>>) target_semaphore(%dma_start3A_906 : memref<!tpu.dma_semaphore, #tpu.memory_space<semaphore_mem>>)
      } else {
      }
      %add3A_659 = arith.constant 1 : i32
      %add3A_660 = arith.addi %add3A_639, %add3A_659 : i32
      %lt3A_661 = arith.constant 125 : i32
      %lt3A_662 = arith.cmpi slt, %add3A_660, %lt3A_661 : i32
      %convert_element_type3A_663 = arith.extui %lt3A_662 : i1 to i32
      %cond3A_664 = arith.constant 0 : i32
      %cond3A_665 = arith.cmpi ne, %convert_element_type3A_663, %cond3A_664 : i32
      scf.if %cond3A_665 {
        %add3A_892 = arith.constant 1 : i32
        %add3A_893 = arith.addi %add3A_639, %add3A_892 : i32
        %mul3A_894 = arith.constant 80 : i32
        %mul3A_895 = arith.muli %add3A_893, %mul3A_894 : i32
        %add3A_896 = arith.addi %mul3A_2, %mul3A_895 : i32
        %dma_wait3A_897 = arith.constant 3 : i32
        %dma_wait3A_898 = arith.constant 3 : i32
        %dma_wait3A_899 = arith.constant 0 : i32
        %dma_wait3A_900 = arith.constant 0 : i32
        %dma_wait3A_901 = tpu.memref_slice %arg12[%dma_wait3A_897, %dma_wait3A_899, %dma_wait3A_900] : memref<4x80x128xf32, #tpu.memory_space<vmem>> -> memref<1x80x128xf32, #tpu.memory_space<vmem>>
        %dma_wait3A_902 = tpu.memref_squeeze %dma_wait3A_901 : memref<1x80x128xf32, #tpu.memory_space<vmem>> -> memref<80x128xf32, #tpu.memory_space<vmem>>
        %dma_wait3A_903 = arith.constant 0 : i32
        %dma_wait3A_904 = tpu.memref_slice %arg5[%add3A_896, %dma_wait3A_903] : memref<320000x128xf32, #tpu.memory_space<hbm>> -> memref<80x128xf32, #tpu.memory_space<hbm>>
        %dma_wait3A_905 = tpu.memref_slice %arg17[%dma_wait3A_898] : memref<4x!tpu.dma_semaphore, #tpu.memory_space<semaphore_mem>> -> memref<1x!tpu.dma_semaphore, #tpu.memory_space<semaphore_mem>>
        %dma_wait3A_906 = tpu.memref_squeeze %dma_wait3A_905 : memref<1x!tpu.dma_semaphore, #tpu.memory_space<semaphore_mem>> -> memref<!tpu.dma_semaphore, #tpu.memory_space<semaphore_mem>>
        %dma_wait3A_907 = arith.constant 0 : i32
        %dma_wait3A_908 = arith.constant 0 : i32
        %dma_wait3A_909 = tpu.memref_slice %arg12[%dma_wait3A_897, %dma_wait3A_907, %dma_wait3A_908] : memref<4x80x128xf32, #tpu.memory_space<vmem>> -> memref<1x80x128xf32, #tpu.memory_space<vmem>>
        %dma_wait3A_910 = tpu.memref_squeeze %dma_wait3A_909 : memref<1x80x128xf32, #tpu.memory_space<vmem>> -> memref<80x128xf32, #tpu.memory_space<vmem>>
        %dma_wait3A_911 = arith.constant 0 : i32
        %dma_wait3A_912 = tpu.memref_slice %arg5[%add3A_896, %dma_wait3A_911] : memref<320000x128xf32, #tpu.memory_space<hbm>> -> memref<80x128xf32, #tpu.memory_space<hbm>>
        tpu.wait_dma2 semaphore(%dma_wait3A_906 : memref<!tpu.dma_semaphore, #tpu.memory_space<semaphore_mem>>) src(%dma_wait3A_912 : memref<80x128xf32, #tpu.memory_space<hbm>>) dst(%dma_wait3A_910 : memref<80x128xf32, #tpu.memory_space<vmem>>)
        %add3A_913 = arith.constant 1 : i32
        %add3A_914 = arith.addi %add3A_639, %add3A_913 : i32
        %mul3A_915 = arith.constant 80 : i32
        %mul3A_916 = arith.muli %add3A_914, %mul3A_915 : i32
        %add3A_917 = arith.addi %mul3A_2, %mul3A_916 : i32
        %jit3A_918 = arith.constant 4 : i32
        %eq3A_919 = arith.constant 0 : i32
        %eq3A_920 = arith.cmpi eq, %jit3A_918, %eq3A_919 : i32
        %jit3A_921 = arith.constant 1 : i32
        %select_n3A_922 = arith.select %eq3A_920, %jit3A_921, %jit3A_918 : i32
        %rem3A_923 = arith.remsi %add3A_914, %select_n3A_922 : i32
        %ne3A_924 = arith.constant 0 : i32
        %ne3A_925 = arith.cmpi ne, %rem3A_923, %ne3A_924 : i32
        %lt3A_926 = arith.constant 0 : i32
        %lt3A_927 = arith.cmpi slt, %rem3A_923, %lt3A_926 : i32
        %lt3A_928 = arith.constant 0 : i32
        %lt3A_929 = arith.cmpi slt, %select_n3A_922, %lt3A_928 : i32
        %ne3A_930 = arith.xori %lt3A_927, %lt3A_929 : i1
        %and3A_931 = arith.andi %ne3A_930, %ne3A_925 : i1
        %add3A_932 = arith.addi %rem3A_923, %select_n3A_922 : i32
        %select_n3A_933 = arith.select %and3A_931, %add3A_932, %rem3A_923 : i32
        %jit3A_934 = arith.constant 4 : i32
        %eq3A_935 = arith.constant 0 : i32
        %eq3A_936 = arith.cmpi eq, %jit3A_934, %eq3A_935 : i32
        %jit3A_937 = arith.constant 1 : i32
        %select_n3A_938 = arith.select %eq3A_936, %jit3A_937, %jit3A_934 : i32
        %rem3A_939 = arith.remsi %add3A_914, %select_n3A_938 : i32
        %ne3A_940 = arith.constant 0 : i32
        %ne3A_941 = arith.cmpi ne, %rem3A_939, %ne3A_940 : i32
        %lt3A_942 = arith.constant 0 : i32
        %lt3A_943 = arith.cmpi slt, %rem3A_939, %lt3A_942 : i32
        %lt3A_944 = arith.constant 0 : i32
        %lt3A_945 = arith.cmpi slt, %select_n3A_938, %lt3A_944 : i32
        %ne3A_946 = arith.xori %lt3A_943, %lt3A_945 : i1
        %and3A_947 = arith.andi %ne3A_946, %ne3A_941 : i1
        %add3A_948 = arith.addi %rem3A_939, %select_n3A_938 : i32
        %select_n3A_949 = arith.select %and3A_947, %add3A_948, %rem3A_939 : i32
        %dma_wait3A_950 = arith.constant 0 : i32
        %dma_wait3A_951 = tpu.memref_slice %arg10[%select_n3A_933, %dma_wait3A_950] : memref<4x80xi32, #tpu.memory_space<vmem>> -> memref<1x80xi32, #tpu.memory_space<vmem>>
        %dma_wait3A_952 = tpu.memref_squeeze %dma_wait3A_951 : memref<1x80xi32, #tpu.memory_space<vmem>> -> memref<80xi32, #tpu.memory_space<vmem>>
        %dma_wait3A_953 = tpu.memref_slice %arg3[%add3A_917] : memref<320000xi32, #tpu.memory_space<hbm>> -> memref<80xi32, #tpu.memory_space<hbm>>
        %dma_wait3A_954 = tpu.memref_slice %arg15[%select_n3A_949] : memref<4x!tpu.dma_semaphore, #tpu.memory_space<semaphore_mem>> -> memref<1x!tpu.dma_semaphore, #tpu.memory_space<semaphore_mem>>
        %dma_wait3A_955 = tpu.memref_squeeze %dma_wait3A_954 : memref<1x!tpu.dma_semaphore, #tpu.memory_space<semaphore_mem>> -> memref<!tpu.dma_semaphore, #tpu.memory_space<semaphore_mem>>
        %dma_wait3A_956 = arith.constant 0 : i32
        %dma_wait3A_957 = tpu.memref_slice %arg10[%select_n3A_933, %dma_wait3A_956] : memref<4x80xi32, #tpu.memory_space<vmem>> -> memref<1x80xi32, #tpu.memory_space<vmem>>
        %dma_wait3A_958 = tpu.memref_squeeze %dma_wait3A_957 : memref<1x80xi32, #tpu.memory_space<vmem>> -> memref<80xi32, #tpu.memory_space<vmem>>
        %dma_wait3A_959 = tpu.memref_slice %arg3[%add3A_917] : memref<320000xi32, #tpu.memory_space<hbm>> -> memref<80xi32, #tpu.memory_space<hbm>>
        tpu.wait_dma2 semaphore(%dma_wait3A_955 : memref<!tpu.dma_semaphore, #tpu.memory_space<semaphore_mem>>) src(%dma_wait3A_959 : memref<80xi32, #tpu.memory_space<hbm>>) dst(%dma_wait3A_958 : memref<80xi32, #tpu.memory_space<vmem>>)
        %add3A_960 = arith.constant 1 : i32
        %add3A_961 = arith.addi %add3A_639, %add3A_960 : i32
        %dma_start3A_962 = arith.constant 3 : i32
        %dma_start3A_963 = arith.constant 3 : i32
        %dma_start3A_964 = arith.constant 3 : i32
        %dma_start3A_965 = arith.constant 0 : i32
        %dma_start3A_966 = arith.constant 0 : i32
        %dma_start3A_967 = tpu.memref_slice %arg12[%dma_start3A_963, %dma_start3A_965, %dma_start3A_966] : memref<4x80x128xf32, #tpu.memory_space<vmem>> -> memref<1x80x128xf32, #tpu.memory_space<vmem>>
        %dma_start3A_968 = tpu.memref_squeeze %dma_start3A_967 : memref<1x80x128xf32, #tpu.memory_space<vmem>> -> memref<80x128xf32, #tpu.memory_space<vmem>>
        %dma_start3A_969 = arith.constant 0 : i32
        %dma_start3A_970 = tpu.memref_slice %arg10[%dma_start3A_962, %dma_start3A_969] : memref<4x80xi32, #tpu.memory_space<vmem>> -> memref<1x80xi32, #tpu.memory_space<vmem>>
        %dma_start3A_971 = tpu.memref_squeeze %dma_start3A_970 : memref<1x80xi32, #tpu.memory_space<vmem>> -> memref<80xi32, #tpu.memory_space<vmem>>
        %dma_start3A_972 = arith.constant 0 : i32
        %dma_start3A_973 = arith.constant 0 : i32
        %dma_start3A_974 = tpu.memref_slice %arg2[%dma_start3A_972, %dma_start3A_973] : memref<10000x128xf32, #tpu.memory_space<hbm>> -> memref<10000x128xf32, #tpu.memory_space<hbm>>
        %dma_start3A_975 = tpu.memref_slice %arg18[%dma_start3A_964] : memref<4x!tpu.dma_semaphore, #tpu.memory_space<semaphore_mem>> -> memref<1x!tpu.dma_semaphore, #tpu.memory_space<semaphore_mem>>
        %dma_start3A_976 = tpu.memref_squeeze %dma_start3A_975 : memref<1x!tpu.dma_semaphore, #tpu.memory_space<semaphore_mem>> -> memref<!tpu.dma_semaphore, #tpu.memory_space<semaphore_mem>>
        tpu.enqueue_indirect_dma source(%dma_start3A_974 : memref<10000x128xf32, #tpu.memory_space<hbm>>) target(%dma_start3A_968 : memref<80x128xf32, #tpu.memory_space<vmem>>) offsets(%dma_start3A_971 : memref<80xi32, #tpu.memory_space<vmem>>) semaphore(%dma_start3A_976 : memref<!tpu.dma_semaphore, #tpu.memory_space<semaphore_mem>>) {add = true}
      } else {
      }
      %dma_wait3A_666 = arith.constant 2 : i32
      %dma_wait3A_667 = arith.constant 2 : i32
      %dma_wait3A_668 = arith.constant 2 : i32
      %dma_wait3A_669 = arith.constant 0 : i32
      %dma_wait3A_670 = arith.constant 0 : i32
      %dma_wait3A_671 = tpu.memref_slice %arg12[%dma_wait3A_667, %dma_wait3A_669, %dma_wait3A_670] : memref<4x80x128xf32, #tpu.memory_space<vmem>> -> memref<1x80x128xf32, #tpu.memory_space<vmem>>
      %dma_wait3A_672 = tpu.memref_squeeze %dma_wait3A_671 : memref<1x80x128xf32, #tpu.memory_space<vmem>> -> memref<80x128xf32, #tpu.memory_space<vmem>>
      %dma_wait3A_673 = arith.constant 0 : i32
      %dma_wait3A_674 = tpu.memref_slice %arg10[%dma_wait3A_666, %dma_wait3A_673] : memref<4x80xi32, #tpu.memory_space<vmem>> -> memref<1x80xi32, #tpu.memory_space<vmem>>
      %dma_wait3A_675 = tpu.memref_squeeze %dma_wait3A_674 : memref<1x80xi32, #tpu.memory_space<vmem>> -> memref<80xi32, #tpu.memory_space<vmem>>
      %dma_wait3A_676 = arith.constant 0 : i32
      %dma_wait3A_677 = arith.constant 0 : i32
      %dma_wait3A_678 = tpu.memref_slice %arg2[%dma_wait3A_676, %dma_wait3A_677] : memref<10000x128xf32, #tpu.memory_space<hbm>> -> memref<10000x128xf32, #tpu.memory_space<hbm>>
      %dma_wait3A_679 = tpu.memref_slice %arg18[%dma_wait3A_668] : memref<4x!tpu.dma_semaphore, #tpu.memory_space<semaphore_mem>> -> memref<1x!tpu.dma_semaphore, #tpu.memory_space<semaphore_mem>>
      %dma_wait3A_680 = tpu.memref_squeeze %dma_wait3A_679 : memref<1x!tpu.dma_semaphore, #tpu.memory_space<semaphore_mem>> -> memref<!tpu.dma_semaphore, #tpu.memory_space<semaphore_mem>>
      tpu.wait_indirect_dma semaphore(%dma_wait3A_680 : memref<!tpu.dma_semaphore, #tpu.memory_space<semaphore_mem>>) src(%dma_wait3A_678 : memref<10000x128xf32, #tpu.memory_space<hbm>>) dst(%dma_wait3A_672 : memref<80x128xf32, #tpu.memory_space<vmem>>)
      %mul3A_681 = arith.constant 80 : i32
      %mul3A_682 = arith.muli %add3A_639, %mul3A_681 : i32
      %add3A_683 = arith.addi %mul3A_2, %mul3A_682 : i32
      %jit3A_684 = arith.constant 8 : i32
      %eq3A_685 = arith.constant 0 : i32
      %eq3A_686 = arith.cmpi eq, %jit3A_684, %eq3A_685 : i32
      %jit3A_687 = arith.constant 1 : i32
      %select_n3A_688 = arith.select %eq3A_686, %jit3A_687, %jit3A_684 : i32
      %rem3A_689 = arith.remsi %add3A_639, %select_n3A_688 : i32
      %ne3A_690 = arith.constant 0 : i32
      %ne3A_691 = arith.cmpi ne, %rem3A_689, %ne3A_690 : i32
      %lt3A_692 = arith.constant 0 : i32
      %lt3A_693 = arith.cmpi slt, %rem3A_689, %lt3A_692 : i32
      %lt3A_694 = arith.constant 0 : i32
      %lt3A_695 = arith.cmpi slt, %select_n3A_688, %lt3A_694 : i32
      %ne3A_696 = arith.xori %lt3A_693, %lt3A_695 : i1
      %and3A_697 = arith.andi %ne3A_696, %ne3A_691 : i1
      %add3A_698 = arith.addi %rem3A_689, %select_n3A_688 : i32
      %select_n3A_699 = arith.select %and3A_697, %add3A_698, %rem3A_689 : i32
      %jit3A_700 = arith.constant 8 : i32
      %eq3A_701 = arith.constant 0 : i32
      %eq3A_702 = arith.cmpi eq, %jit3A_700, %eq3A_701 : i32
      %jit3A_703 = arith.constant 1 : i32
      %select_n3A_704 = arith.select %eq3A_702, %jit3A_703, %jit3A_700 : i32
      %rem3A_705 = arith.remsi %add3A_639, %select_n3A_704 : i32
      %ne3A_706 = arith.constant 0 : i32
      %ne3A_707 = arith.cmpi ne, %rem3A_705, %ne3A_706 : i32
      %lt3A_708 = arith.constant 0 : i32
      %lt3A_709 = arith.cmpi slt, %rem3A_705, %lt3A_708 : i32
      %lt3A_710 = arith.constant 0 : i32
      %lt3A_711 = arith.cmpi slt, %select_n3A_704, %lt3A_710 : i32
      %ne3A_712 = arith.xori %lt3A_709, %lt3A_711 : i1
      %and3A_713 = arith.andi %ne3A_712, %ne3A_707 : i1
      %add3A_714 = arith.addi %rem3A_705, %select_n3A_704 : i32
      %select_n3A_715 = arith.select %and3A_713, %add3A_714, %rem3A_705 : i32
      %dma_wait3A_716 = arith.constant 0 : i32
      %dma_wait3A_717 = tpu.memref_slice %arg11[%select_n3A_699, %dma_wait3A_716] : memref<8x80xi32, #tpu.memory_space<vmem>> -> memref<1x80xi32, #tpu.memory_space<vmem>>
      %dma_wait3A_718 = tpu.memref_squeeze %dma_wait3A_717 : memref<1x80xi32, #tpu.memory_space<vmem>> -> memref<80xi32, #tpu.memory_space<vmem>>
      %dma_wait3A_719 = tpu.memref_slice %arg4[%add3A_683] : memref<320000xi32, #tpu.memory_space<hbm>> -> memref<80xi32, #tpu.memory_space<hbm>>
      %dma_wait3A_720 = tpu.memref_slice %arg16[%select_n3A_715] : memref<8x!tpu.dma_semaphore, #tpu.memory_space<semaphore_mem>> -> memref<1x!tpu.dma_semaphore, #tpu.memory_space<semaphore_mem>>
      %dma_wait3A_721 = tpu.memref_squeeze %dma_wait3A_720 : memref<1x!tpu.dma_semaphore, #tpu.memory_space<semaphore_mem>> -> memref<!tpu.dma_semaphore, #tpu.memory_space<semaphore_mem>>
      %dma_wait3A_722 = arith.constant 0 : i32
      %dma_wait3A_723 = tpu.memref_slice %arg11[%select_n3A_699, %dma_wait3A_722] : memref<8x80xi32, #tpu.memory_space<vmem>> -> memref<1x80xi32, #tpu.memory_space<vmem>>
      %dma_wait3A_724 = tpu.memref_squeeze %dma_wait3A_723 : memref<1x80xi32, #tpu.memory_space<vmem>> -> memref<80xi32, #tpu.memory_space<vmem>>
      %dma_wait3A_725 = tpu.memref_slice %arg4[%add3A_683] : memref<320000xi32, #tpu.memory_space<hbm>> -> memref<80xi32, #tpu.memory_space<hbm>>
      tpu.wait_dma2 semaphore(%dma_wait3A_721 : memref<!tpu.dma_semaphore, #tpu.memory_space<semaphore_mem>>) src(%dma_wait3A_725 : memref<80xi32, #tpu.memory_space<hbm>>) dst(%dma_wait3A_724 : memref<80xi32, #tpu.memory_space<vmem>>)
      %jit3A_726 = arith.constant 8 : i32
      %eq3A_727 = arith.constant 0 : i32
      %eq3A_728 = arith.cmpi eq, %jit3A_726, %eq3A_727 : i32
      %jit3A_729 = arith.constant 1 : i32
      %select_n3A_730 = arith.select %eq3A_728, %jit3A_729, %jit3A_726 : i32
      %rem3A_731 = arith.remsi %add3A_639, %select_n3A_730 : i32
      %ne3A_732 = arith.constant 0 : i32
      %ne3A_733 = arith.cmpi ne, %rem3A_731, %ne3A_732 : i32
      %lt3A_734 = arith.constant 0 : i32
      %lt3A_735 = arith.cmpi slt, %rem3A_731, %lt3A_734 : i32
      %lt3A_736 = arith.constant 0 : i32
      %lt3A_737 = arith.cmpi slt, %select_n3A_730, %lt3A_736 : i32
      %ne3A_738 = arith.xori %lt3A_735, %lt3A_737 : i1
      %and3A_739 = arith.andi %ne3A_738, %ne3A_733 : i1
      %add3A_740 = arith.addi %rem3A_731, %select_n3A_730 : i32
      %select_n3A_741 = arith.select %and3A_739, %add3A_740, %rem3A_731 : i32
      %dma_start3A_742 = arith.constant 2 : i32
      %dma_start3A_743 = arith.constant 2 : i32
      %dma_start3A_744 = arith.constant 0 : i32
      %dma_start3A_745 = arith.constant 0 : i32
      %dma_start3A_746 = tpu.memref_slice %arg12[%dma_start3A_742, %dma_start3A_744, %dma_start3A_745] : memref<4x80x128xf32, #tpu.memory_space<vmem>> -> memref<1x80x128xf32, #tpu.memory_space<vmem>>
      %dma_start3A_747 = tpu.memref_squeeze %dma_start3A_746 : memref<1x80x128xf32, #tpu.memory_space<vmem>> -> memref<80x128xf32, #tpu.memory_space<vmem>>
      %dma_start3A_748 = arith.constant 0 : i32
      %dma_start3A_749 = tpu.memref_slice %arg11[%select_n3A_741, %dma_start3A_748] : memref<8x80xi32, #tpu.memory_space<vmem>> -> memref<1x80xi32, #tpu.memory_space<vmem>>
      %dma_start3A_750 = tpu.memref_squeeze %dma_start3A_749 : memref<1x80xi32, #tpu.memory_space<vmem>> -> memref<80xi32, #tpu.memory_space<vmem>>
      %dma_start3A_751 = arith.constant 0 : i32
      %dma_start3A_752 = arith.constant 0 : i32
      %dma_start3A_753 = tpu.memref_slice %arg8[%dma_start3A_751, %dma_start3A_752] : memref<10240x128xf32, #tpu.memory_space<vmem_shared>> -> memref<10240x128xf32, #tpu.memory_space<vmem_shared>>
      %dma_start3A_754 = tpu.memref_slice %arg19[%dma_start3A_743] : memref<4x!tpu.dma_semaphore, #tpu.memory_space<semaphore_mem>> -> memref<1x!tpu.dma_semaphore, #tpu.memory_space<semaphore_mem>>
      %dma_start3A_755 = tpu.memref_squeeze %dma_start3A_754 : memref<1x!tpu.dma_semaphore, #tpu.memory_space<semaphore_mem>> -> memref<!tpu.dma_semaphore, #tpu.memory_space<semaphore_mem>>
      tpu.enqueue_indirect_dma source(%dma_start3A_747 : memref<80x128xf32, #tpu.memory_space<vmem>>) target(%dma_start3A_753 : memref<10240x128xf32, #tpu.memory_space<vmem_shared>>) offsets(%dma_start3A_750 : memref<80xi32, #tpu.memory_space<vmem>>) semaphore(%dma_start3A_755 : memref<!tpu.dma_semaphore, #tpu.memory_space<semaphore_mem>>) {add = true}
      %dma_start3A_756 = arith.constant 2 : i32
      %dma_start3A_757 = arith.constant 0 : i32
      %dma_start3A_758 = tpu.memref_slice %arg11[%select_n3A_741, %dma_start3A_757] : memref<8x80xi32, #tpu.memory_space<vmem>> -> memref<1x80xi32, #tpu.memory_space<vmem>>
      %dma_start3A_759 = tpu.memref_squeeze %dma_start3A_758 : memref<1x80xi32, #tpu.memory_space<vmem>> -> memref<80xi32, #tpu.memory_space<vmem>>
      %dma_start3A_760 = arith.constant 0 : i32
      %dma_start3A_761 = tpu.memref_slice %arg9[%dma_start3A_760] : memref<10240xf32, #tpu.memory_space<vmem_shared>> -> memref<10240xf32, #tpu.memory_space<vmem_shared>>
      %dma_start3A_762 = tpu.memref_slice %arg19[%dma_start3A_756] : memref<4x!tpu.dma_semaphore, #tpu.memory_space<semaphore_mem>> -> memref<1x!tpu.dma_semaphore, #tpu.memory_space<semaphore_mem>>
      %dma_start3A_763 = tpu.memref_squeeze %dma_start3A_762 : memref<1x!tpu.dma_semaphore, #tpu.memory_space<semaphore_mem>> -> memref<!tpu.dma_semaphore, #tpu.memory_space<semaphore_mem>>
      tpu.enqueue_indirect_dma source(%arg13 : memref<80xf32, #tpu.memory_space<vmem>>) target(%dma_start3A_761 : memref<10240xf32, #tpu.memory_space<vmem_shared>>) offsets(%dma_start3A_759 : memref<80xi32, #tpu.memory_space<vmem>>) semaphore(%dma_start3A_763 : memref<!tpu.dma_semaphore, #tpu.memory_space<semaphore_mem>>) {add = true}
      %mul3A_764 = arith.constant 4 : i32
      %mul3A_765 = arith.muli %scan3A_385, %mul3A_764 : i32
      %add3A_766 = arith.constant 3 : i32
      %add3A_767 = arith.addi %mul3A_765, %add3A_766 : i32
      %ge3A_768 = arith.constant 2 : i32
      %ge3A_769 = arith.cmpi sge, %add3A_767, %ge3A_768 : i32
      %convert_element_type3A_770 = arith.extui %ge3A_769 : i1 to i32
      %cond3A_771 = arith.constant 0 : i32
      %cond3A_772 = arith.cmpi ne, %convert_element_type3A_770, %cond3A_771 : i32
      scf.if %cond3A_772 {
        %sub3A = arith.constant 2 : i32
        %sub3A_892 = arith.subi %add3A_767, %sub3A : i32
        %sub3A_893 = arith.constant 2 : i32
        %sub3A_894 = arith.subi %add3A_767, %sub3A_893 : i32
        %jit3A_895 = arith.constant 8 : i32
        %eq3A_896 = arith.constant 0 : i32
        %eq3A_897 = arith.cmpi eq, %jit3A_895, %eq3A_896 : i32
        %jit3A_898 = arith.constant 1 : i32
        %select_n3A_899 = arith.select %eq3A_897, %jit3A_898, %jit3A_895 : i32
        %rem3A_900 = arith.remsi %sub3A_894, %select_n3A_899 : i32
        %ne3A_901 = arith.constant 0 : i32
        %ne3A_902 = arith.cmpi ne, %rem3A_900, %ne3A_901 : i32
        %lt3A_903 = arith.constant 0 : i32
        %lt3A_904 = arith.cmpi slt, %rem3A_900, %lt3A_903 : i32
        %lt3A_905 = arith.constant 0 : i32
        %lt3A_906 = arith.cmpi slt, %select_n3A_899, %lt3A_905 : i32
        %ne3A_907 = arith.xori %lt3A_904, %lt3A_906 : i1
        %and3A_908 = arith.andi %ne3A_907, %ne3A_902 : i1
        %add3A_909 = arith.addi %rem3A_900, %select_n3A_899 : i32
        %select_n3A_910 = arith.select %and3A_908, %add3A_909, %rem3A_900 : i32
        %dma_wait3A_911 = arith.constant 1 : i32
        %dma_wait3A_912 = arith.constant 1 : i32
        %dma_wait3A_913 = arith.constant 0 : i32
        %dma_wait3A_914 = arith.constant 0 : i32
        %dma_wait3A_915 = tpu.memref_slice %arg12[%dma_wait3A_911, %dma_wait3A_913, %dma_wait3A_914] : memref<4x80x128xf32, #tpu.memory_space<vmem>> -> memref<1x80x128xf32, #tpu.memory_space<vmem>>
        %dma_wait3A_916 = tpu.memref_squeeze %dma_wait3A_915 : memref<1x80x128xf32, #tpu.memory_space<vmem>> -> memref<80x128xf32, #tpu.memory_space<vmem>>
        %dma_wait3A_917 = arith.constant 0 : i32
        %dma_wait3A_918 = tpu.memref_slice %arg11[%select_n3A_910, %dma_wait3A_917] : memref<8x80xi32, #tpu.memory_space<vmem>> -> memref<1x80xi32, #tpu.memory_space<vmem>>
        %dma_wait3A_919 = tpu.memref_squeeze %dma_wait3A_918 : memref<1x80xi32, #tpu.memory_space<vmem>> -> memref<80xi32, #tpu.memory_space<vmem>>
        %dma_wait3A_920 = arith.constant 0 : i32
        %dma_wait3A_921 = arith.constant 0 : i32
        %dma_wait3A_922 = tpu.memref_slice %arg8[%dma_wait3A_920, %dma_wait3A_921] : memref<10240x128xf32, #tpu.memory_space<vmem_shared>> -> memref<10240x128xf32, #tpu.memory_space<vmem_shared>>
        %dma_wait3A_923 = tpu.memref_slice %arg19[%dma_wait3A_912] : memref<4x!tpu.dma_semaphore, #tpu.memory_space<semaphore_mem>> -> memref<1x!tpu.dma_semaphore, #tpu.memory_space<semaphore_mem>>
        %dma_wait3A_924 = tpu.memref_squeeze %dma_wait3A_923 : memref<1x!tpu.dma_semaphore, #tpu.memory_space<semaphore_mem>> -> memref<!tpu.dma_semaphore, #tpu.memory_space<semaphore_mem>>
        tpu.wait_indirect_dma semaphore(%dma_wait3A_924 : memref<!tpu.dma_semaphore, #tpu.memory_space<semaphore_mem>>) src(%dma_wait3A_916 : memref<80x128xf32, #tpu.memory_space<vmem>>) dst(%dma_wait3A_922 : memref<10240x128xf32, #tpu.memory_space<vmem_shared>>)
        %dma_wait3A_925 = arith.constant 1 : i32
        %dma_wait3A_926 = arith.constant 0 : i32
        %dma_wait3A_927 = tpu.memref_slice %arg11[%select_n3A_910, %dma_wait3A_926] : memref<8x80xi32, #tpu.memory_space<vmem>> -> memref<1x80xi32, #tpu.memory_space<vmem>>
        %dma_wait3A_928 = tpu.memref_squeeze %dma_wait3A_927 : memref<1x80xi32, #tpu.memory_space<vmem>> -> memref<80xi32, #tpu.memory_space<vmem>>
        %dma_wait3A_929 = arith.constant 0 : i32
        %dma_wait3A_930 = tpu.memref_slice %arg9[%dma_wait3A_929] : memref<10240xf32, #tpu.memory_space<vmem_shared>> -> memref<10240xf32, #tpu.memory_space<vmem_shared>>
        %dma_wait3A_931 = tpu.memref_slice %arg19[%dma_wait3A_925] : memref<4x!tpu.dma_semaphore, #tpu.memory_space<semaphore_mem>> -> memref<1x!tpu.dma_semaphore, #tpu.memory_space<semaphore_mem>>
        %dma_wait3A_932 = tpu.memref_squeeze %dma_wait3A_931 : memref<1x!tpu.dma_semaphore, #tpu.memory_space<semaphore_mem>> -> memref<!tpu.dma_semaphore, #tpu.memory_space<semaphore_mem>>
        tpu.wait_indirect_dma semaphore(%dma_wait3A_932 : memref<!tpu.dma_semaphore, #tpu.memory_space<semaphore_mem>>) src(%arg13 : memref<80xf32, #tpu.memory_space<vmem>>) dst(%dma_wait3A_930 : memref<10240xf32, #tpu.memory_space<vmem_shared>>)
      } else {
      }
      %add3A_773 = arith.constant 3 : i32
      %add3A_774 = arith.addi %add3A_767, %add3A_773 : i32
      %lt3A_775 = arith.constant 125 : i32
      %lt3A_776 = arith.cmpi slt, %add3A_774, %lt3A_775 : i32
      %convert_element_type3A_777 = arith.extui %lt3A_776 : i1 to i32
      %cond3A_778 = arith.constant 0 : i32
      %cond3A_779 = arith.cmpi ne, %convert_element_type3A_777, %cond3A_778 : i32
      scf.if %cond3A_779 {
        %add3A_892 = arith.constant 3 : i32
        %add3A_893 = arith.addi %add3A_767, %add3A_892 : i32
        %mul3A_894 = arith.constant 80 : i32
        %mul3A_895 = arith.muli %add3A_893, %mul3A_894 : i32
        %add3A_896 = arith.addi %mul3A_2, %mul3A_895 : i32
        %jit3A_897 = arith.constant 4 : i32
        %eq3A_898 = arith.constant 0 : i32
        %eq3A_899 = arith.cmpi eq, %jit3A_897, %eq3A_898 : i32
        %jit3A_900 = arith.constant 1 : i32
        %select_n3A_901 = arith.select %eq3A_899, %jit3A_900, %jit3A_897 : i32
        %rem3A_902 = arith.remsi %add3A_893, %select_n3A_901 : i32
        %ne3A_903 = arith.constant 0 : i32
        %ne3A_904 = arith.cmpi ne, %rem3A_902, %ne3A_903 : i32
        %lt3A_905 = arith.constant 0 : i32
        %lt3A_906 = arith.cmpi slt, %rem3A_902, %lt3A_905 : i32
        %lt3A_907 = arith.constant 0 : i32
        %lt3A_908 = arith.cmpi slt, %select_n3A_901, %lt3A_907 : i32
        %ne3A_909 = arith.xori %lt3A_906, %lt3A_908 : i1
        %and3A_910 = arith.andi %ne3A_909, %ne3A_904 : i1
        %add3A_911 = arith.addi %rem3A_902, %select_n3A_901 : i32
        %select_n3A_912 = arith.select %and3A_910, %add3A_911, %rem3A_902 : i32
        %jit3A_913 = arith.constant 4 : i32
        %eq3A_914 = arith.constant 0 : i32
        %eq3A_915 = arith.cmpi eq, %jit3A_913, %eq3A_914 : i32
        %jit3A_916 = arith.constant 1 : i32
        %select_n3A_917 = arith.select %eq3A_915, %jit3A_916, %jit3A_913 : i32
        %rem3A_918 = arith.remsi %add3A_893, %select_n3A_917 : i32
        %ne3A_919 = arith.constant 0 : i32
        %ne3A_920 = arith.cmpi ne, %rem3A_918, %ne3A_919 : i32
        %lt3A_921 = arith.constant 0 : i32
        %lt3A_922 = arith.cmpi slt, %rem3A_918, %lt3A_921 : i32
        %lt3A_923 = arith.constant 0 : i32
        %lt3A_924 = arith.cmpi slt, %select_n3A_917, %lt3A_923 : i32
        %ne3A_925 = arith.xori %lt3A_922, %lt3A_924 : i1
        %and3A_926 = arith.andi %ne3A_925, %ne3A_920 : i1
        %add3A_927 = arith.addi %rem3A_918, %select_n3A_917 : i32
        %select_n3A_928 = arith.select %and3A_926, %add3A_927, %rem3A_918 : i32
        %dma_start3A_929 = arith.constant 0 : i32
        %dma_start3A_930 = tpu.memref_slice %arg10[%select_n3A_912, %dma_start3A_929] : memref<4x80xi32, #tpu.memory_space<vmem>> -> memref<1x80xi32, #tpu.memory_space<vmem>>
        %dma_start3A_931 = tpu.memref_squeeze %dma_start3A_930 : memref<1x80xi32, #tpu.memory_space<vmem>> -> memref<80xi32, #tpu.memory_space<vmem>>
        %dma_start3A_932 = tpu.memref_slice %arg3[%add3A_896] : memref<320000xi32, #tpu.memory_space<hbm>> -> memref<80xi32, #tpu.memory_space<hbm>>
        %dma_start3A_933 = tpu.memref_slice %arg15[%select_n3A_928] : memref<4x!tpu.dma_semaphore, #tpu.memory_space<semaphore_mem>> -> memref<1x!tpu.dma_semaphore, #tpu.memory_space<semaphore_mem>>
        %dma_start3A_934 = tpu.memref_squeeze %dma_start3A_933 : memref<1x!tpu.dma_semaphore, #tpu.memory_space<semaphore_mem>> -> memref<!tpu.dma_semaphore, #tpu.memory_space<semaphore_mem>>
        %dma_start3A_935 = arith.constant 0 : i32
        %dma_start3A_936 = tpu.memref_slice %arg10[%select_n3A_912, %dma_start3A_935] : memref<4x80xi32, #tpu.memory_space<vmem>> -> memref<1x80xi32, #tpu.memory_space<vmem>>
        %dma_start3A_937 = tpu.memref_squeeze %dma_start3A_936 : memref<1x80xi32, #tpu.memory_space<vmem>> -> memref<80xi32, #tpu.memory_space<vmem>>
        %dma_start3A_938 = tpu.memref_slice %arg3[%add3A_896] : memref<320000xi32, #tpu.memory_space<hbm>> -> memref<80xi32, #tpu.memory_space<hbm>>
        tpu.enqueue_dma source(%dma_start3A_938 : memref<80xi32, #tpu.memory_space<hbm>>) target(%dma_start3A_937 : memref<80xi32, #tpu.memory_space<vmem>>) target_semaphore(%dma_start3A_934 : memref<!tpu.dma_semaphore, #tpu.memory_space<semaphore_mem>>)
        %add3A_939 = arith.constant 3 : i32
        %add3A_940 = arith.addi %add3A_767, %add3A_939 : i32
        %mul3A_941 = arith.constant 80 : i32
        %mul3A_942 = arith.muli %add3A_940, %mul3A_941 : i32
        %add3A_943 = arith.addi %mul3A_2, %mul3A_942 : i32
        %jit3A_944 = arith.constant 8 : i32
        %eq3A_945 = arith.constant 0 : i32
        %eq3A_946 = arith.cmpi eq, %jit3A_944, %eq3A_945 : i32
        %jit3A_947 = arith.constant 1 : i32
        %select_n3A_948 = arith.select %eq3A_946, %jit3A_947, %jit3A_944 : i32
        %rem3A_949 = arith.remsi %add3A_940, %select_n3A_948 : i32
        %ne3A_950 = arith.constant 0 : i32
        %ne3A_951 = arith.cmpi ne, %rem3A_949, %ne3A_950 : i32
        %lt3A_952 = arith.constant 0 : i32
        %lt3A_953 = arith.cmpi slt, %rem3A_949, %lt3A_952 : i32
        %lt3A_954 = arith.constant 0 : i32
        %lt3A_955 = arith.cmpi slt, %select_n3A_948, %lt3A_954 : i32
        %ne3A_956 = arith.xori %lt3A_953, %lt3A_955 : i1
        %and3A_957 = arith.andi %ne3A_956, %ne3A_951 : i1
        %add3A_958 = arith.addi %rem3A_949, %select_n3A_948 : i32
        %select_n3A_959 = arith.select %and3A_957, %add3A_958, %rem3A_949 : i32
        %jit3A_960 = arith.constant 8 : i32
        %eq3A_961 = arith.constant 0 : i32
        %eq3A_962 = arith.cmpi eq, %jit3A_960, %eq3A_961 : i32
        %jit3A_963 = arith.constant 1 : i32
        %select_n3A_964 = arith.select %eq3A_962, %jit3A_963, %jit3A_960 : i32
        %rem3A_965 = arith.remsi %add3A_940, %select_n3A_964 : i32
        %ne3A_966 = arith.constant 0 : i32
        %ne3A_967 = arith.cmpi ne, %rem3A_965, %ne3A_966 : i32
        %lt3A_968 = arith.constant 0 : i32
        %lt3A_969 = arith.cmpi slt, %rem3A_965, %lt3A_968 : i32
        %lt3A_970 = arith.constant 0 : i32
        %lt3A_971 = arith.cmpi slt, %select_n3A_964, %lt3A_970 : i32
        %ne3A_972 = arith.xori %lt3A_969, %lt3A_971 : i1
        %and3A_973 = arith.andi %ne3A_972, %ne3A_967 : i1
        %add3A_974 = arith.addi %rem3A_965, %select_n3A_964 : i32
        %select_n3A_975 = arith.select %and3A_973, %add3A_974, %rem3A_965 : i32
        %dma_start3A_976 = arith.constant 0 : i32
        %dma_start3A_977 = tpu.memref_slice %arg11[%select_n3A_959, %dma_start3A_976] : memref<8x80xi32, #tpu.memory_space<vmem>> -> memref<1x80xi32, #tpu.memory_space<vmem>>
        %dma_start3A_978 = tpu.memref_squeeze %dma_start3A_977 : memref<1x80xi32, #tpu.memory_space<vmem>> -> memref<80xi32, #tpu.memory_space<vmem>>
        %dma_start3A_979 = tpu.memref_slice %arg4[%add3A_943] : memref<320000xi32, #tpu.memory_space<hbm>> -> memref<80xi32, #tpu.memory_space<hbm>>
        %dma_start3A_980 = tpu.memref_slice %arg16[%select_n3A_975] : memref<8x!tpu.dma_semaphore, #tpu.memory_space<semaphore_mem>> -> memref<1x!tpu.dma_semaphore, #tpu.memory_space<semaphore_mem>>
        %dma_start3A_981 = tpu.memref_squeeze %dma_start3A_980 : memref<1x!tpu.dma_semaphore, #tpu.memory_space<semaphore_mem>> -> memref<!tpu.dma_semaphore, #tpu.memory_space<semaphore_mem>>
        %dma_start3A_982 = arith.constant 0 : i32
        %dma_start3A_983 = tpu.memref_slice %arg11[%select_n3A_959, %dma_start3A_982] : memref<8x80xi32, #tpu.memory_space<vmem>> -> memref<1x80xi32, #tpu.memory_space<vmem>>
        %dma_start3A_984 = tpu.memref_squeeze %dma_start3A_983 : memref<1x80xi32, #tpu.memory_space<vmem>> -> memref<80xi32, #tpu.memory_space<vmem>>
        %dma_start3A_985 = tpu.memref_slice %arg4[%add3A_943] : memref<320000xi32, #tpu.memory_space<hbm>> -> memref<80xi32, #tpu.memory_space<hbm>>
        tpu.enqueue_dma source(%dma_start3A_985 : memref<80xi32, #tpu.memory_space<hbm>>) target(%dma_start3A_984 : memref<80xi32, #tpu.memory_space<vmem>>) target_semaphore(%dma_start3A_981 : memref<!tpu.dma_semaphore, #tpu.memory_space<semaphore_mem>>)
      } else {
      }
      %add3A_780 = arith.constant 2 : i32
      %add3A_781 = arith.addi %add3A_767, %add3A_780 : i32
      %lt3A_782 = arith.constant 125 : i32
      %lt3A_783 = arith.cmpi slt, %add3A_781, %lt3A_782 : i32
      %convert_element_type3A_784 = arith.extui %lt3A_783 : i1 to i32
      %cond3A_785 = arith.constant 0 : i32
      %cond3A_786 = arith.cmpi ne, %convert_element_type3A_784, %cond3A_785 : i32
      scf.if %cond3A_786 {
        %add3A_892 = arith.constant 2 : i32
        %add3A_893 = arith.addi %add3A_767, %add3A_892 : i32
        %mul3A_894 = arith.constant 80 : i32
        %mul3A_895 = arith.muli %add3A_893, %mul3A_894 : i32
        %add3A_896 = arith.addi %mul3A_2, %mul3A_895 : i32
        %dma_start3A_897 = arith.constant 1 : i32
        %dma_start3A_898 = arith.constant 1 : i32
        %dma_start3A_899 = arith.constant 0 : i32
        %dma_start3A_900 = arith.constant 0 : i32
        %dma_start3A_901 = tpu.memref_slice %arg12[%dma_start3A_897, %dma_start3A_899, %dma_start3A_900] : memref<4x80x128xf32, #tpu.memory_space<vmem>> -> memref<1x80x128xf32, #tpu.memory_space<vmem>>
        %dma_start3A_902 = tpu.memref_squeeze %dma_start3A_901 : memref<1x80x128xf32, #tpu.memory_space<vmem>> -> memref<80x128xf32, #tpu.memory_space<vmem>>
        %dma_start3A_903 = arith.constant 0 : i32
        %dma_start3A_904 = tpu.memref_slice %arg5[%add3A_896, %dma_start3A_903] : memref<320000x128xf32, #tpu.memory_space<hbm>> -> memref<80x128xf32, #tpu.memory_space<hbm>>
        %dma_start3A_905 = tpu.memref_slice %arg17[%dma_start3A_898] : memref<4x!tpu.dma_semaphore, #tpu.memory_space<semaphore_mem>> -> memref<1x!tpu.dma_semaphore, #tpu.memory_space<semaphore_mem>>
        %dma_start3A_906 = tpu.memref_squeeze %dma_start3A_905 : memref<1x!tpu.dma_semaphore, #tpu.memory_space<semaphore_mem>> -> memref<!tpu.dma_semaphore, #tpu.memory_space<semaphore_mem>>
        %dma_start3A_907 = arith.constant 0 : i32
        %dma_start3A_908 = arith.constant 0 : i32
        %dma_start3A_909 = tpu.memref_slice %arg12[%dma_start3A_897, %dma_start3A_907, %dma_start3A_908] : memref<4x80x128xf32, #tpu.memory_space<vmem>> -> memref<1x80x128xf32, #tpu.memory_space<vmem>>
        %dma_start3A_910 = tpu.memref_squeeze %dma_start3A_909 : memref<1x80x128xf32, #tpu.memory_space<vmem>> -> memref<80x128xf32, #tpu.memory_space<vmem>>
        %dma_start3A_911 = arith.constant 0 : i32
        %dma_start3A_912 = tpu.memref_slice %arg5[%add3A_896, %dma_start3A_911] : memref<320000x128xf32, #tpu.memory_space<hbm>> -> memref<80x128xf32, #tpu.memory_space<hbm>>
        tpu.enqueue_dma source(%dma_start3A_912 : memref<80x128xf32, #tpu.memory_space<hbm>>) target(%dma_start3A_910 : memref<80x128xf32, #tpu.memory_space<vmem>>) target_semaphore(%dma_start3A_906 : memref<!tpu.dma_semaphore, #tpu.memory_space<semaphore_mem>>)
      } else {
      }
      %add3A_787 = arith.constant 1 : i32
      %add3A_788 = arith.addi %add3A_767, %add3A_787 : i32
      %lt3A_789 = arith.constant 125 : i32
      %lt3A_790 = arith.cmpi slt, %add3A_788, %lt3A_789 : i32
      %convert_element_type3A_791 = arith.extui %lt3A_790 : i1 to i32
      %cond3A_792 = arith.constant 0 : i32
      %cond3A_793 = arith.cmpi ne, %convert_element_type3A_791, %cond3A_792 : i32
      scf.if %cond3A_793 {
        %add3A_892 = arith.constant 1 : i32
        %add3A_893 = arith.addi %add3A_767, %add3A_892 : i32
        %mul3A_894 = arith.constant 80 : i32
        %mul3A_895 = arith.muli %add3A_893, %mul3A_894 : i32
        %add3A_896 = arith.addi %mul3A_2, %mul3A_895 : i32
        %dma_wait3A_897 = arith.constant 0 : i32
        %dma_wait3A_898 = arith.constant 0 : i32
        %dma_wait3A_899 = arith.constant 0 : i32
        %dma_wait3A_900 = arith.constant 0 : i32
        %dma_wait3A_901 = tpu.memref_slice %arg12[%dma_wait3A_897, %dma_wait3A_899, %dma_wait3A_900] : memref<4x80x128xf32, #tpu.memory_space<vmem>> -> memref<1x80x128xf32, #tpu.memory_space<vmem>>
        %dma_wait3A_902 = tpu.memref_squeeze %dma_wait3A_901 : memref<1x80x128xf32, #tpu.memory_space<vmem>> -> memref<80x128xf32, #tpu.memory_space<vmem>>
        %dma_wait3A_903 = arith.constant 0 : i32
        %dma_wait3A_904 = tpu.memref_slice %arg5[%add3A_896, %dma_wait3A_903] : memref<320000x128xf32, #tpu.memory_space<hbm>> -> memref<80x128xf32, #tpu.memory_space<hbm>>
        %dma_wait3A_905 = tpu.memref_slice %arg17[%dma_wait3A_898] : memref<4x!tpu.dma_semaphore, #tpu.memory_space<semaphore_mem>> -> memref<1x!tpu.dma_semaphore, #tpu.memory_space<semaphore_mem>>
        %dma_wait3A_906 = tpu.memref_squeeze %dma_wait3A_905 : memref<1x!tpu.dma_semaphore, #tpu.memory_space<semaphore_mem>> -> memref<!tpu.dma_semaphore, #tpu.memory_space<semaphore_mem>>
        %dma_wait3A_907 = arith.constant 0 : i32
        %dma_wait3A_908 = arith.constant 0 : i32
        %dma_wait3A_909 = tpu.memref_slice %arg12[%dma_wait3A_897, %dma_wait3A_907, %dma_wait3A_908] : memref<4x80x128xf32, #tpu.memory_space<vmem>> -> memref<1x80x128xf32, #tpu.memory_space<vmem>>
        %dma_wait3A_910 = tpu.memref_squeeze %dma_wait3A_909 : memref<1x80x128xf32, #tpu.memory_space<vmem>> -> memref<80x128xf32, #tpu.memory_space<vmem>>
        %dma_wait3A_911 = arith.constant 0 : i32
        %dma_wait3A_912 = tpu.memref_slice %arg5[%add3A_896, %dma_wait3A_911] : memref<320000x128xf32, #tpu.memory_space<hbm>> -> memref<80x128xf32, #tpu.memory_space<hbm>>
        tpu.wait_dma2 semaphore(%dma_wait3A_906 : memref<!tpu.dma_semaphore, #tpu.memory_space<semaphore_mem>>) src(%dma_wait3A_912 : memref<80x128xf32, #tpu.memory_space<hbm>>) dst(%dma_wait3A_910 : memref<80x128xf32, #tpu.memory_space<vmem>>)
        %add3A_913 = arith.constant 1 : i32
        %add3A_914 = arith.addi %add3A_767, %add3A_913 : i32
        %mul3A_915 = arith.constant 80 : i32
        %mul3A_916 = arith.muli %add3A_914, %mul3A_915 : i32
        %add3A_917 = arith.addi %mul3A_2, %mul3A_916 : i32
        %jit3A_918 = arith.constant 4 : i32
        %eq3A_919 = arith.constant 0 : i32
        %eq3A_920 = arith.cmpi eq, %jit3A_918, %eq3A_919 : i32
        %jit3A_921 = arith.constant 1 : i32
        %select_n3A_922 = arith.select %eq3A_920, %jit3A_921, %jit3A_918 : i32
        %rem3A_923 = arith.remsi %add3A_914, %select_n3A_922 : i32
        %ne3A_924 = arith.constant 0 : i32
        %ne3A_925 = arith.cmpi ne, %rem3A_923, %ne3A_924 : i32
        %lt3A_926 = arith.constant 0 : i32
        %lt3A_927 = arith.cmpi slt, %rem3A_923, %lt3A_926 : i32
        %lt3A_928 = arith.constant 0 : i32
        %lt3A_929 = arith.cmpi slt, %select_n3A_922, %lt3A_928 : i32
        %ne3A_930 = arith.xori %lt3A_927, %lt3A_929 : i1
        %and3A_931 = arith.andi %ne3A_930, %ne3A_925 : i1
        %add3A_932 = arith.addi %rem3A_923, %select_n3A_922 : i32
        %select_n3A_933 = arith.select %and3A_931, %add3A_932, %rem3A_923 : i32
        %jit3A_934 = arith.constant 4 : i32
        %eq3A_935 = arith.constant 0 : i32
        %eq3A_936 = arith.cmpi eq, %jit3A_934, %eq3A_935 : i32
        %jit3A_937 = arith.constant 1 : i32
        %select_n3A_938 = arith.select %eq3A_936, %jit3A_937, %jit3A_934 : i32
        %rem3A_939 = arith.remsi %add3A_914, %select_n3A_938 : i32
        %ne3A_940 = arith.constant 0 : i32
        %ne3A_941 = arith.cmpi ne, %rem3A_939, %ne3A_940 : i32
        %lt3A_942 = arith.constant 0 : i32
        %lt3A_943 = arith.cmpi slt, %rem3A_939, %lt3A_942 : i32
        %lt3A_944 = arith.constant 0 : i32
        %lt3A_945 = arith.cmpi slt, %select_n3A_938, %lt3A_944 : i32
        %ne3A_946 = arith.xori %lt3A_943, %lt3A_945 : i1
        %and3A_947 = arith.andi %ne3A_946, %ne3A_941 : i1
        %add3A_948 = arith.addi %rem3A_939, %select_n3A_938 : i32
        %select_n3A_949 = arith.select %and3A_947, %add3A_948, %rem3A_939 : i32
        %dma_wait3A_950 = arith.constant 0 : i32
        %dma_wait3A_951 = tpu.memref_slice %arg10[%select_n3A_933, %dma_wait3A_950] : memref<4x80xi32, #tpu.memory_space<vmem>> -> memref<1x80xi32, #tpu.memory_space<vmem>>
        %dma_wait3A_952 = tpu.memref_squeeze %dma_wait3A_951 : memref<1x80xi32, #tpu.memory_space<vmem>> -> memref<80xi32, #tpu.memory_space<vmem>>
        %dma_wait3A_953 = tpu.memref_slice %arg3[%add3A_917] : memref<320000xi32, #tpu.memory_space<hbm>> -> memref<80xi32, #tpu.memory_space<hbm>>
        %dma_wait3A_954 = tpu.memref_slice %arg15[%select_n3A_949] : memref<4x!tpu.dma_semaphore, #tpu.memory_space<semaphore_mem>> -> memref<1x!tpu.dma_semaphore, #tpu.memory_space<semaphore_mem>>
        %dma_wait3A_955 = tpu.memref_squeeze %dma_wait3A_954 : memref<1x!tpu.dma_semaphore, #tpu.memory_space<semaphore_mem>> -> memref<!tpu.dma_semaphore, #tpu.memory_space<semaphore_mem>>
        %dma_wait3A_956 = arith.constant 0 : i32
        %dma_wait3A_957 = tpu.memref_slice %arg10[%select_n3A_933, %dma_wait3A_956] : memref<4x80xi32, #tpu.memory_space<vmem>> -> memref<1x80xi32, #tpu.memory_space<vmem>>
        %dma_wait3A_958 = tpu.memref_squeeze %dma_wait3A_957 : memref<1x80xi32, #tpu.memory_space<vmem>> -> memref<80xi32, #tpu.memory_space<vmem>>
        %dma_wait3A_959 = tpu.memref_slice %arg3[%add3A_917] : memref<320000xi32, #tpu.memory_space<hbm>> -> memref<80xi32, #tpu.memory_space<hbm>>
        tpu.wait_dma2 semaphore(%dma_wait3A_955 : memref<!tpu.dma_semaphore, #tpu.memory_space<semaphore_mem>>) src(%dma_wait3A_959 : memref<80xi32, #tpu.memory_space<hbm>>) dst(%dma_wait3A_958 : memref<80xi32, #tpu.memory_space<vmem>>)
        %add3A_960 = arith.constant 1 : i32
        %add3A_961 = arith.addi %add3A_767, %add3A_960 : i32
        %dma_start3A_962 = arith.constant 0 : i32
        %dma_start3A_963 = arith.constant 0 : i32
        %dma_start3A_964 = arith.constant 0 : i32
        %dma_start3A_965 = arith.constant 0 : i32
        %dma_start3A_966 = arith.constant 0 : i32
        %dma_start3A_967 = tpu.memref_slice %arg12[%dma_start3A_963, %dma_start3A_965, %dma_start3A_966] : memref<4x80x128xf32, #tpu.memory_space<vmem>> -> memref<1x80x128xf32, #tpu.memory_space<vmem>>
        %dma_start3A_968 = tpu.memref_squeeze %dma_start3A_967 : memref<1x80x128xf32, #tpu.memory_space<vmem>> -> memref<80x128xf32, #tpu.memory_space<vmem>>
        %dma_start3A_969 = arith.constant 0 : i32
        %dma_start3A_970 = tpu.memref_slice %arg10[%dma_start3A_962, %dma_start3A_969] : memref<4x80xi32, #tpu.memory_space<vmem>> -> memref<1x80xi32, #tpu.memory_space<vmem>>
        %dma_start3A_971 = tpu.memref_squeeze %dma_start3A_970 : memref<1x80xi32, #tpu.memory_space<vmem>> -> memref<80xi32, #tpu.memory_space<vmem>>
        %dma_start3A_972 = arith.constant 0 : i32
        %dma_start3A_973 = arith.constant 0 : i32
        %dma_start3A_974 = tpu.memref_slice %arg2[%dma_start3A_972, %dma_start3A_973] : memref<10000x128xf32, #tpu.memory_space<hbm>> -> memref<10000x128xf32, #tpu.memory_space<hbm>>
        %dma_start3A_975 = tpu.memref_slice %arg18[%dma_start3A_964] : memref<4x!tpu.dma_semaphore, #tpu.memory_space<semaphore_mem>> -> memref<1x!tpu.dma_semaphore, #tpu.memory_space<semaphore_mem>>
        %dma_start3A_976 = tpu.memref_squeeze %dma_start3A_975 : memref<1x!tpu.dma_semaphore, #tpu.memory_space<semaphore_mem>> -> memref<!tpu.dma_semaphore, #tpu.memory_space<semaphore_mem>>
        tpu.enqueue_indirect_dma source(%dma_start3A_974 : memref<10000x128xf32, #tpu.memory_space<hbm>>) target(%dma_start3A_968 : memref<80x128xf32, #tpu.memory_space<vmem>>) offsets(%dma_start3A_971 : memref<80xi32, #tpu.memory_space<vmem>>) semaphore(%dma_start3A_976 : memref<!tpu.dma_semaphore, #tpu.memory_space<semaphore_mem>>) {add = true}
      } else {
      }
      %dma_wait3A_794 = arith.constant 3 : i32
      %dma_wait3A_795 = arith.constant 3 : i32
      %dma_wait3A_796 = arith.constant 3 : i32
      %dma_wait3A_797 = arith.constant 0 : i32
      %dma_wait3A_798 = arith.constant 0 : i32
      %dma_wait3A_799 = tpu.memref_slice %arg12[%dma_wait3A_795, %dma_wait3A_797, %dma_wait3A_798] : memref<4x80x128xf32, #tpu.memory_space<vmem>> -> memref<1x80x128xf32, #tpu.memory_space<vmem>>
      %dma_wait3A_800 = tpu.memref_squeeze %dma_wait3A_799 : memref<1x80x128xf32, #tpu.memory_space<vmem>> -> memref<80x128xf32, #tpu.memory_space<vmem>>
      %dma_wait3A_801 = arith.constant 0 : i32
      %dma_wait3A_802 = tpu.memref_slice %arg10[%dma_wait3A_794, %dma_wait3A_801] : memref<4x80xi32, #tpu.memory_space<vmem>> -> memref<1x80xi32, #tpu.memory_space<vmem>>
      %dma_wait3A_803 = tpu.memref_squeeze %dma_wait3A_802 : memref<1x80xi32, #tpu.memory_space<vmem>> -> memref<80xi32, #tpu.memory_space<vmem>>
      %dma_wait3A_804 = arith.constant 0 : i32
      %dma_wait3A_805 = arith.constant 0 : i32
      %dma_wait3A_806 = tpu.memref_slice %arg2[%dma_wait3A_804, %dma_wait3A_805] : memref<10000x128xf32, #tpu.memory_space<hbm>> -> memref<10000x128xf32, #tpu.memory_space<hbm>>
      %dma_wait3A_807 = tpu.memref_slice %arg18[%dma_wait3A_796] : memref<4x!tpu.dma_semaphore, #tpu.memory_space<semaphore_mem>> -> memref<1x!tpu.dma_semaphore, #tpu.memory_space<semaphore_mem>>
      %dma_wait3A_808 = tpu.memref_squeeze %dma_wait3A_807 : memref<1x!tpu.dma_semaphore, #tpu.memory_space<semaphore_mem>> -> memref<!tpu.dma_semaphore, #tpu.memory_space<semaphore_mem>>
      tpu.wait_indirect_dma semaphore(%dma_wait3A_808 : memref<!tpu.dma_semaphore, #tpu.memory_space<semaphore_mem>>) src(%dma_wait3A_806 : memref<10000x128xf32, #tpu.memory_space<hbm>>) dst(%dma_wait3A_800 : memref<80x128xf32, #tpu.memory_space<vmem>>)
      %mul3A_809 = arith.constant 80 : i32
      %mul3A_810 = arith.muli %add3A_767, %mul3A_809 : i32
      %add3A_811 = arith.addi %mul3A_2, %mul3A_810 : i32
      %jit3A_812 = arith.constant 8 : i32
      %eq3A_813 = arith.constant 0 : i32
      %eq3A_814 = arith.cmpi eq, %jit3A_812, %eq3A_813 : i32
      %jit3A_815 = arith.constant 1 : i32
      %select_n3A_816 = arith.select %eq3A_814, %jit3A_815, %jit3A_812 : i32
      %rem3A_817 = arith.remsi %add3A_767, %select_n3A_816 : i32
      %ne3A_818 = arith.constant 0 : i32
      %ne3A_819 = arith.cmpi ne, %rem3A_817, %ne3A_818 : i32
      %lt3A_820 = arith.constant 0 : i32
      %lt3A_821 = arith.cmpi slt, %rem3A_817, %lt3A_820 : i32
      %lt3A_822 = arith.constant 0 : i32
      %lt3A_823 = arith.cmpi slt, %select_n3A_816, %lt3A_822 : i32
      %ne3A_824 = arith.xori %lt3A_821, %lt3A_823 : i1
      %and3A_825 = arith.andi %ne3A_824, %ne3A_819 : i1
      %add3A_826 = arith.addi %rem3A_817, %select_n3A_816 : i32
      %select_n3A_827 = arith.select %and3A_825, %add3A_826, %rem3A_817 : i32
      %jit3A_828 = arith.constant 8 : i32
      %eq3A_829 = arith.constant 0 : i32
      %eq3A_830 = arith.cmpi eq, %jit3A_828, %eq3A_829 : i32
      %jit3A_831 = arith.constant 1 : i32
      %select_n3A_832 = arith.select %eq3A_830, %jit3A_831, %jit3A_828 : i32
      %rem3A_833 = arith.remsi %add3A_767, %select_n3A_832 : i32
      %ne3A_834 = arith.constant 0 : i32
      %ne3A_835 = arith.cmpi ne, %rem3A_833, %ne3A_834 : i32
      %lt3A_836 = arith.constant 0 : i32
      %lt3A_837 = arith.cmpi slt, %rem3A_833, %lt3A_836 : i32
      %lt3A_838 = arith.constant 0 : i32
      %lt3A_839 = arith.cmpi slt, %select_n3A_832, %lt3A_838 : i32
      %ne3A_840 = arith.xori %lt3A_837, %lt3A_839 : i1
      %and3A_841 = arith.andi %ne3A_840, %ne3A_835 : i1
      %add3A_842 = arith.addi %rem3A_833, %select_n3A_832 : i32
      %select_n3A_843 = arith.select %and3A_841, %add3A_842, %rem3A_833 : i32
      %dma_wait3A_844 = arith.constant 0 : i32
      %dma_wait3A_845 = tpu.memref_slice %arg11[%select_n3A_827, %dma_wait3A_844] : memref<8x80xi32, #tpu.memory_space<vmem>> -> memref<1x80xi32, #tpu.memory_space<vmem>>
      %dma_wait3A_846 = tpu.memref_squeeze %dma_wait3A_845 : memref<1x80xi32, #tpu.memory_space<vmem>> -> memref<80xi32, #tpu.memory_space<vmem>>
      %dma_wait3A_847 = tpu.memref_slice %arg4[%add3A_811] : memref<320000xi32, #tpu.memory_space<hbm>> -> memref<80xi32, #tpu.memory_space<hbm>>
      %dma_wait3A_848 = tpu.memref_slice %arg16[%select_n3A_843] : memref<8x!tpu.dma_semaphore, #tpu.memory_space<semaphore_mem>> -> memref<1x!tpu.dma_semaphore, #tpu.memory_space<semaphore_mem>>
      %dma_wait3A_849 = tpu.memref_squeeze %dma_wait3A_848 : memref<1x!tpu.dma_semaphore, #tpu.memory_space<semaphore_mem>> -> memref<!tpu.dma_semaphore, #tpu.memory_space<semaphore_mem>>
      %dma_wait3A_850 = arith.constant 0 : i32
      %dma_wait3A_851 = tpu.memref_slice %arg11[%select_n3A_827, %dma_wait3A_850] : memref<8x80xi32, #tpu.memory_space<vmem>> -> memref<1x80xi32, #tpu.memory_space<vmem>>
      %dma_wait3A_852 = tpu.memref_squeeze %dma_wait3A_851 : memref<1x80xi32, #tpu.memory_space<vmem>> -> memref<80xi32, #tpu.memory_space<vmem>>
      %dma_wait3A_853 = tpu.memref_slice %arg4[%add3A_811] : memref<320000xi32, #tpu.memory_space<hbm>> -> memref<80xi32, #tpu.memory_space<hbm>>
      tpu.wait_dma2 semaphore(%dma_wait3A_849 : memref<!tpu.dma_semaphore, #tpu.memory_space<semaphore_mem>>) src(%dma_wait3A_853 : memref<80xi32, #tpu.memory_space<hbm>>) dst(%dma_wait3A_852 : memref<80xi32, #tpu.memory_space<vmem>>)
      %jit3A_854 = arith.constant 8 : i32
      %eq3A_855 = arith.constant 0 : i32
      %eq3A_856 = arith.cmpi eq, %jit3A_854, %eq3A_855 : i32
      %jit3A_857 = arith.constant 1 : i32
      %select_n3A_858 = arith.select %eq3A_856, %jit3A_857, %jit3A_854 : i32
      %rem3A_859 = arith.remsi %add3A_767, %select_n3A_858 : i32
      %ne3A_860 = arith.constant 0 : i32
      %ne3A_861 = arith.cmpi ne, %rem3A_859, %ne3A_860 : i32
      %lt3A_862 = arith.constant 0 : i32
      %lt3A_863 = arith.cmpi slt, %rem3A_859, %lt3A_862 : i32
      %lt3A_864 = arith.constant 0 : i32
      %lt3A_865 = arith.cmpi slt, %select_n3A_858, %lt3A_864 : i32
      %ne3A_866 = arith.xori %lt3A_863, %lt3A_865 : i1
      %and3A_867 = arith.andi %ne3A_866, %ne3A_861 : i1
      %add3A_868 = arith.addi %rem3A_859, %select_n3A_858 : i32
      %select_n3A_869 = arith.select %and3A_867, %add3A_868, %rem3A_859 : i32
      %dma_start3A_870 = arith.constant 3 : i32
      %dma_start3A_871 = arith.constant 3 : i32
      %dma_start3A_872 = arith.constant 0 : i32
      %dma_start3A_873 = arith.constant 0 : i32
      %dma_start3A_874 = tpu.memref_slice %arg12[%dma_start3A_870, %dma_start3A_872, %dma_start3A_873] : memref<4x80x128xf32, #tpu.memory_space<vmem>> -> memref<1x80x128xf32, #tpu.memory_space<vmem>>
      %dma_start3A_875 = tpu.memref_squeeze %dma_start3A_874 : memref<1x80x128xf32, #tpu.memory_space<vmem>> -> memref<80x128xf32, #tpu.memory_space<vmem>>
      %dma_start3A_876 = arith.constant 0 : i32
      %dma_start3A_877 = tpu.memref_slice %arg11[%select_n3A_869, %dma_start3A_876] : memref<8x80xi32, #tpu.memory_space<vmem>> -> memref<1x80xi32, #tpu.memory_space<vmem>>
      %dma_start3A_878 = tpu.memref_squeeze %dma_start3A_877 : memref<1x80xi32, #tpu.memory_space<vmem>> -> memref<80xi32, #tpu.memory_space<vmem>>
      %dma_start3A_879 = arith.constant 0 : i32
      %dma_start3A_880 = arith.constant 0 : i32
      %dma_start3A_881 = tpu.memref_slice %arg8[%dma_start3A_879, %dma_start3A_880] : memref<10240x128xf32, #tpu.memory_space<vmem_shared>> -> memref<10240x128xf32, #tpu.memory_space<vmem_shared>>
      %dma_start3A_882 = tpu.memref_slice %arg19[%dma_start3A_871] : memref<4x!tpu.dma_semaphore, #tpu.memory_space<semaphore_mem>> -> memref<1x!tpu.dma_semaphore, #tpu.memory_space<semaphore_mem>>
      %dma_start3A_883 = tpu.memref_squeeze %dma_start3A_882 : memref<1x!tpu.dma_semaphore, #tpu.memory_space<semaphore_mem>> -> memref<!tpu.dma_semaphore, #tpu.memory_space<semaphore_mem>>
      tpu.enqueue_indirect_dma source(%dma_start3A_875 : memref<80x128xf32, #tpu.memory_space<vmem>>) target(%dma_start3A_881 : memref<10240x128xf32, #tpu.memory_space<vmem_shared>>) offsets(%dma_start3A_878 : memref<80xi32, #tpu.memory_space<vmem>>) semaphore(%dma_start3A_883 : memref<!tpu.dma_semaphore, #tpu.memory_space<semaphore_mem>>) {add = true}
      %dma_start3A_884 = arith.constant 3 : i32
      %dma_start3A_885 = arith.constant 0 : i32
      %dma_start3A_886 = tpu.memref_slice %arg11[%select_n3A_869, %dma_start3A_885] : memref<8x80xi32, #tpu.memory_space<vmem>> -> memref<1x80xi32, #tpu.memory_space<vmem>>
      %dma_start3A_887 = tpu.memref_squeeze %dma_start3A_886 : memref<1x80xi32, #tpu.memory_space<vmem>> -> memref<80xi32, #tpu.memory_space<vmem>>
      %dma_start3A_888 = arith.constant 0 : i32
      %dma_start3A_889 = tpu.memref_slice %arg9[%dma_start3A_888] : memref<10240xf32, #tpu.memory_space<vmem_shared>> -> memref<10240xf32, #tpu.memory_space<vmem_shared>>
      %dma_start3A_890 = tpu.memref_slice %arg19[%dma_start3A_884] : memref<4x!tpu.dma_semaphore, #tpu.memory_space<semaphore_mem>> -> memref<1x!tpu.dma_semaphore, #tpu.memory_space<semaphore_mem>>
      %dma_start3A_891 = tpu.memref_squeeze %dma_start3A_890 : memref<1x!tpu.dma_semaphore, #tpu.memory_space<semaphore_mem>> -> memref<!tpu.dma_semaphore, #tpu.memory_space<semaphore_mem>>
      tpu.enqueue_indirect_dma source(%arg13 : memref<80xf32, #tpu.memory_space<vmem>>) target(%dma_start3A_889 : memref<10240xf32, #tpu.memory_space<vmem_shared>>) offsets(%dma_start3A_887 : memref<80xi32, #tpu.memory_space<vmem>>) semaphore(%dma_start3A_891 : memref<!tpu.dma_semaphore, #tpu.memory_space<semaphore_mem>>) {add = true}
    }
    %scan3A_232 = arith.constant 31 : i32
    %dma_wait3A_233 = arith.constant 2 : i32
    %dma_wait3A_234 = arith.constant 2 : i32
    %dma_wait3A_235 = arith.constant 2 : i32
    %dma_wait3A_236 = arith.constant 0 : i32
    %dma_wait3A_237 = arith.constant 0 : i32
    %dma_wait3A_238 = tpu.memref_slice %arg12[%dma_wait3A_233, %dma_wait3A_236, %dma_wait3A_237] : memref<4x80x128xf32, #tpu.memory_space<vmem>> -> memref<1x80x128xf32, #tpu.memory_space<vmem>>
    %dma_wait3A_239 = tpu.memref_squeeze %dma_wait3A_238 : memref<1x80x128xf32, #tpu.memory_space<vmem>> -> memref<80x128xf32, #tpu.memory_space<vmem>>
    %dma_wait3A_240 = arith.constant 0 : i32
    %dma_wait3A_241 = tpu.memref_slice %arg11[%dma_wait3A_234, %dma_wait3A_240] : memref<8x80xi32, #tpu.memory_space<vmem>> -> memref<1x80xi32, #tpu.memory_space<vmem>>
    %dma_wait3A_242 = tpu.memref_squeeze %dma_wait3A_241 : memref<1x80xi32, #tpu.memory_space<vmem>> -> memref<80xi32, #tpu.memory_space<vmem>>
    %dma_wait3A_243 = arith.constant 0 : i32
    %dma_wait3A_244 = arith.constant 0 : i32
    %dma_wait3A_245 = tpu.memref_slice %arg8[%dma_wait3A_243, %dma_wait3A_244] : memref<10240x128xf32, #tpu.memory_space<vmem_shared>> -> memref<10240x128xf32, #tpu.memory_space<vmem_shared>>
    %dma_wait3A_246 = tpu.memref_slice %arg19[%dma_wait3A_235] : memref<4x!tpu.dma_semaphore, #tpu.memory_space<semaphore_mem>> -> memref<1x!tpu.dma_semaphore, #tpu.memory_space<semaphore_mem>>
    %dma_wait3A_247 = tpu.memref_squeeze %dma_wait3A_246 : memref<1x!tpu.dma_semaphore, #tpu.memory_space<semaphore_mem>> -> memref<!tpu.dma_semaphore, #tpu.memory_space<semaphore_mem>>
    tpu.wait_indirect_dma semaphore(%dma_wait3A_247 : memref<!tpu.dma_semaphore, #tpu.memory_space<semaphore_mem>>) src(%dma_wait3A_239 : memref<80x128xf32, #tpu.memory_space<vmem>>) dst(%dma_wait3A_245 : memref<10240x128xf32, #tpu.memory_space<vmem_shared>>)
    %dma_wait3A_248 = arith.constant 2 : i32
    %dma_wait3A_249 = arith.constant 2 : i32
    %dma_wait3A_250 = arith.constant 0 : i32
    %dma_wait3A_251 = tpu.memref_slice %arg11[%dma_wait3A_248, %dma_wait3A_250] : memref<8x80xi32, #tpu.memory_space<vmem>> -> memref<1x80xi32, #tpu.memory_space<vmem>>
    %dma_wait3A_252 = tpu.memref_squeeze %dma_wait3A_251 : memref<1x80xi32, #tpu.memory_space<vmem>> -> memref<80xi32, #tpu.memory_space<vmem>>
    %dma_wait3A_253 = arith.constant 0 : i32
    %dma_wait3A_254 = tpu.memref_slice %arg9[%dma_wait3A_253] : memref<10240xf32, #tpu.memory_space<vmem_shared>> -> memref<10240xf32, #tpu.memory_space<vmem_shared>>
    %dma_wait3A_255 = tpu.memref_slice %arg19[%dma_wait3A_249] : memref<4x!tpu.dma_semaphore, #tpu.memory_space<semaphore_mem>> -> memref<1x!tpu.dma_semaphore, #tpu.memory_space<semaphore_mem>>
    %dma_wait3A_256 = tpu.memref_squeeze %dma_wait3A_255 : memref<1x!tpu.dma_semaphore, #tpu.memory_space<semaphore_mem>> -> memref<!tpu.dma_semaphore, #tpu.memory_space<semaphore_mem>>
    tpu.wait_indirect_dma semaphore(%dma_wait3A_256 : memref<!tpu.dma_semaphore, #tpu.memory_space<semaphore_mem>>) src(%arg13 : memref<80xf32, #tpu.memory_space<vmem>>) dst(%dma_wait3A_254 : memref<10240xf32, #tpu.memory_space<vmem_shared>>)
    %dma_wait3A_257 = arith.constant 0 : i32
    %dma_wait3A_258 = arith.constant 0 : i32
    %dma_wait3A_259 = arith.constant 0 : i32
    %dma_wait3A_260 = arith.constant 0 : i32
    %dma_wait3A_261 = arith.constant 0 : i32
    %dma_wait3A_262 = tpu.memref_slice %arg12[%dma_wait3A_258, %dma_wait3A_260, %dma_wait3A_261] : memref<4x80x128xf32, #tpu.memory_space<vmem>> -> memref<1x80x128xf32, #tpu.memory_space<vmem>>
    %dma_wait3A_263 = tpu.memref_squeeze %dma_wait3A_262 : memref<1x80x128xf32, #tpu.memory_space<vmem>> -> memref<80x128xf32, #tpu.memory_space<vmem>>
    %dma_wait3A_264 = arith.constant 0 : i32
    %dma_wait3A_265 = tpu.memref_slice %arg10[%dma_wait3A_257, %dma_wait3A_264] : memref<4x80xi32, #tpu.memory_space<vmem>> -> memref<1x80xi32, #tpu.memory_space<vmem>>
    %dma_wait3A_266 = tpu.memref_squeeze %dma_wait3A_265 : memref<1x80xi32, #tpu.memory_space<vmem>> -> memref<80xi32, #tpu.memory_space<vmem>>
    %dma_wait3A_267 = arith.constant 0 : i32
    %dma_wait3A_268 = arith.constant 0 : i32
    %dma_wait3A_269 = tpu.memref_slice %arg2[%dma_wait3A_267, %dma_wait3A_268] : memref<10000x128xf32, #tpu.memory_space<hbm>> -> memref<10000x128xf32, #tpu.memory_space<hbm>>
    %dma_wait3A_270 = tpu.memref_slice %arg18[%dma_wait3A_259] : memref<4x!tpu.dma_semaphore, #tpu.memory_space<semaphore_mem>> -> memref<1x!tpu.dma_semaphore, #tpu.memory_space<semaphore_mem>>
    %dma_wait3A_271 = tpu.memref_squeeze %dma_wait3A_270 : memref<1x!tpu.dma_semaphore, #tpu.memory_space<semaphore_mem>> -> memref<!tpu.dma_semaphore, #tpu.memory_space<semaphore_mem>>
    tpu.wait_indirect_dma semaphore(%dma_wait3A_271 : memref<!tpu.dma_semaphore, #tpu.memory_space<semaphore_mem>>) src(%dma_wait3A_269 : memref<10000x128xf32, #tpu.memory_space<hbm>>) dst(%dma_wait3A_263 : memref<80x128xf32, #tpu.memory_space<vmem>>)
    %add3A_272 = arith.constant 9920 : i32
    %add3A_273 = arith.addi %mul3A_2, %add3A_272 : i32
    %dma_wait3A_274 = arith.constant 4 : i32
    %dma_wait3A_275 = arith.constant 4 : i32
    %dma_wait3A_276 = arith.constant 0 : i32
    %dma_wait3A_277 = tpu.memref_slice %arg11[%dma_wait3A_274, %dma_wait3A_276] : memref<8x80xi32, #tpu.memory_space<vmem>> -> memref<1x80xi32, #tpu.memory_space<vmem>>
    %dma_wait3A_278 = tpu.memref_squeeze %dma_wait3A_277 : memref<1x80xi32, #tpu.memory_space<vmem>> -> memref<80xi32, #tpu.memory_space<vmem>>
    %dma_wait3A_279 = tpu.memref_slice %arg4[%add3A_273] : memref<320000xi32, #tpu.memory_space<hbm>> -> memref<80xi32, #tpu.memory_space<hbm>>
    %dma_wait3A_280 = tpu.memref_slice %arg16[%dma_wait3A_275] : memref<8x!tpu.dma_semaphore, #tpu.memory_space<semaphore_mem>> -> memref<1x!tpu.dma_semaphore, #tpu.memory_space<semaphore_mem>>
    %dma_wait3A_281 = tpu.memref_squeeze %dma_wait3A_280 : memref<1x!tpu.dma_semaphore, #tpu.memory_space<semaphore_mem>> -> memref<!tpu.dma_semaphore, #tpu.memory_space<semaphore_mem>>
    %dma_wait3A_282 = arith.constant 0 : i32
    %dma_wait3A_283 = tpu.memref_slice %arg11[%dma_wait3A_274, %dma_wait3A_282] : memref<8x80xi32, #tpu.memory_space<vmem>> -> memref<1x80xi32, #tpu.memory_space<vmem>>
    %dma_wait3A_284 = tpu.memref_squeeze %dma_wait3A_283 : memref<1x80xi32, #tpu.memory_space<vmem>> -> memref<80xi32, #tpu.memory_space<vmem>>
    %dma_wait3A_285 = tpu.memref_slice %arg4[%add3A_273] : memref<320000xi32, #tpu.memory_space<hbm>> -> memref<80xi32, #tpu.memory_space<hbm>>
    tpu.wait_dma2 semaphore(%dma_wait3A_281 : memref<!tpu.dma_semaphore, #tpu.memory_space<semaphore_mem>>) src(%dma_wait3A_285 : memref<80xi32, #tpu.memory_space<hbm>>) dst(%dma_wait3A_284 : memref<80xi32, #tpu.memory_space<vmem>>)
    %dma_start3A_286 = arith.constant 0 : i32
    %dma_start3A_287 = arith.constant 4 : i32
    %dma_start3A_288 = arith.constant 0 : i32
    %dma_start3A_289 = arith.constant 0 : i32
    %dma_start3A_290 = arith.constant 0 : i32
    %dma_start3A_291 = tpu.memref_slice %arg12[%dma_start3A_286, %dma_start3A_289, %dma_start3A_290] : memref<4x80x128xf32, #tpu.memory_space<vmem>> -> memref<1x80x128xf32, #tpu.memory_space<vmem>>
    %dma_start3A_292 = tpu.memref_squeeze %dma_start3A_291 : memref<1x80x128xf32, #tpu.memory_space<vmem>> -> memref<80x128xf32, #tpu.memory_space<vmem>>
    %dma_start3A_293 = arith.constant 0 : i32
    %dma_start3A_294 = tpu.memref_slice %arg11[%dma_start3A_287, %dma_start3A_293] : memref<8x80xi32, #tpu.memory_space<vmem>> -> memref<1x80xi32, #tpu.memory_space<vmem>>
    %dma_start3A_295 = tpu.memref_squeeze %dma_start3A_294 : memref<1x80xi32, #tpu.memory_space<vmem>> -> memref<80xi32, #tpu.memory_space<vmem>>
    %dma_start3A_296 = arith.constant 0 : i32
    %dma_start3A_297 = arith.constant 0 : i32
    %dma_start3A_298 = tpu.memref_slice %arg8[%dma_start3A_296, %dma_start3A_297] : memref<10240x128xf32, #tpu.memory_space<vmem_shared>> -> memref<10240x128xf32, #tpu.memory_space<vmem_shared>>
    %dma_start3A_299 = tpu.memref_slice %arg19[%dma_start3A_288] : memref<4x!tpu.dma_semaphore, #tpu.memory_space<semaphore_mem>> -> memref<1x!tpu.dma_semaphore, #tpu.memory_space<semaphore_mem>>
    %dma_start3A_300 = tpu.memref_squeeze %dma_start3A_299 : memref<1x!tpu.dma_semaphore, #tpu.memory_space<semaphore_mem>> -> memref<!tpu.dma_semaphore, #tpu.memory_space<semaphore_mem>>
    tpu.enqueue_indirect_dma source(%dma_start3A_292 : memref<80x128xf32, #tpu.memory_space<vmem>>) target(%dma_start3A_298 : memref<10240x128xf32, #tpu.memory_space<vmem_shared>>) offsets(%dma_start3A_295 : memref<80xi32, #tpu.memory_space<vmem>>) semaphore(%dma_start3A_300 : memref<!tpu.dma_semaphore, #tpu.memory_space<semaphore_mem>>) {add = true}
    %dma_start3A_301 = arith.constant 4 : i32
    %dma_start3A_302 = arith.constant 0 : i32
    %dma_start3A_303 = arith.constant 0 : i32
    %dma_start3A_304 = tpu.memref_slice %arg11[%dma_start3A_301, %dma_start3A_303] : memref<8x80xi32, #tpu.memory_space<vmem>> -> memref<1x80xi32, #tpu.memory_space<vmem>>
    %dma_start3A_305 = tpu.memref_squeeze %dma_start3A_304 : memref<1x80xi32, #tpu.memory_space<vmem>> -> memref<80xi32, #tpu.memory_space<vmem>>
    %dma_start3A_306 = arith.constant 0 : i32
    %dma_start3A_307 = tpu.memref_slice %arg9[%dma_start3A_306] : memref<10240xf32, #tpu.memory_space<vmem_shared>> -> memref<10240xf32, #tpu.memory_space<vmem_shared>>
    %dma_start3A_308 = tpu.memref_slice %arg19[%dma_start3A_302] : memref<4x!tpu.dma_semaphore, #tpu.memory_space<semaphore_mem>> -> memref<1x!tpu.dma_semaphore, #tpu.memory_space<semaphore_mem>>
    %dma_start3A_309 = tpu.memref_squeeze %dma_start3A_308 : memref<1x!tpu.dma_semaphore, #tpu.memory_space<semaphore_mem>> -> memref<!tpu.dma_semaphore, #tpu.memory_space<semaphore_mem>>
    tpu.enqueue_indirect_dma source(%arg13 : memref<80xf32, #tpu.memory_space<vmem>>) target(%dma_start3A_307 : memref<10240xf32, #tpu.memory_space<vmem_shared>>) offsets(%dma_start3A_305 : memref<80xi32, #tpu.memory_space<vmem>>) semaphore(%dma_start3A_309 : memref<!tpu.dma_semaphore, #tpu.memory_space<semaphore_mem>>) {add = true}
    %dma_wait3A_310 = arith.constant 3 : i32
    %dma_wait3A_311 = arith.constant 3 : i32
    %dma_wait3A_312 = arith.constant 3 : i32
    %dma_wait3A_313 = arith.constant 0 : i32
    %dma_wait3A_314 = arith.constant 0 : i32
    %dma_wait3A_315 = tpu.memref_slice %arg12[%dma_wait3A_310, %dma_wait3A_313, %dma_wait3A_314] : memref<4x80x128xf32, #tpu.memory_space<vmem>> -> memref<1x80x128xf32, #tpu.memory_space<vmem>>
    %dma_wait3A_316 = tpu.memref_squeeze %dma_wait3A_315 : memref<1x80x128xf32, #tpu.memory_space<vmem>> -> memref<80x128xf32, #tpu.memory_space<vmem>>
    %dma_wait3A_317 = arith.constant 0 : i32
    %dma_wait3A_318 = tpu.memref_slice %arg11[%dma_wait3A_311, %dma_wait3A_317] : memref<8x80xi32, #tpu.memory_space<vmem>> -> memref<1x80xi32, #tpu.memory_space<vmem>>
    %dma_wait3A_319 = tpu.memref_squeeze %dma_wait3A_318 : memref<1x80xi32, #tpu.memory_space<vmem>> -> memref<80xi32, #tpu.memory_space<vmem>>
    %dma_wait3A_320 = arith.constant 0 : i32
    %dma_wait3A_321 = arith.constant 0 : i32
    %dma_wait3A_322 = tpu.memref_slice %arg8[%dma_wait3A_320, %dma_wait3A_321] : memref<10240x128xf32, #tpu.memory_space<vmem_shared>> -> memref<10240x128xf32, #tpu.memory_space<vmem_shared>>
    %dma_wait3A_323 = tpu.memref_slice %arg19[%dma_wait3A_312] : memref<4x!tpu.dma_semaphore, #tpu.memory_space<semaphore_mem>> -> memref<1x!tpu.dma_semaphore, #tpu.memory_space<semaphore_mem>>
    %dma_wait3A_324 = tpu.memref_squeeze %dma_wait3A_323 : memref<1x!tpu.dma_semaphore, #tpu.memory_space<semaphore_mem>> -> memref<!tpu.dma_semaphore, #tpu.memory_space<semaphore_mem>>
    tpu.wait_indirect_dma semaphore(%dma_wait3A_324 : memref<!tpu.dma_semaphore, #tpu.memory_space<semaphore_mem>>) src(%dma_wait3A_316 : memref<80x128xf32, #tpu.memory_space<vmem>>) dst(%dma_wait3A_322 : memref<10240x128xf32, #tpu.memory_space<vmem_shared>>)
    %dma_wait3A_325 = arith.constant 3 : i32
    %dma_wait3A_326 = arith.constant 3 : i32
    %dma_wait3A_327 = arith.constant 0 : i32
    %dma_wait3A_328 = tpu.memref_slice %arg11[%dma_wait3A_325, %dma_wait3A_327] : memref<8x80xi32, #tpu.memory_space<vmem>> -> memref<1x80xi32, #tpu.memory_space<vmem>>
    %dma_wait3A_329 = tpu.memref_squeeze %dma_wait3A_328 : memref<1x80xi32, #tpu.memory_space<vmem>> -> memref<80xi32, #tpu.memory_space<vmem>>
    %dma_wait3A_330 = arith.constant 0 : i32
    %dma_wait3A_331 = tpu.memref_slice %arg9[%dma_wait3A_330] : memref<10240xf32, #tpu.memory_space<vmem_shared>> -> memref<10240xf32, #tpu.memory_space<vmem_shared>>
    %dma_wait3A_332 = tpu.memref_slice %arg19[%dma_wait3A_326] : memref<4x!tpu.dma_semaphore, #tpu.memory_space<semaphore_mem>> -> memref<1x!tpu.dma_semaphore, #tpu.memory_space<semaphore_mem>>
    %dma_wait3A_333 = tpu.memref_squeeze %dma_wait3A_332 : memref<1x!tpu.dma_semaphore, #tpu.memory_space<semaphore_mem>> -> memref<!tpu.dma_semaphore, #tpu.memory_space<semaphore_mem>>
    tpu.wait_indirect_dma semaphore(%dma_wait3A_333 : memref<!tpu.dma_semaphore, #tpu.memory_space<semaphore_mem>>) src(%arg13 : memref<80xf32, #tpu.memory_space<vmem>>) dst(%dma_wait3A_331 : memref<10240xf32, #tpu.memory_space<vmem_shared>>)
    %dma_wait3A_334 = arith.constant 0 : i32
    %dma_wait3A_335 = arith.constant 4 : i32
    %dma_wait3A_336 = arith.constant 0 : i32
    %dma_wait3A_337 = arith.constant 0 : i32
    %dma_wait3A_338 = arith.constant 0 : i32
    %dma_wait3A_339 = tpu.memref_slice %arg12[%dma_wait3A_334, %dma_wait3A_337, %dma_wait3A_338] : memref<4x80x128xf32, #tpu.memory_space<vmem>> -> memref<1x80x128xf32, #tpu.memory_space<vmem>>
    %dma_wait3A_340 = tpu.memref_squeeze %dma_wait3A_339 : memref<1x80x128xf32, #tpu.memory_space<vmem>> -> memref<80x128xf32, #tpu.memory_space<vmem>>
    %dma_wait3A_341 = arith.constant 0 : i32
    %dma_wait3A_342 = tpu.memref_slice %arg11[%dma_wait3A_335, %dma_wait3A_341] : memref<8x80xi32, #tpu.memory_space<vmem>> -> memref<1x80xi32, #tpu.memory_space<vmem>>
    %dma_wait3A_343 = tpu.memref_squeeze %dma_wait3A_342 : memref<1x80xi32, #tpu.memory_space<vmem>> -> memref<80xi32, #tpu.memory_space<vmem>>
    %dma_wait3A_344 = arith.constant 0 : i32
    %dma_wait3A_345 = arith.constant 0 : i32
    %dma_wait3A_346 = tpu.memref_slice %arg8[%dma_wait3A_344, %dma_wait3A_345] : memref<10240x128xf32, #tpu.memory_space<vmem_shared>> -> memref<10240x128xf32, #tpu.memory_space<vmem_shared>>
    %dma_wait3A_347 = tpu.memref_slice %arg19[%dma_wait3A_336] : memref<4x!tpu.dma_semaphore, #tpu.memory_space<semaphore_mem>> -> memref<1x!tpu.dma_semaphore, #tpu.memory_space<semaphore_mem>>
    %dma_wait3A_348 = tpu.memref_squeeze %dma_wait3A_347 : memref<1x!tpu.dma_semaphore, #tpu.memory_space<semaphore_mem>> -> memref<!tpu.dma_semaphore, #tpu.memory_space<semaphore_mem>>
    tpu.wait_indirect_dma semaphore(%dma_wait3A_348 : memref<!tpu.dma_semaphore, #tpu.memory_space<semaphore_mem>>) src(%dma_wait3A_340 : memref<80x128xf32, #tpu.memory_space<vmem>>) dst(%dma_wait3A_346 : memref<10240x128xf32, #tpu.memory_space<vmem_shared>>)
    %dma_wait3A_349 = arith.constant 4 : i32
    %dma_wait3A_350 = arith.constant 0 : i32
    %dma_wait3A_351 = arith.constant 0 : i32
    %dma_wait3A_352 = tpu.memref_slice %arg11[%dma_wait3A_349, %dma_wait3A_351] : memref<8x80xi32, #tpu.memory_space<vmem>> -> memref<1x80xi32, #tpu.memory_space<vmem>>
    %dma_wait3A_353 = tpu.memref_squeeze %dma_wait3A_352 : memref<1x80xi32, #tpu.memory_space<vmem>> -> memref<80xi32, #tpu.memory_space<vmem>>
    %dma_wait3A_354 = arith.constant 0 : i32
    %dma_wait3A_355 = tpu.memref_slice %arg9[%dma_wait3A_354] : memref<10240xf32, #tpu.memory_space<vmem_shared>> -> memref<10240xf32, #tpu.memory_space<vmem_shared>>
    %dma_wait3A_356 = tpu.memref_slice %arg19[%dma_wait3A_350] : memref<4x!tpu.dma_semaphore, #tpu.memory_space<semaphore_mem>> -> memref<1x!tpu.dma_semaphore, #tpu.memory_space<semaphore_mem>>
    %dma_wait3A_357 = tpu.memref_squeeze %dma_wait3A_356 : memref<1x!tpu.dma_semaphore, #tpu.memory_space<semaphore_mem>> -> memref<!tpu.dma_semaphore, #tpu.memory_space<semaphore_mem>>
    tpu.wait_indirect_dma semaphore(%dma_wait3A_357 : memref<!tpu.dma_semaphore, #tpu.memory_space<semaphore_mem>>) src(%arg13 : memref<80xf32, #tpu.memory_space<vmem>>) dst(%dma_wait3A_355 : memref<10240xf32, #tpu.memory_space<vmem_shared>>)
    %barrier3A_358 = arith.constant 0 : index
    tpu.barrier barrier_id(%barrier3A_358)
    %mul3A_359 = arith.constant 640 : i32
    %mul3A_360 = arith.muli %arg1, %mul3A_359 : i32
    %mul3A_361 = arith.constant 640 : i32
    %mul3A_362 = arith.muli %arg1, %mul3A_361 : i32
    %dma_start3A_363 = arith.constant 1 : i32
    %dma_start3A_364 = tpu.memref_slice %arg19[%dma_start3A_363] : memref<4x!tpu.dma_semaphore, #tpu.memory_space<semaphore_mem>> -> memref<1x!tpu.dma_semaphore, #tpu.memory_space<semaphore_mem>>
    %dma_start3A_365 = tpu.memref_squeeze %dma_start3A_364 : memref<1x!tpu.dma_semaphore, #tpu.memory_space<semaphore_mem>> -> memref<!tpu.dma_semaphore, #tpu.memory_space<semaphore_mem>>
    %dma_start3A_366 = tpu.memref_slice %arg7[%arg0, %mul3A_362] : memref<2x10240xf32, #tpu.memory_space<hbm>> -> memref<1x640xf32, #tpu.memory_space<hbm>>
    %dma_start3A_367 = tpu.memref_squeeze %dma_start3A_366 : memref<1x640xf32, #tpu.memory_space<hbm>> -> memref<640xf32, #tpu.memory_space<hbm>>
    %dma_start3A_368 = tpu.memref_slice %arg9[%mul3A_360] : memref<10240xf32, #tpu.memory_space<vmem_shared>> -> memref<640xf32, #tpu.memory_space<vmem_shared>>
    tpu.enqueue_dma source(%dma_start3A_368 : memref<640xf32, #tpu.memory_space<vmem_shared>>) target(%dma_start3A_367 : memref<640xf32, #tpu.memory_space<hbm>>) target_semaphore(%dma_start3A_365 : memref<!tpu.dma_semaphore, #tpu.memory_space<semaphore_mem>>)
    %lt3A = arith.constant 15 : i32
    %lt3A_369 = arith.cmpi slt, %arg1, %lt3A : i32
    %convert_element_type3A = arith.extui %lt3A_369 : i1 to i32
    %cond3A = arith.constant 0 : i32
    %cond3A_370 = arith.cmpi ne, %convert_element_type3A, %cond3A : i32
    scf.if %cond3A_370 {
      %mul3A_385 = arith.constant 640 : i32
      %mul3A_386 = arith.muli %arg1, %mul3A_385 : i32
      %mul3A_387 = arith.constant 640 : i32
      %mul3A_388 = arith.muli %arg1, %mul3A_387 : i32
      %dma_start3A_389 = arith.constant 0 : i32
      %dma_start3A_390 = tpu.memref_slice %arg19[%dma_start3A_389] : memref<4x!tpu.dma_semaphore, #tpu.memory_space<semaphore_mem>> -> memref<1x!tpu.dma_semaphore, #tpu.memory_space<semaphore_mem>>
      %dma_start3A_391 = tpu.memref_squeeze %dma_start3A_390 : memref<1x!tpu.dma_semaphore, #tpu.memory_space<semaphore_mem>> -> memref<!tpu.dma_semaphore, #tpu.memory_space<semaphore_mem>>
      %dma_start3A_392 = arith.constant 0 : i32
      %dma_start3A_393 = tpu.memref_slice %arg6[%arg0, %mul3A_388, %dma_start3A_392] : memref<2x10000x128xf32, #tpu.memory_space<hbm>> -> memref<1x640x128xf32, #tpu.memory_space<hbm>>
      %dma_start3A_394 = tpu.memref_squeeze %dma_start3A_393 : memref<1x640x128xf32, #tpu.memory_space<hbm>> -> memref<640x128xf32, #tpu.memory_space<hbm>>
      %dma_start3A_395 = arith.constant 0 : i32
      %dma_start3A_396 = tpu.memref_slice %arg8[%mul3A_386, %dma_start3A_395] : memref<10240x128xf32, #tpu.memory_space<vmem_shared>> -> memref<640x128xf32, #tpu.memory_space<vmem_shared>>
      tpu.enqueue_dma source(%dma_start3A_396 : memref<640x128xf32, #tpu.memory_space<vmem_shared>>) target(%dma_start3A_394 : memref<640x128xf32, #tpu.memory_space<hbm>>) target_semaphore(%dma_start3A_391 : memref<!tpu.dma_semaphore, #tpu.memory_space<semaphore_mem>>)
      %mul3A_397 = arith.constant 640 : i32
      %mul3A_398 = arith.muli %arg1, %mul3A_397 : i32
      %mul3A_399 = arith.constant 640 : i32
      %mul3A_400 = arith.muli %arg1, %mul3A_399 : i32
      %dma_wait3A_401 = arith.constant 0 : i32
      %dma_wait3A_402 = tpu.memref_slice %arg19[%dma_wait3A_401] : memref<4x!tpu.dma_semaphore, #tpu.memory_space<semaphore_mem>> -> memref<1x!tpu.dma_semaphore, #tpu.memory_space<semaphore_mem>>
      %dma_wait3A_403 = tpu.memref_squeeze %dma_wait3A_402 : memref<1x!tpu.dma_semaphore, #tpu.memory_space<semaphore_mem>> -> memref<!tpu.dma_semaphore, #tpu.memory_space<semaphore_mem>>
      %dma_wait3A_404 = arith.constant 0 : i32
      %dma_wait3A_405 = tpu.memref_slice %arg6[%arg0, %mul3A_400, %dma_wait3A_404] : memref<2x10000x128xf32, #tpu.memory_space<hbm>> -> memref<1x640x128xf32, #tpu.memory_space<hbm>>
      %dma_wait3A_406 = tpu.memref_squeeze %dma_wait3A_405 : memref<1x640x128xf32, #tpu.memory_space<hbm>> -> memref<640x128xf32, #tpu.memory_space<hbm>>
      %dma_wait3A_407 = arith.constant 0 : i32
      %dma_wait3A_408 = tpu.memref_slice %arg8[%mul3A_398, %dma_wait3A_407] : memref<10240x128xf32, #tpu.memory_space<vmem_shared>> -> memref<640x128xf32, #tpu.memory_space<vmem_shared>>
      tpu.wait_dma2 semaphore(%dma_wait3A_403 : memref<!tpu.dma_semaphore, #tpu.memory_space<semaphore_mem>>) src(%dma_wait3A_408 : memref<640x128xf32, #tpu.memory_space<vmem_shared>>) dst(%dma_wait3A_406 : memref<640x128xf32, #tpu.memory_space<hbm>>)
    } else {
    }
    %eq3A = arith.constant 15 : i32
    %eq3A_371 = arith.cmpi eq, %arg1, %eq3A : i32
    %convert_element_type3A_372 = arith.extui %eq3A_371 : i1 to i32
    %cond3A_373 = arith.constant 0 : i32
    %cond3A_374 = arith.cmpi ne, %convert_element_type3A_372, %cond3A_373 : i32
    scf.if %cond3A_374 {
      %dma_start3A_385 = arith.constant 0 : i32
      %dma_start3A_386 = tpu.memref_slice %arg19[%dma_start3A_385] : memref<4x!tpu.dma_semaphore, #tpu.memory_space<semaphore_mem>> -> memref<1x!tpu.dma_semaphore, #tpu.memory_space<semaphore_mem>>
      %dma_start3A_387 = tpu.memref_squeeze %dma_start3A_386 : memref<1x!tpu.dma_semaphore, #tpu.memory_space<semaphore_mem>> -> memref<!tpu.dma_semaphore, #tpu.memory_space<semaphore_mem>>
      %dma_start3A_388 = arith.constant 9600 : i32
      %dma_start3A_389 = arith.constant 0 : i32
      %dma_start3A_390 = tpu.memref_slice %arg6[%arg0, %dma_start3A_388, %dma_start3A_389] : memref<2x10000x128xf32, #tpu.memory_space<hbm>> -> memref<1x400x128xf32, #tpu.memory_space<hbm>>
      %dma_start3A_391 = tpu.memref_squeeze %dma_start3A_390 : memref<1x400x128xf32, #tpu.memory_space<hbm>> -> memref<400x128xf32, #tpu.memory_space<hbm>>
      %dma_start3A_392 = arith.constant 9600 : i32
      %dma_start3A_393 = arith.constant 0 : i32
      %dma_start3A_394 = tpu.memref_slice %arg8[%dma_start3A_392, %dma_start3A_393] : memref<10240x128xf32, #tpu.memory_space<vmem_shared>> -> memref<400x128xf32, #tpu.memory_space<vmem_shared>>
      tpu.enqueue_dma source(%dma_start3A_394 : memref<400x128xf32, #tpu.memory_space<vmem_shared>>) target(%dma_start3A_391 : memref<400x128xf32, #tpu.memory_space<hbm>>) target_semaphore(%dma_start3A_387 : memref<!tpu.dma_semaphore, #tpu.memory_space<semaphore_mem>>)
      %dma_wait3A_395 = arith.constant 0 : i32
      %dma_wait3A_396 = tpu.memref_slice %arg19[%dma_wait3A_395] : memref<4x!tpu.dma_semaphore, #tpu.memory_space<semaphore_mem>> -> memref<1x!tpu.dma_semaphore, #tpu.memory_space<semaphore_mem>>
      %dma_wait3A_397 = tpu.memref_squeeze %dma_wait3A_396 : memref<1x!tpu.dma_semaphore, #tpu.memory_space<semaphore_mem>> -> memref<!tpu.dma_semaphore, #tpu.memory_space<semaphore_mem>>
      %dma_wait3A_398 = arith.constant 9600 : i32
      %dma_wait3A_399 = arith.constant 0 : i32
      %dma_wait3A_400 = tpu.memref_slice %arg6[%arg0, %dma_wait3A_398, %dma_wait3A_399] : memref<2x10000x128xf32, #tpu.memory_space<hbm>> -> memref<1x400x128xf32, #tpu.memory_space<hbm>>
      %dma_wait3A_401 = tpu.memref_squeeze %dma_wait3A_400 : memref<1x400x128xf32, #tpu.memory_space<hbm>> -> memref<400x128xf32, #tpu.memory_space<hbm>>
      %dma_wait3A_402 = arith.constant 9600 : i32
      %dma_wait3A_403 = arith.constant 0 : i32
      %dma_wait3A_404 = tpu.memref_slice %arg8[%dma_wait3A_402, %dma_wait3A_403] : memref<10240x128xf32, #tpu.memory_space<vmem_shared>> -> memref<400x128xf32, #tpu.memory_space<vmem_shared>>
      tpu.wait_dma2 semaphore(%dma_wait3A_397 : memref<!tpu.dma_semaphore, #tpu.memory_space<semaphore_mem>>) src(%dma_wait3A_404 : memref<400x128xf32, #tpu.memory_space<vmem_shared>>) dst(%dma_wait3A_401 : memref<400x128xf32, #tpu.memory_space<hbm>>)
    } else {
    }
    %mul3A_375 = arith.constant 640 : i32
    %mul3A_376 = arith.muli %arg1, %mul3A_375 : i32
    %mul3A_377 = arith.constant 640 : i32
    %mul3A_378 = arith.muli %arg1, %mul3A_377 : i32
    %dma_wait3A_379 = arith.constant 1 : i32
    %dma_wait3A_380 = tpu.memref_slice %arg19[%dma_wait3A_379] : memref<4x!tpu.dma_semaphore, #tpu.memory_space<semaphore_mem>> -> memref<1x!tpu.dma_semaphore, #tpu.memory_space<semaphore_mem>>
    %dma_wait3A_381 = tpu.memref_squeeze %dma_wait3A_380 : memref<1x!tpu.dma_semaphore, #tpu.memory_space<semaphore_mem>> -> memref<!tpu.dma_semaphore, #tpu.memory_space<semaphore_mem>>
    %dma_wait3A_382 = tpu.memref_slice %arg7[%arg0, %mul3A_378] : memref<2x10240xf32, #tpu.memory_space<hbm>> -> memref<1x640xf32, #tpu.memory_space<hbm>>
    %dma_wait3A_383 = tpu.memref_squeeze %dma_wait3A_382 : memref<1x640xf32, #tpu.memory_space<hbm>> -> memref<640xf32, #tpu.memory_space<hbm>>
    %dma_wait3A_384 = tpu.memref_slice %arg9[%mul3A_376] : memref<10240xf32, #tpu.memory_space<vmem_shared>> -> memref<640xf32, #tpu.memory_space<vmem_shared>>
    tpu.wait_dma2 semaphore(%dma_wait3A_381 : memref<!tpu.dma_semaphore, #tpu.memory_space<semaphore_mem>>) src(%dma_wait3A_384 : memref<640xf32, #tpu.memory_space<vmem_shared>>) dst(%dma_wait3A_383 : memref<640xf32, #tpu.memory_space<hbm>>)
    return
  }
}

module attributes {stable_mosaic.version = 14 : i64} {
  func.func @_tc_combine(%arg0: i32, %arg1: memref<2x2000x128xf32, #tpu.memory_space<vmem>>, %arg2: memref<2x2000x1xf32, #tpu.memory_space<vmem>>, %arg3: memref<2000x128xf32, #tpu.memory_space<vmem>>, %arg4: memref<2000x128xf32, #tpu.memory_space<vmem>>) attributes {dimension_semantics = [#tpu.dimension_semantics<arbitrary>], iteration_bounds = array<i64: 5>, scalar_prefetch = 0 : i64, scratch_operands = 0 : i64, tpu.core_type = #tpu.core_type<tc>, window_params = [{transform_indices = @transform_0, window_bounds = array<i64: 2, 2000, 128>}, {transform_indices = @transform_1, window_bounds = array<i64: 2, 2000, 1>}, {transform_indices = @transform_2, window_bounds = array<i64: 2000, 128>}, {transform_indices = @transform_3, window_bounds = array<i64: 2000, 128>}]} {
    %get3A = arith.constant 0 : index
    %get3A_0 = arith.constant 0 : index
    %get3A_1 = arith.constant 0 : index
    %get3A_2 = vector.load %arg1[%get3A, %get3A_0, %get3A_1] : memref<2x2000x128xf32, #tpu.memory_space<vmem>>, vector<1x2000x128xf32>
    %get3A_3 = vector.shape_cast %get3A_2 : vector<1x2000x128xf32> to vector<2000x128xf32>
    %get3A_4 = arith.constant 1 : index
    %get3A_5 = arith.constant 0 : index
    %get3A_6 = arith.constant 0 : index
    %get3A_7 = vector.load %arg1[%get3A_4, %get3A_5, %get3A_6] : memref<2x2000x128xf32, #tpu.memory_space<vmem>>, vector<1x2000x128xf32>
    %get3A_8 = vector.shape_cast %get3A_7 : vector<1x2000x128xf32> to vector<2000x128xf32>
    %add3A = arith.addf %get3A_3, %get3A_8 : vector<2000x128xf32>
    %get3A_9 = arith.constant 0 : index
    %get3A_10 = arith.constant 0 : index
    %get3A_11 = arith.constant 0 : index
    %get3A_12 = vector.load %arg2[%get3A_9, %get3A_10, %get3A_11] : memref<2x2000x1xf32, #tpu.memory_space<vmem>>, vector<1x2000x1xf32>
    %get3A_13 = vector.shape_cast %get3A_12 : vector<1x2000x1xf32> to vector<2000x1xf32>
    %get3A_14 = arith.constant 1 : index
    %get3A_15 = arith.constant 0 : index
    %get3A_16 = arith.constant 0 : index
    %get3A_17 = vector.load %arg2[%get3A_14, %get3A_15, %get3A_16] : memref<2x2000x1xf32, #tpu.memory_space<vmem>>, vector<1x2000x1xf32>
    %get3A_18 = vector.shape_cast %get3A_17 : vector<1x2000x1xf32> to vector<2000x1xf32>
    %add3A_19 = arith.addf %get3A_13, %get3A_18 : vector<2000x1xf32>
    %max3A = arith.constant 1.000000e+00 : f32
    %max3A_20 = vector.broadcast %max3A : f32 to vector<2000x1xf32>
    %max3A_21 = arith.maximumf %add3A_19, %max3A_20 : vector<2000x1xf32>
    %div3A = vector.broadcast %max3A_21 : vector<2000x1xf32> to vector<2000x128xf32>
    %div3A_22 = arith.divf %add3A, %div3A : vector<2000x128xf32>
    %get3A_23 = arith.constant 0 : index
    %get3A_24 = arith.constant 0 : index
    %get3A_25 = vector.load %arg3[%get3A_23, %get3A_24] : memref<2000x128xf32, #tpu.memory_space<vmem>>, vector<2000x128xf32>
    %mul3A = arith.constant 3.000000e-01 : f32
    %mul3A_26 = vector.broadcast %mul3A : f32 to vector<2000x128xf32>
    %mul3A_27 = arith.mulf %mul3A_26, %get3A_25 : vector<2000x128xf32>
    %mul3A_28 = arith.constant 0.699999988 : f32
    %mul3A_29 = vector.broadcast %mul3A_28 : f32 to vector<2000x128xf32>
    %mul3A_30 = arith.mulf %mul3A_29, %div3A_22 : vector<2000x128xf32>
    %add3A_31 = arith.addf %mul3A_27, %mul3A_30 : vector<2000x128xf32>
    %gt3A = arith.constant 0.000000e+00 : f32
    %gt3A_32 = vector.broadcast %gt3A : f32 to vector<2000x1xf32>
    %gt3A_33 = arith.cmpf ogt, %add3A_19, %gt3A_32 : vector<2000x1xf32>
    %jit3A = arith.constant 0.000000e+00 : f32
    %broadcast_in_dim3A = vector.shape_cast %gt3A_33 : vector<2000x1xi1> to vector<2000x1xi1>
    %broadcast_in_dim3A_34 = vector.broadcast %broadcast_in_dim3A : vector<2000x1xi1> to vector<2000x128xi1>
    %broadcast_in_dim3A_35 = vector.broadcast %jit3A : f32 to vector<2000x128xf32>
    %select_n3A = arith.select %broadcast_in_dim3A_34, %add3A_31, %broadcast_in_dim3A_35 : vector<2000x128xi1>, vector<2000x128xf32>
    %swap3A = arith.constant 0 : index
    %swap3A_36 = arith.constant 0 : index
    %swap3A_37 = vector.load %arg4[%swap3A, %swap3A_36] : memref<2000x128xf32, #tpu.memory_space<vmem>>, vector<2000x128xf32>
    tpu.vector_store %arg4[%swap3A, %swap3A_36], %select_n3A {strides = array<i32>} : memref<2000x128xf32, #tpu.memory_space<vmem>>, vector<2000x128xf32>,
    return
  }
  func.func @transform_0(%arg0: i32) -> (i32, i32, i32) {
    %c0_i32 = arith.constant 0 : i32
    %c0_i32_0 = arith.constant 0 : i32
    %c0_i32_1 = arith.constant 0 : i32
    return %c0_i32, %arg0, %c0_i32_0 : i32, i32, i32
  }
  func.func @transform_1(%arg0: i32) -> (i32, i32, i32) {
    %c0_i32 = arith.constant 0 : i32
    %c0_i32_0 = arith.constant 0 : i32
    %c0_i32_1 = arith.constant 0 : i32
    return %c0_i32, %arg0, %c0_i32_0 : i32, i32, i32
  }
  func.func @transform_2(%arg0: i32) -> (i32, i32) {
    %c0_i32 = arith.constant 0 : i32
    %c0_i32_0 = arith.constant 0 : i32
    return %arg0, %c0_i32 : i32, i32
  }
  func.func @transform_3(%arg0: i32) -> (i32, i32) {
    %c0_i32 = arith.constant 0 : i32
    %c0_i32_0 = arith.constant 0 : i32
    return %arg0, %c0_i32 : i32, i32
  }
}

</mosaic_0001>

<sc_bundles>
// kernel: kernel.4.cloned.1.call-start
scs
__scs_entry_jumppad:
0x0: {  	(pc) =	sbr.rel $0x88, $3  }
0x1: {  	(tag) =	ssettag $0x0;
	lr =	simm.s32 $0x1  }
0x2: {  	[smem:$0x3F9D] =	sst lr;
	_ =	strace $0xD0000000  }
0x3: {  	_ = 	snop  }
0x4: {  	_ = 	snop  }
0x5: {  	_ = 	snop  }
0x6: {  	_ = 	snop  }
0x7: {  	_ = 	snop  }
__scs_overlays_trampoline_lowered:
0x8: {  	[smem:$0x3FAC] =	sst s0  }
0x9: {  	[smem:$0x3FAD] =	sst s1  }
0xa: {  	[smem:$0x3FAE] =	sst s2  }
0xb: {  	[smem:$0x3FAF] =	sst s3  }
0xc: {  	[smem:$0x3FB0] =	sst s4  }
0xd: {  	[smem:$0x3FB1] =	sst s5  }
0xe: {  	[smem:$0x3FB2] =	sst s6  }
0xf: {  	[smem:$0x3FB3] =	sst s7  }
0x10: {  	[smem:$0x3FB4] =	sst s8  }
0x11: {  	[smem:$0x3FB5] =	sst s9;
	s0 =	simm.s32 @!p0 $0x0  }
0x12: {  	s1 =	sld [smem:$0x3F9B];
	s0 =	simm.s32 @p0 $0x1  }
0x13: {  	[smem:$0x3FB6] =	sst s0;
	s0 =	simm.s32 @!p1 $0x0  }
0x14: {  	s2 =	sld [smem:$0x3F9A];
	s0 =	simm.s32 @p1 $0x1  }
0x15: {  	[smem:$0x3FB7] =	sst s0;
	s0 =	simm.s32 @!p2 $0x0  }
0x16: {  	s3 =	sld [smem:$0x3FDB];
	s0 =	simm.s32 @p2 $0x1  }
0x17: {  	s4 =	simm.s32 $0x1BF5;
	[smem:$0x3FB9] =	sst s0  }
0x18: {  	s0 =	sld [smem:$0x3F9C];
	_ =	swait.ge [sflag:s4], $0x0  }
0x19: {  	s7 =	sld [smem:$0x3F9D]  }
0x1a: {  	s8 =	sadd.s32 $0xFFFFE003, lr  }
0x1b: {  	s9 =	sadd.s32 $0xFFFFFEF7, lr;
	s5 =	simm.s32 $0xFFFFFFFF;
	p2 =	slt.u32 s8, $0xFFFFF086  }
0x1c: {  	p1 =	slt.u32 s9, $0xF7A;
	s5 =	simm.s32 @!p2 $0x0  }
0x1d: {  	s5 =	simm.s32 @p1 $0x1;
	p0 =	seq.s32 s7, s2  }
0x1e: {  	s7 =	smul.u32 @!p0 $0xF7A, s2;
	p2 =	seq.s32 @!p0 s5, $0x0  }
0x1f: {  	s9 =	smul.u32 $0xF7A, s1;
	s8 =	simm.s32 @!p0 $0x1BF5;
	p2 =	por !p2, p0  }
0x20: {  	[sflag:s8] =	ssyncset.s32 @!p0 $0xFFFFF086;
	s6 =	sadd.s32 @!p0 s3, s7;
	s7 =	simm.s32 @!p0 $0x108  }
0x21: {  	s3 =	sadd.s32 s3, s9;
	s6 =	sadd.s32 @!p0 $0x88, s6;
	s7 =	simm.s32 @p2 $0x1082  }
0x22: {  	[simem:s7], [sflag:s8] =	dma.local @!p0 [hbm:s6], $0xF7A  }
0x23: {  	s9 =	sor.u32 $0xD0000000, s2;
	s6 =	simm.s32 $0x108;
	_ =	swait.ge @!p0 [sflag:s8], $0x0  }
0x24: {  	s3 =	sadd.s32 $0x88, s3;
	s6 =	simm.s32 @!p1 $0x1082;
	[sflag:s4] =	ssyncset.s32 $0xFFFFF086  }
0x25: {  	[simem:s6], [sflag:s4] =	dma.local [hbm:s3], $0xF7A  }
0x26: {  	[smem:$0x3F9D] =	sst s1;
	(tag) =	ssettag s2;
	_ =	strace s9  }
0x27: {  	s1 =	sld [smem:$0x3FAD]  }
0x28: {  	s2 =	sld [smem:$0x3FAE]  }
0x29: {  	s4 =	sld [smem:$0x3FB0]  }
0x2a: {  	p0 =	seq.s32 s5, $0x0;
	s5 =	sld [smem:$0x3FB1]  }
0x2b: {  	s6 =	sld [smem:$0x3FB2]  }
0x2c: {  	s7 =	sld [smem:$0x3FB3]  }
0x2d: {  	s3 =	simm.s32 $0x108;
	s8 =	sld [smem:$0x3FB4]  }
0x2e: {  	s3 =	simm.s32 @!p0 $0x1082;
	s9 =	sld [smem:$0x3FB5]  }
0x2f: {  	lr =	sadd.s32 s0, s3;
	s0 =	sld [smem:$0x3FAC]  }
0x30: {  	s3 =	sld [smem:$0x3FAF]  }
0x31: {  	[smem:$0x3FB8] =	sst s10  }
0x32: {  	s10 =	sld [smem:$0x3FB6];
	_ =	sdelay $0x3  }
0x33: {  	p0 =	seq.s32 s10, $0x1;
	s10 =	sld [smem:$0x3FB8];
	_ =	sdelay $0x3  }
0x34: {  	[smem:$0x3FB8] =	sst s10  }
0x35: {  	s10 =	sld [smem:$0x3FB7];
	_ =	sdelay $0x3  }
0x36: {  	p1 =	seq.s32 s10, $0x1;
	s10 =	sld [smem:$0x3FB8];
	_ =	sdelay $0x3  }
0x37: {  	[smem:$0x3FB8] =	sst s10  }
0x38: {  	s10 =	sld [smem:$0x3FB9]  }
0x39: {  	_ = 	snop;
	(pc) =	sbr.ind lr, $3  }
0x3a: {  	_ = 	snop  }
0x3b: {  	_ = 	snop  }
0x3c: {  	p2 =	seq.s32 s10, $0x1;
	s10 =	sld [smem:$0x3FB8]  }
0x3d: {  	_ =	shalt  }
0x3e: {  	_ =	shalt  }
0x3f: {  	_ =	shalt  }
0x40: {  	_ =	shalt  }
0x41: {  	_ =	shalt  }
0x42: {  	_ =	shalt  }
0x43: {  	_ =	shalt  }
0x44: {  	_ =	shalt  }
0x45: {  	_ =	shalt  }
0x46: {  	_ =	shalt  }
0x47: {  	_ =	shalt  }
0x48: {  	_ =	shalt  }
0x49: {  	_ =	shalt  }
0x4a: {  	_ =	shalt  }
0x4b: {  	_ =	shalt  }
0x4c: {  	_ =	shalt  }
0x4d: {  	_ =	shalt  }
0x4e: {  	_ =	shalt  }
0x4f: {  	_ =	shalt  }
0x50: {  	_ =	shalt  }
0x51: {  	_ =	shalt  }
0x52: {  	_ =	shalt  }
0x53: {  	_ =	shalt  }
0x54: {  	_ =	shalt  }
0x55: {  	_ =	shalt  }
0x56: {  	_ =	shalt  }
0x57: {  	_ =	shalt  }
0x58: {  	_ =	shalt  }
0x59: {  	_ =	shalt  }
0x5a: {  	_ =	shalt  }
0x5b: {  	_ =	shalt  }
0x5c: {  	_ =	shalt  }
0x5d: {  	_ =	shalt  }
0x5e: {  	_ =	shalt  }
0x5f: {  	_ =	shalt  }
0x60: {  	_ =	shalt  }
0x61: {  	_ =	shalt  }
0x62: {  	_ =	shalt  }
0x63: {  	_ =	shalt  }
0x64: {  	_ =	shalt  }
0x65: {  	_ =	shalt  }
0x66: {  	_ =	shalt  }
0x67: {  	_ =	shalt  }
0x68: {  	_ =	shalt  }
0x69: {  	_ =	shalt  }
0x6a: {  	_ =	shalt  }
0x6b: {  	_ =	shalt  }
0x6c: {  	_ =	shalt  }
0x6d: {  	_ =	shalt  }
0x6e: {  	_ =	shalt  }
0x6f: {  	_ =	shalt  }
0x70: {  	_ =	shalt  }
0x71: {  	_ =	shalt  }
0x72: {  	_ =	shalt  }
0x73: {  	_ =	shalt  }
0x74: {  	_ =	shalt  }
0x75: {  	_ =	shalt  }
0x76: {  	_ =	shalt  }
0x77: {  	_ =	shalt  }
0x78: {  	_ =	shalt  }
0x79: {  	_ =	shalt  }
0x7a: {  	_ =	shalt  }
0x7b: {  	_ =	shalt  }
0x7c: {  	_ =	shalt  }
0x7d: {  	_ =	shalt  }
0x7e: {  	_ =	shalt  }
0x7f: {  	_ =	shalt  }
0x80: {  	_ =	shalt  }
0x81: {  	_ =	shalt  }
0x82: {  	_ =	shalt  }
0x83: {  	_ =	shalt  }
0x84: {  	_ =	shalt  }
0x85: {  	_ =	shalt  }
0x86: {  	_ =	shalt  }
0x87: {  	_ =	shalt  }
.Lfunc_end0:
.L_simem_size_0:
called_computation_lowered:
.L_overlay_start_0:
0x88: {  	s2 =	sld [smem:$0x3FD9]  }
0x89: {  	s3 =	sld [smem:$0x3FFE];
	_ =	sdelay $0x1  }
0x8a: {  	s1 =	srdreg.scid  }
0x8b: {  	s0 =	sand.u32 $0x1, s1  }
0x8c: {  	s17 =	sshll.u32 s0, $0xA;
	s2 =	sadd.s32 s3, s2  }
0x8d: {  	s2 =	sadd.s32 s2, s17  }
0x8e: {  	[smem:$0x3FC4] =	sst s2  }
0x8f: {  	_ = 	snop  }
0x90: {  	s2 =	sld [smem:$0x3FC9]  }
0x91: {  	s18 =	sld [smem:$0x3FC7]  }
0x92: {  	s4 =	sld [smem:$0x3FD0];
	(tm) =	ssettm $0x1  }
0x93: {  	s5 =	sld [smem:$0x3FFB];
	_ =	sdelay $0x3  }
0x94: {  	_ =	strace s5  }
0x95: {  	s5 =	sld [smem:$0x3FFC];
	_ =	sdelay $0x3  }
0x96: {  	_ =	strace s5  }
0x97: {  	s5 =	sld [smem:$0x3FFD];
	_ =	sdelay $0x3  }
0x98: {  	_ =	strace s5  }
0x99: {  	_ =	strace $0x8FFFFFFF  }
0x9a: {  	s19 =	sld [smem:$0x3FDB];
	_ =	sdelay $0x1  }
0x9b: {  	s6 =	simm.s32 $_scs_section_size  }
0x9c: {  	s7 =	simm.s32 $_size__tile_overlayer_lowered;
	s8 =	simm.s32 $_tile_overlayer_lowered  }
0x9d: {  	s22 =	simm.s32 $0x1BFF;
	s21 =	sshll.u32 s8, $0x1;
	s5 =	sadd.s32 s6, s19  }
0x9e: {  	s9 =	simm.s32 $0x0;
	s20 =	sshll.u32 s7, $0x1;
	s7 =	sadd.s32 s21, s5  }
0x9f: {  	[timem:s9], [sflag:s22] =	dma.local [hbm:s7], s20  }
0xa0: {  	_ =	swait.ge [sflag:s22], s20  }
0xa1: {  	s6 =	ssub.s32 $0x0, s20;
	[sflag:s22] =	ssyncset.done $0x0  }
0xa2: {  	[sflag:s22] =	ssyncadd.s32 s6;
	_ =	sdelay $0x1  }
0xa3: {  	s23 =	simm.s32 $0x1B8B  }
0xa4: {  	_ =	swait.ge [sflag:s23], $0x1  }
0xa5: {  	[sflag:s23] =	ssyncset.done $0x0  }
0xa6: {  	s25 =	simm.s32 $0x1B8E;
	s24 =	sld [smem:$0x3FFE];
	[sflag:s23] =	ssyncadd.s32 $0xFFFFFFFF  }
0xa7: {  	s26 =	simm.s32 $execute0_lowered;
	[smem:$0x3FD2] =	sst s25  }
0xa8: {  	s7 =	sshll.u32 s26, $0x1;
	_ =	strace $0x80000046;
	[dreg:$0x1] =	wrdreg $0xFFFFFFFF  }
0xa9: {  	s28 =	simm.s32 $_size_execute0_lowered;
	s5 =	sadd.s32 s5, s7;
	[dreg:$0x0] =	wrdreg $0x0  }
0xaa: {  	s7 =	sshll.u32 s28, $0x1;
	[dreg:$0x2] =	wrdreg s5  }
0xab: {  	[dreg:$0x3] =	wrdreg s7  }
0xac: {  	[dreg:$0x4] =	wrdreg $0xC0  }
0xad: {  	_ =	task [dreg:s9], $0x5FFFF  }
0xae: {  	[dreg:$0x1] =	wrdreg $0xFFFFFFFF  }
0xaf: {  	[dreg:$0x0] =	wrdreg $0x60  }
0xb0: {  	[dreg:$0x2] =	wrdreg s2  }
0xb1: {  	[dreg:$0x3] =	wrdreg s24  }
0xb2: {  	[dreg:$0x4] =	wrdreg s4  }
0xb3: {  	[dreg:$0x5] =	wrdreg s18  }
0xb4: {  	[dreg:$0x6] =	wrdreg $0x0  }
0xb5: {  	[dreg:$0x7] =	wrdreg $0x140000  }
0xb6: {  	[dreg:$0x8] =	wrdreg $0x9  }
0xb7: {  	_ =	task.clear_ibuf [dreg:s9], $0x9FFFF;
	_ =	strace $0x90000046  }
0xb8: {  	s29 =	simm.s32 $0x9;
	_ =	strace $0x80000048  }
0xb9: {  	_ =	swait.ge [sflag:s29], $0x1  }
0xba: {  	[sflag:s29] =	ssyncadd.s32 $0xFFFFFFFF  }
0xbb: {  	_ =	strace $0x90000048  }
0xbc: {  	_ =	sfence  }
0xbd: {  	s30 =	sld [smem:$0x0];
	_ =	sdelay $0x2  }
0xbe: {  	s31 =	sshll.u32 s1, $0xD;
	s1 =	sshrl.u32 s1, $0x2  }
0xbf: {  	s3 =	sand.u32 $0x4000, s31;
	s1 =	sadd.s32 s1, s30  }
0xc0: {  	s0 =	sor.u32 s3, s0;
	s1 =	sshll.u32 s1, $0x11  }
0xc1: {  	s0 =	sor.u32 s1, s0  }
0xc2: {  	s0 =	sadd.s32 $0x8F2B, s0  }
0xc3: {  	[sflag:s0] =	ssyncadd.remote.s32 $0x1  }
0xc4: {  	_ =	sfence.sel $0xFFFF  }
0xc5: {  	[dreg:$0x0] =	wrdreg $0xFFFFFFFF;
	(pc) =	sbr.abs _section_cstart, $3  }
0xc6: {  	[dreg:$0x1] =	wrdreg $0xFFFFFFFF  }
0xc7: {  	_ =	task.clear_ibuf [dreg:s9], $0x2FFFF;
	_ =	strace $0x9FFFFFFF  }
0xc8: {  	(tm) =	ssettm $0x7FFFFFFF  }
0xc9: {  	_ =	shalt  }
tec
execute0_lowered:
.L_overlay_start_1:
0x0: {  	(tag) =	ssettag $0x1  }
0x1: {  	s4 =	rddreg [dreg:$0x0]  }
0x2: {  	s0 =	rddreg [dreg:$0x1]  }
0x3: {  	s21 =	rddreg [dreg:$0x2]  }
0x4: {  	s6 =	rddreg [dreg:$0x3]  }
0x5: {  	s5 =	rddreg [dreg:$0x4];
	s17 =	stileid.u32  }
0x6: {  	s24 =	rddreg [dreg:$0x5];
	s3 =	smul.u32 $0x500, s17  }
0x7: {  	s1 =	simm.s32 $0x0;
	s2 =	srdreg.scid;
	s12 =	smul.u32 $0xA00, s17  }
0x8: {  	[smem:$0x7FF] =	sst s1;
	s13 =	smul.u32 $0x14000, s17  }
0x9: {  	s1 =	sadd.s32 $0x400, s0;
	s2 =	sand.u32 $0x1, s2;
	s19 =	smul.u32 $0x4E20, s17  }
0xa: {  	s7 =	sshll.u32 s17, $0x1;
	s9 =	sadd.s32 $0xAC00, s0;
	s22 =	smul.u32 $0x4E200, s17  }
0xb: {  	p0 =	seq.s32 s17, $0xF;
	_ =	strace $0x80000047;
	s10 =	sshll.u32 s2, $0x7  }
0xc: {  	s7 =	sor.u32 s2, s7;
	s26 =	ssub.s32 $0x2, s2;
	s8 =	smul.u32 $0x138800, s2  }
0xd: {  	[dreg:$0xb] =	wrdreg s1;
	s3 =	sor.u32 s10, s3;
	s30 =	smul.u32 $0x2710, s7  }
0xe: {  	s11 =	sshrl.u32 s26, $0x1;
	s15 =	sshrl.u32 s12, $0x2;
	s23 =	sadd.s32 s22, s6  }
0xf: {  	s7 =	smul.u32 $0x27100, s7;
	s3 =	sshrl.u32 s3, $0x3;
	s18 =	sadd.s32 s15, s24  }
0x10: {  	s13 =	sadd.s32 s13, s8;
	s15 =	smul.u32 $0x2710, s2;
	s10 =	sshrl.u32 s8, $0x3  }
0x11: {  	s2 =	smul.u32 $0x27100, s2;
	s0 =	sadd.s32 s3, s0;
	s3 =	ssub.s32 s26, s11  }
0x12: {  	s12 =	sshrl.u32 s30, $0x3;
	s7 =	sadd.s32 s6, s7;
	[dreg:$0xc] =	wrdreg s18  }
0x13: {  	s13 =	sshrl.u32 s13, $0x3;
	s16 =	sadd.s32 s1, s12;
	[dreg:$0x14] =	wrdreg s7  }
0x14: {  	s14 =	sadd.s32 $0x50, s30;
	s13 =	sadd.s32 s9, s13;
	[dreg:$0xd] =	wrdreg s16  }
0x15: {  	s20 =	sshrl.u32 s14, $0x3;
	s0 =	sadd.s32 $0xA200, s0;
	[dreg:$0xf] =	wrdreg s13  }
0x16: {  	s11 =	sadd.s32 s15, s19;
	s16 =	sadd.s32 s21, s12;
	[dreg:$0x16] =	wrdreg s0  }
0x17: {  	s2 =	sadd.s32 s2, s23;
	s26 =	sadd.s32 s1, s20;
	[dreg:$0xe] =	wrdreg s16  }
0x18: {  	s19 =	sadd.s32 s21, s20;
	s12 =	sadd.s32 $0x14, s12;
	[dreg:$0x10] =	wrdreg s26  }
0x19: {  	s15 =	sadd.s32 $0x190, s11;
	[dreg:$0x11] =	wrdreg s19;
	s26 =	sadd.s32 s21, s12  }
0x1a: {  	s25 =	sshrl.u32 s15, $0x3;
	s15 =	sadd.s32 $0x1400, s2;
	[dreg:$0x13] =	wrdreg s26  }
0x1b: {  	s0 =	sadd.s32 $0x12C000, s5;
	s16 =	sadd.s32 $0x140, s11;
	[dreg:$0x1a] =	wrdreg s15  }
0x1c: {  	s9 =	sadd.s32 s9, s10;
	s0 =	sshrl.u32 @p0 s0, $0x3;
	[dreg:$0x1b] =	wrdreg s16  }
0x1d: {  	s20 =	sadd.s32 $0x1E0, s11;
	s8 =	sadd.s32 s25, s21;
	[dreg:$0x1c] =	wrdreg s0  }
0x1e: {  	s10 =	sshrl.u32 s20, $0x3;
	s13 =	sadd.s32 s25, s1;
	[dreg:$0x7] =	wrdreg s8  }
0x1f: {  	s22 =	sadd.s32 s10, s21;
	[dreg:$0x8] =	wrdreg s13  }
0x20: {  	s31 =	simm.s32 $0x14300;
	s10 =	sadd.s32 s10, s1;
	[dreg:$0x9] =	wrdreg s22  }
0x21: {  	s29 =	simm.s32 $0xD;
	s25 =	sadd.s32 s1, s12;
	[dreg:$0xa] =	wrdreg s10  }
0x22: {  	s23 =	smul.u32 $0x50000, s17;
	s12 =	sadd.s32 $0x25800, s9;
	[dreg:$0x12] =	wrdreg s25  }
0x23: {  	s1 =	sshll.u32 s14, $0x4;
	s14 =	smax.u32 s3, $0x1;
	[dreg:$0x18] =	wrdreg s12  }
0x24: {  	s8 =	sshrl.u32 s23, $0x2;
	s7 =	sadd.s32 s6, s1;
	[dreg:$0x19] =	wrdreg s14  }
0x25: {  	s28 =	simm.s32 $0x3;
	[dreg:$0x15] =	wrdreg s7;
	s13 =	sadd.s32 s8, s5  }
0x26: {  	s11 =	smov.u32 s6;
	s17 =	sadd.s32 $0x2800, s13;
	[dreg:$0x17] =	wrdreg s13  }
0x27: {  	s15 =	simm.s32 $0x14880;
	s19 =	sadd.s32 $0x5000, s13;
	[dreg:$0x1d] =	wrdreg s17  }
0x28: {  	s3 =	simm.s32 $0x11;
	s20 =	sadd.s32 $0x7800, s13;
	[dreg:$0x1e] =	wrdreg s19  }
0x29: {  	s6 =	simm.s32 $0x15;
	s22 =	sadd.s32 $0xA000, s13;
	[dreg:$0x1f] =	wrdreg s20  }
0x2a: {  	s14 =	simm.s32 $0x16;
	s23 =	sadd.s32 $0xC800, s13;
	[smem:$0x7FA] =	sst s22  }
0x2b: {  	s12 =	simm.s32 $0x14280;
	s25 =	sadd.s32 $0xF000, s13;
	[smem:$0x7FB] =	sst s23  }
0x2c: {  	s1 =	simm.s32 $0x0;
	s26 =	sadd.s32 $0x11800, s13;
	[smem:$0x7FC] =	sst s25  }
0x2d: {  	s8 =	simm.s32 $0x14400;
	[smem:$0x7FD] =	sst s26;
	s26 =	simm.s32 $0x14380  }
0x2e: {  	v0 =	vimm.f32 $0.0e+00;
	v1 =	vimm.f32 $1.000000000e+00;
	s22 =	simm.s32 $0x17080;
	s25 =	simm.s32 $0x1;
	s23 =	simm.s32 $0x50  }
.LBB2_1:
0x2f: {  	[smem:$0x7F9] =	sst s1;
	s2 =	simm.s32 $0x0;
	s9 =	simm.s32 $0x200  }
.LBB2_2:
0x30: {  	p1 =	sne.s32 s9, $0x9E00;
	[tilespmem:s2+$0x148F0] =	vst v0  }
0x31: {  	[tilespmem:s2+$0x14880] =	vst v0  }
0x32: {  	[tilespmem:s2+$0x14890] =	vst v0  }
.Ltmp0:
0x33: {  	[tilespmem:s2+$0x148A0] =	vst v0;
	(pc) =	sbr.rel @p1 .LBB2_2-.Ltmp0, $4  }
0x34: {  	[tilespmem:s2+$0x148B0] =	vst v0  }
0x35: {  	[tilespmem:s2+$0x148C0] =	vst v0  }
0x36: {  	[tilespmem:s2+$0x148D0] =	vst v0  }
0x37: {  	[tilespmem:s2+$0x148E0] =	vst v0;
	s2 =	sshra.s32 s9, $0x2;
	s9 =	sadd.s32 $0x200, s9  }
0x38: {  	[tilespmem:s2+$0x148F0] =	vst v0  }
0x39: {  	[tilespmem:s2+$0x14880] =	vst v0  }
0x3a: {  	[tilespmem:s2+$0x14890] =	vst v0  }
0x3b: {  	[tilespmem:s2+$0x148A0] =	vst v0  }
0x3c: {  	[tilespmem:s2+$0x148B0] =	vst v0  }
0x3d: {  	[tilespmem:s2+$0x148C0] =	vst v0  }
0x3e: {  	[tilespmem:s2+$0x148D0] =	vst v0  }
0x3f: {  	[tilespmem:s2+$0x148E0] =	vst v0  }
0x40: {  	[tilespmem:$0x1E900] =	vst v0  }
0x41: {  	[tilespmem:$0x1E910] =	vst v0  }
0x42: {  	[tilespmem:$0x1E920] =	vst v0  }
0x43: {  	[tilespmem:$0x1E930] =	vst v0  }
0x44: {  	[tilespmem:$0x1E940] =	vst v0  }
0x45: {  	[tilespmem:$0x1E950] =	vst v0  }
0x46: {  	[tilespmem:$0x1E960] =	vst v0  }
0x47: {  	[tilespmem:$0x1E970] =	vst v0  }
0x48: {  	[tilespmem:$0x1E980] =	vst v0  }
0x49: {  	[tilespmem:$0x1E990] =	vst v0  }
0x4a: {  	[tilespmem:$0x1E9A0] =	vst v0  }
0x4b: {  	[tilespmem:$0x1E9B0] =	vst v0  }
0x4c: {  	[tilespmem:$0x1E9C0] =	vst v0  }
0x4d: {  	[tilespmem:$0x1E9D0] =	vst v0  }
0x4e: {  	[tilespmem:$0x1E9E0] =	vst v0  }
0x4f: {  	[tilespmem:$0x1E9F0] =	vst v0  }
0x50: {  	[tilespmem:$0x1EA00] =	vst v0  }
0x51: {  	[tilespmem:$0x1EA10] =	vst v0  }
0x52: {  	[tilespmem:$0x1EA20] =	vst v0  }
0x53: {  	[tilespmem:$0x1EA30] =	vst v0  }
0x54: {  	[tilespmem:$0x1EA40] =	vst v0  }
0x55: {  	[tilespmem:$0x1EA50] =	vst v0  }
0x56: {  	[tilespmem:$0x1EA60] =	vst v0  }
0x57: {  	[tilespmem:$0x1EA70] =	vst v0  }
0x58: {  	[tilespmem:$0x1EA80] =	vst v0  }
0x59: {  	[tilespmem:$0x1EA90] =	vst v0  }
0x5a: {  	[tilespmem:$0x1EAA0] =	vst v0  }
0x5b: {  	[tilespmem:$0x1EAB0] =	vst v0  }
0x5c: {  	[tilespmem:$0x1EAC0] =	vst v0  }
0x5d: {  	[tilespmem:$0x1EAD0] =	vst v0  }
0x5e: {  	[tilespmem:$0x1EAE0] =	vst v0  }
0x5f: {  	[tilespmem:$0x1EAF0] =	vst v0  }
0x60: {  	[tilespmem:$0x1EB00] =	vst v0  }
0x61: {  	[tilespmem:$0x1EB10] =	vst v0  }
0x62: {  	[tilespmem:$0x1EB20] =	vst v0  }
0x63: {  	[tilespmem:$0x1EB30] =	vst v0  }
0x64: {  	[tilespmem:$0x1EB40] =	vst v0  }
0x65: {  	[tilespmem:$0x1EB50] =	vst v0  }
0x66: {  	[tilespmem:$0x1EB60] =	vst v0  }
0x67: {  	[tilespmem:$0x1EB70] =	vst v0  }
0x68: {  	[tilespmem:$0x1E880] =	vst v1  }
0x69: {  	[tilespmem:$0x1E890] =	vst v1  }
0x6a: {  	[tilespmem:$0x1E8A0] =	vst v1  }
0x6b: {  	[tilespmem:$0x1E8B0] =	vst v1  }
0x6c: {  	s0 =	rddreg [dreg:$0x1d];
	[tilespmem:$0x1E8C0] =	vst v1  }
0x6d: {  	[spmem:s13] =	stream.linear.scatter [tilespmem:s15], [sflag:$0x15], $0x2800, $0x38;
	[tilespmem:$0x1EB80] =	vst v63  }
0x6e: {  	s16 =	rddreg [dreg:$0x1f]  }
0x6f: {  	[spmem:s0] =	stream.linear.scatter [tilespmem:s15], [sflag:$0x15], $0x2800, $0x38;
	[tilespmem:$0x1EB80] =	vst v63  }
0x70: {  	s13 =	rddreg [dreg:$0x1e]  }
0x71: {  	[spmem:s13] =	stream.linear.scatter [tilespmem:s15], [sflag:$0x15], $0x2800, $0x38;
	[tilespmem:$0x1EB80] =	vst v63  }
0x72: {  	s17 =	sld [smem:$0x7FA]  }
0x73: {  	[spmem:s16] =	stream.linear.scatter [tilespmem:s15], [sflag:$0x15], $0x2800, $0x38;
	[tilespmem:$0x1EB80] =	vst v63  }
0x74: {  	s19 =	sld [smem:$0x7FB]  }
0x75: {  	[spmem:s17] =	stream.linear.scatter [tilespmem:s15], [sflag:$0x15], $0x2800, $0x38;
	[tilespmem:$0x1EB80] =	vst v63  }
0x76: {  	s20 =	sld [smem:$0x7FC]  }
0x77: {  	[spmem:s19] =	stream.linear.scatter [tilespmem:s15], [sflag:$0x15], $0x2800, $0x38;
	[tilespmem:$0x1EB80] =	vst v63  }
0x78: {  	s1 =	sld [smem:$0x7FD]  }
0x79: {  	[spmem:s20] =	stream.linear.scatter [tilespmem:s15], [sflag:$0x15], $0x2800, $0x38;
	[tilespmem:$0x1EB80] =	vst v63  }
0x7a: {  	_ = 	snop  }
0x7b: {  	[spmem:s1] =	stream.linear.scatter [tilespmem:s15], [sflag:$0x15], $0x2800, $0x38;
	[tilespmem:$0x1EB80] =	vst v63  }
0x7c: {  	s2 =	simm.s32 $0x1E900  }
0x7d: {  	[spmem:s18] =	stream.linear.scatter [tilespmem:s2], [sflag:$0x16], $0x280, $0x38;
	[tilespmem:$0x1EB80] =	vst v63  }
0x7e: {  	_ =	swait.ge [sflag:s6], $0x2800  }
0x7f: {  	[sflag:s6] =	ssyncset.done $0x0  }
0x80: {  	[sflag:s6] =	ssyncadd.s32 $0xFFFFD800  }
0x81: {  	_ =	swait.ge [sflag:s6], $0x2800  }
0x82: {  	[sflag:s6] =	ssyncset.done $0x0  }
0x83: {  	[sflag:s6] =	ssyncadd.s32 $0xFFFFD800  }
0x84: {  	_ =	swait.ge [sflag:s6], $0x2800  }
0x85: {  	[sflag:s6] =	ssyncset.done $0x0  }
0x86: {  	[sflag:s6] =	ssyncadd.s32 $0xFFFFD800  }
0x87: {  	_ =	swait.ge [sflag:s6], $0x2800  }
0x88: {  	[sflag:s6] =	ssyncset.done $0x0  }
0x89: {  	[sflag:s6] =	ssyncadd.s32 $0xFFFFD800  }
0x8a: {  	_ =	swait.ge [sflag:s6], $0x2800  }
0x8b: {  	[sflag:s6] =	ssyncset.done $0x0  }
0x8c: {  	[sflag:s6] =	ssyncadd.s32 $0xFFFFD800  }
0x8d: {  	_ =	swait.ge [sflag:s6], $0x2800  }
0x8e: {  	[sflag:s6] =	ssyncset.done $0x0  }
0x8f: {  	[sflag:s6] =	ssyncadd.s32 $0xFFFFD800  }
0x90: {  	_ =	swait.ge [sflag:s6], $0x2800  }
0x91: {  	[sflag:s6] =	ssyncset.done $0x0  }
0x92: {  	[sflag:s6] =	ssyncadd.s32 $0xFFFFD800  }
0x93: {  	_ =	swait.ge [sflag:s6], $0x2800  }
0x94: {  	[sflag:s6] =	ssyncset.done $0x0  }
0x95: {  	[sflag:s6] =	ssyncadd.s32 $0xFFFFD800  }
0x96: {  	_ =	swait.ge [sflag:s14], $0x280  }
0x97: {  	[sflag:s14] =	ssyncset.done $0x0  }
0x98: {  	[sflag:s14] =	ssyncadd.s32 $0xFFFFFD80  }
0x99: {  	[bflag:$0x0] =	sbarrier.arrive $0xFFFF  }
0x9a: {  	s2 =	simm.s32 $0x0;
	s7 =	rddreg [dreg:$0xd]  }
0x9b: {  	[tilespmem:s12], [sflag:$0x1] =	stream.linear.gather [hbm4b:s7+s2], $0x50, $0x38;
	[tilespmem:$0x1EB80] =	vst v63  }
0x9c: {  	s9 =	rddreg [dreg:$0xe];
	s7 =	simm.s32 $0x14480  }
0x9d: {  	[tilespmem:s7], [sflag:$0x5] =	stream.linear.gather [hbm4b:s9+s2], $0x50, $0x38;
	[tilespmem:$0x1EB80] =	vst v63  }
0x9e: {  	s10 =	rddreg [dreg:$0x10]  }
0x9f: {  	[tilespmem:s31], [sflag:$0x2] =	stream.linear.gather [hbm4b:s10+s2], $0x50, $0x38;
	[tilespmem:$0x1EB80] =	vst v63  }
0xa0: {  	s16 =	simm.s32 $0x14500;
	s13 =	rddreg [dreg:$0x11]  }
0xa1: {  	[tilespmem:s16], [sflag:$0x6] =	stream.linear.gather [hbm4b:s13+s2], $0x50, $0x38;
	[tilespmem:$0x1EB80] =	vst v63  }
0xa2: {  	s17 =	rddreg [dreg:$0x12]  }
0xa3: {  	[tilespmem:s26], [sflag:$0x3] =	stream.linear.gather [hbm4b:s17+s2], $0x50, $0x38;
	[tilespmem:$0x1EB80] =	vst v63  }
0xa4: {  	s19 =	simm.s32 $0x14580;
	s18 =	rddreg [dreg:$0x13]  }
0xa5: {  	[tilespmem:s19], [sflag:$0x7] =	stream.linear.gather [hbm4b:s18+s2], $0x50, $0x38;
	[tilespmem:$0x1EB80] =	vst v63  }
0xa6: {  	s20 =	rddreg [dreg:$0x14]  }
0xa7: {  	[tilespmem:s15], [sflag:$0xD] =	stream.linear.gather [hbm4b:s20+s2], $0x2800, $0x38;
	[tilespmem:$0x1EB80] =	vst v63  }
0xa8: {  	s1 =	rddreg [dreg:$0x15]  }
0xa9: {  	[tilespmem:s22], [sflag:$0xE] =	stream.linear.gather [hbm4b:s1+s2], $0x2800, $0x38;
	[tilespmem:$0x1EB80] =	vst v63  }
0xaa: {  	_ =	swait.ge [sflag:s25], $0x50  }
0xab: {  	[sflag:s25] =	ssyncset.done $0x0  }
0xac: {  	[sflag:s25] =	ssyncadd.s32 $0xFFFFFFB0  }
0xad: {  	p2 =	por $0x1, $0x1;
	_ =	swait.ge [sflag:s29], $0x2800  }
0xae: {  	p1 =	por p2, p2;
	s9 =	simm.s32 @!p2 $0x3;
	[sflag:s29] =	ssyncset.done $0x0  }
0xaf: {  	s9 =	simm.s32 @p1 $0x3;
	s13 =	simm.s32 @!p1 $0x17;
	[sflag:s29] =	ssyncadd.s32 $0xFFFFD800  }
0xb0: {  	[tilespmem:s15], [sflag:$0x11] =	stream.indirect.gather.add.f32 [hbm:s4], $0x80, s12, s23, $0xb8;
	[tilespmem:$0x1EB80] =	vst v63  }
0xb1: {  	s16 =	smul.u32 $0x50, s9;
	_ =	swait.ge @!p1 [sflag:s13], $0x2800  }
0xb2: {  	[sflag:s13] =	ssyncset.done @!p1 $0x0  }
0xb3: {  	s10 =	simm.s32 $0x0;
	s16 =	sadd.s32 s30, s16;
	[sflag:s13] =	ssyncadd.s32 @!p1 $0xFFFFD800  }
0xb4: {  	s17 =	sand.u32 $0x7, s9;
	s7 =	sshrl.u32 s16, $0x3;
	_ =	swait.ge @!p1 [sflag:s13], $0x50  }
0xb5: {  	s9 =	sshll.u32 s17, $0x7;
	[sflag:s13] =	ssyncset.done @!p1 $0x0;
	s1 =	rddreg [dreg:$0xb]  }
0xb6: {  	s9 =	sadd.s32 $0x14480, s9;
	s19 =	sadd.s32 s1, s7;
	[sflag:s13] =	ssyncadd.s32 @!p1 $0xFFFFFFB0  }
0xb7: {  	[tilespmem:s8], [sflag:$0x4] =	stream.linear.gather [hbm4b:s19+s10], $0x50, $0x38;
	[tilespmem:$0x1EB80] =	vst v63  }
0xb8: {  	s0 =	rddreg [dreg:$0x1a];
	s13 =	sadd.s32 $0x5, s17;
	s8 =	sadd.s32 s21, s7  }
0xb9: {  	[tilespmem:s9], [sflag:s13] =	stream.linear.gather [hbm4b:s8+s10], $0x50, $0x38;
	[tilespmem:$0x1EB80] =	vst v63  }
0xba: {  	s18 =	sadd.s32 $0xFFFFF600, s0;
	s19 =	simm.s32 $0xE;
	s8 =	simm.s32 $0x19880  }
0xbb: {  	[tilespmem:s8], [sflag:$0xF] =	stream.linear.gather [hbm4b:s18+s10], $0x2800, $0x38;
	[tilespmem:$0x1EB80] =	vst v63  }
0xbc: {  	_ =	swait.ge [sflag:s19], $0x2800  }
0xbd: {  	[sflag:s19] =	ssyncset.done $0x0  }
0xbe: {  	s20 =	simm.s32 $0x2;
	[sflag:s19] =	ssyncadd.s32 $0xFFFFD800  }
0xbf: {  	_ =	swait.ge [sflag:s20], $0x50  }
0xc0: {  	[sflag:s20] =	ssyncset.done $0x0  }
0xc1: {  	[sflag:s20] =	ssyncadd.s32 $0xFFFFFFB0  }
0xc2: {  	[tilespmem:s22], [sflag:$0x12] =	stream.indirect.gather.add.f32 [hbm:s4], $0x80, s31, s23, $0xb8;
	[tilespmem:$0x1EB80] =	vst v63  }
0xc3: {  	_ =	swait.ge [sflag:s3], $0x2800  }
0xc4: {  	s17 =	sand.u32 $0x4, s2;
	[sflag:s3] =	ssyncset.done $0x0  }
0xc5: {  	s7 =	sadd.s32 $0x5, s17;
	[sflag:s3] =	ssyncadd.s32 $0xFFFFD800  }
0xc6: {  	_ =	swait.ge [sflag:s7], $0x50  }
0xc7: {  	s19 =	sshll.u32 s17, $0x7;
	[sflag:s7] =	ssyncset.done $0x0  }
0xc8: {  	s20 =	sor.u32 $0x14480, s19;
	[sflag:s7] =	ssyncadd.s32 $0xFFFFFFB0  }
0xc9: {  	[spmem:s5] =	stream.indirect.scatter.add.f32 [tilespmem:s15], [sflag:$0x15], $0x80, s20, s23, $0xb8;
	[tilespmem:$0x1EB80] =	vst v63  }
0xca: {  	s18 =	simm.s32 @!p1 $0x18;
	s3 =	simm.s32 $0x1E880  }
0xcb: {  	[spmem:s24] =	stream.indirect.scatter.add.f32 [tilespmem:s3], [sflag:$0x15], $0x1, s20, s23, $0xb8;
	[tilespmem:$0x1EB80] =	vst v63  }
0xcc: {  	_ =	swait.ge @!p1 [sflag:s18], $0x2800  }
0xcd: {  	[sflag:s18] =	ssyncset.done @!p1 $0x0  }
0xce: {  	[sflag:s18] =	ssyncadd.s32 @!p1 $0xFFFFD800  }
0xcf: {  	_ =	swait.ge @!p1 [sflag:s18], $0x50  }
0xd0: {  	s7 =	rddreg [dreg:$0x1b]  }
0xd1: {  	s2 =	sxor.u32 $0xFFFFFFFF, s2;
	[sflag:s18] =	ssyncset.done @!p1 $0x0;
	s20 =	sshrl.u32 s7, $0x3  }
0xd2: {  	s2 =	sand.u32 $0x4, s2;
	[sflag:s18] =	ssyncadd.s32 @!p1 $0xFFFFFFB0;
	s1 =	sadd.s32 s1, s20  }
0xd3: {  	[tilespmem:s12], [sflag:$0x1] =	stream.linear.gather [hbm4b:s1+s10], $0x50, $0x38;
	[tilespmem:$0x1EB80] =	vst v63  }
0xd4: {  	s1 =	sshll.u32 s2, $0x7  }
0xd5: {  	s20 =	sadd.s32 s21, s20;
	s2 =	sadd.s32 $0x5, s2;
	s18 =	sor.u32 $0x14480, s1  }
0xd6: {  	[tilespmem:s18], [sflag:s2] =	stream.linear.gather [hbm4b:s20+s10], $0x50, $0x38;
	[tilespmem:$0x1EB80] =	vst v63  }
0xd7: {  	s20 =	sshll.u32 s16, $0x4  }
0xd8: {  	s21 =	simm.s32 $0xF;
	s2 =	sadd.s32 s11, s20;
	s11 =	simm.s32 $0x1C080  }
0xd9: {  	[tilespmem:s11], [sflag:$0x10] =	stream.linear.gather [hbm4b:s2+s10], $0x2800, $0x38;
	[tilespmem:$0x1EB80] =	vst v63  }
0xda: {  	_ =	swait.ge [sflag:s21], $0x2800  }
0xdb: {  	[sflag:s21] =	ssyncset.done $0x0  }
0xdc: {  	[sflag:s21] =	ssyncadd.s32 $0xFFFFD800  }
0xdd: {  	_ =	swait.ge [sflag:s28], $0x50  }
0xde: {  	[sflag:s28] =	ssyncset.done $0x0  }
0xdf: {  	[sflag:s28] =	ssyncadd.s32 $0xFFFFFFB0  }
0xe0: {  	[tilespmem:s8], [sflag:$0x13] =	stream.indirect.gather.add.f32 [hbm:s4], $0x80, s26, s23, $0xb8;
	[tilespmem:$0x1EB80] =	vst v63  }
0xe1: {  	s26 =	simm.s32 $0x12  }
0xe2: {  	_ =	swait.ge [sflag:s26], $0x2800  }
0xe3: {  	[sflag:s26] =	ssyncset.done $0x0  }
0xe4: {  	s1 =	sadd.s32 $0x6, s17;
	[sflag:s26] =	ssyncadd.s32 $0xFFFFD800  }
0xe5: {  	_ =	swait.ge [sflag:s1], $0x50  }
0xe6: {  	[sflag:s1] =	ssyncset.done $0x0  }
0xe7: {  	s17 =	sadd.s32 $0x14500, s19;
	[sflag:s1] =	ssyncadd.s32 $0xFFFFFFB0  }
0xe8: {  	[spmem:s5] =	stream.indirect.scatter.add.f32 [tilespmem:s22], [sflag:$0x16], $0x80, s17, s23, $0xb8;
	[tilespmem:$0x1EB80] =	vst v63  }
0xe9: {  	_ = 	snop  }
0xea: {  	[spmem:s24] =	stream.indirect.scatter.add.f32 [tilespmem:s3], [sflag:$0x16], $0x1, s17, s23, $0xb8;
	[tilespmem:$0x1EB80] =	vst v63  }
0xeb: {  	_ =	swait.ge [sflag:s6], $0x2800  }
0xec: {  	[sflag:s6] =	ssyncset.done $0x0  }
0xed: {  	p1 =	por $0x0, $0x0;
	[sflag:s6] =	ssyncadd.s32 $0xFFFFD800  }
0xee: {  	s19 =	simm.s32 @!p1 $0x14300;
	s16 =	simm.s32 $0x5;
	_ =	swait.ge [sflag:s6], $0x50  }
0xef: {  	s16 =	sand.u32 @!p1 $0x5, s16;
	s2 =	rddreg [dreg:$0x8];
	[sflag:s6] =	ssyncset.done $0x0  }
0xf0: {  	s17 =	simm.s32 @!p1 $0x0;
	[sflag:s6] =	ssyncadd.s32 $0xFFFFFFB0;
	s2 =	sadd.s32 @!p1 $0x0, s2  }
0xf1: {  	[tilespmem:s19], [sflag:$0x2] =	stream.linear.gather @!p1 [hbm4b:s2+s17], $0x50, $0x38;
	[tilespmem:$0x1EB80] =	vst v63  }
0xf2: {  	s18 =	rddreg [dreg:$0x7];
	s2 =	sshll.u32 @!p1 s16, $0x7  }
0xf3: {  	s18 =	sadd.s32 @!p1 $0x0, s18;
	s16 =	sadd.s32 @!p1 $0x5, s16;
	s2 =	sadd.s32 @!p1 $0x14480, s2  }
0xf4: {  	[tilespmem:s2], [sflag:s16] =	stream.linear.gather @!p1 [hbm4b:s18+s17], $0x50, $0x38;
	[tilespmem:$0x1EB80] =	vst v63  }
0xf5: {  	s18 =	simm.s32 $0x10  }
0xf6: {  	[tilespmem:s15], [sflag:$0xD] =	stream.linear.gather [hbm4b:s0+s10], $0x2800, $0x38;
	[tilespmem:$0x1EB80] =	vst v63  }
0xf7: {  	_ =	swait.ge [sflag:s18], $0x2800  }
0xf8: {  	[sflag:s18] =	ssyncset.done $0x0  }
0xf9: {  	s19 =	simm.s32 $0x4;
	[sflag:s18] =	ssyncadd.s32 $0xFFFFD800  }
0xfa: {  	_ =	swait.ge [sflag:s19], $0x50  }
0xfb: {  	[sflag:s19] =	ssyncset.done $0x0  }
0xfc: {  	s20 =	simm.s32 $0x14400;
	s22 =	simm.s32 $0x13;
	[sflag:s19] =	ssyncadd.s32 $0xFFFFFFB0  }
0xfd: {  	[tilespmem:s11], [sflag:$0x14] =	stream.indirect.gather.add.f32 [hbm:s4], $0x80, s20, s23, $0xb8;
	[tilespmem:$0x1EB80] =	vst v63  }
0xfe: {  	s21 =	simm.s32 $0x2;
	_ =	swait.ge [sflag:s22], $0x2800  }
0xff: {  	s2 =	sand.u32 $0x6, s21;
	[sflag:s22] =	ssyncset.done $0x0  }
0x100: {  	s26 =	sadd.s32 $0x5, s2;
	[sflag:s22] =	ssyncadd.s32 $0xFFFFD800  }
0x101: {  	_ =	swait.ge [sflag:s26], $0x50  }
0x102: {  	s2 =	sshll.u32 s2, $0x7;
	[sflag:s26] =	ssyncset.done $0x0  }
0x103: {  	s2 =	sor.u32 $0x14480, s2;
	[sflag:s26] =	ssyncadd.s32 $0xFFFFFFB0  }
0x104: {  	[spmem:s5] =	stream.indirect.scatter.add.f32 [tilespmem:s8], [sflag:$0x17], $0x80, s2, s23, $0xb8;
	[tilespmem:$0x1EB80] =	vst v63  }
0x105: {  	_ = 	snop  }
0x106: {  	[spmem:s24] =	stream.indirect.scatter.add.f32 [tilespmem:s3], [sflag:$0x17], $0x1, s2, s23, $0xb8;
	[tilespmem:$0x1EB80] =	vst v63  }
0x107: {  	_ =	swait.ge [sflag:s14], $0x2800  }
0x108: {  	[sflag:s14] =	ssyncset.done $0x0  }
0x109: {  	[sflag:s14] =	ssyncadd.s32 $0xFFFFD800  }
0x10a: {  	s16 =	simm.s32 @!p1 $0x6;
	_ =	swait.ge [sflag:s14], $0x50  }
0x10b: {  	s16 =	sand.u32 @!p1 $0x6, s16;
	s2 =	rddreg [dreg:$0xa];
	[sflag:s14] =	ssyncset.done $0x0  }
0x10c: {  	s19 =	simm.s32 @!p1 $0x14380;
	[sflag:s14] =	ssyncadd.s32 $0xFFFFFFB0;
	s2 =	sadd.s32 @!p1 $0x0, s2  }
0x10d: {  	[tilespmem:s19], [sflag:$0x3] =	stream.linear.gather @!p1 [hbm4b:s2+s17], $0x50, $0x38;
	[tilespmem:$0x1EB80] =	vst v63  }
0x10e: {  	s18 =	rddreg [dreg:$0x9];
	s2 =	sshll.u32 @!p1 s16, $0x7  }
0x10f: {  	s18 =	sadd.s32 @!p1 $0x0, s18;
	s16 =	sadd.s32 @!p1 $0x5, s16;
	s2 =	sor.u32 @!p1 $0x14480, s2  }
0x110: {  	[tilespmem:s2], [sflag:s16] =	stream.linear.gather @!p1 [hbm4b:s18+s17], $0x50, $0x38;
	[tilespmem:$0x1EB80] =	vst v63  }
0x111: {  	s2 =	sadd.s32 @!p1 $0x500, s0;
	s16 =	simm.s32 @!p1 $0x17080  }
0x112: {  	[tilespmem:s16], [sflag:$0xE] =	stream.linear.gather @!p1 [hbm4b:s2+s17], $0x2800, $0x38;
	[tilespmem:$0x1EB80] =	vst v63  }
0x113: {  	_ =	swait.ge [sflag:s29], $0x2800  }
0x114: {  	[sflag:s29] =	ssyncset.done $0x0  }
0x115: {  	[sflag:s29] =	ssyncadd.s32 $0xFFFFD800  }
0x116: {  	_ =	swait.ge [sflag:s25], $0x50  }
0x117: {  	[sflag:s25] =	ssyncset.done $0x0  }
0x118: {  	s29 =	simm.s32 $0x14;
	[sflag:s25] =	ssyncadd.s32 $0xFFFFFFB0  }
0x119: {  	[tilespmem:s15], [sflag:$0x11] =	stream.indirect.gather.add.f32 [hbm:s4], $0x80, s12, s23, $0xb8;
	[tilespmem:$0x1EB80] =	vst v63  }
0x11a: {  	_ =	swait.ge [sflag:s29], $0x2800  }
0x11b: {  	s28 =	simm.s32 $0x8;
	[sflag:s29] =	ssyncset.done $0x0  }
0x11c: {  	s6 =	simm.s32 $0x15;
	s18 =	sadd.s32 $0x1400, s0;
	[sflag:s29] =	ssyncadd.s32 $0xFFFFD800  }
0x11d: {  	s17 =	simm.s32 $0x4;
	p1 =	por $0x0, $0x0;
	_ =	swait.ge [sflag:s13], $0x50  }
0x11e: {  	s2 =	simm.s32 $0x28;
	s16 =	sadd.s32 $0x140, s7;
	[sflag:s13] =	ssyncset.done $0x0  }
0x11f: {  	s19 =	simm.s32 @!p1 $0x7;
	p1 =	por p1, p1;
	[sflag:s13] =	ssyncadd.s32 $0xFFFFFFB0  }
.LBB2_4:
0x120: {  	s11 =	simm.s32 $0x1C080  }
0x121: {  	[spmem:s5] =	stream.indirect.scatter.add.f32 [tilespmem:s11], [sflag:$0x18], $0x80, s9, s23, $0xb8;
	[tilespmem:$0x1EB80] =	vst v63  }
0x122: {  	s13 =	simm.s32 @!p1 $0x17;
	s15 =	simm.s32 $0x1E880  }
0x123: {  	[spmem:s24] =	stream.indirect.scatter.add.f32 [tilespmem:s15], [sflag:$0x18], $0x1, s9, s23, $0xb8;
	[tilespmem:$0x1EB80] =	vst v63  }
0x124: {  	s19 =	simm.s32 @p1 $0x3;
	_ =	swait.ge @!p1 [sflag:s13], $0x2800  }
0x125: {  	s0 =	smul.u32 $0x50, s19;
	[sflag:s13] =	ssyncset.done @!p1 $0x0  }
0x126: {  	s25 =	smov.u32 s30;
	[sflag:s13] =	ssyncadd.s32 @!p1 $0xFFFFD800  }
0x127: {  	s7 =	simm.s32 $0x14400;
	s9 =	sadd.s32 s30, s0;
	_ =	swait.ge @!p1 [sflag:s13], $0x50  }
0x128: {  	s30 =	sshrl.u32 s9, $0x3;
	[sflag:s13] =	ssyncset.done @!p1 $0x0;
	s3 =	rddreg [dreg:$0xb]  }
0x129: {  	s26 =	sand.u32 $0x7, s19;
	s1 =	sadd.s32 s3, s30;
	[sflag:s13] =	ssyncadd.s32 @!p1 $0xFFFFFFB0  }
0x12a: {  	[tilespmem:s7], [sflag:$0x4] =	stream.linear.gather [hbm4b:s1+s10], $0x50, $0x38;
	[tilespmem:$0x1EB80] =	vst v63  }
0x12b: {  	s29 =	sshll.u32 s26, $0x7;
	s22 =	sshll.u32 s9, $0x4;
	s1 =	rddreg [dreg:$0x2]  }
0x12c: {  	s9 =	sadd.s32 $0x14480, s29;
	s13 =	sadd.s32 $0x5, s26;
	s8 =	sadd.s32 s1, s30  }
0x12d: {  	[tilespmem:s9], [sflag:s13] =	stream.linear.gather [hbm4b:s8+s10], $0x50, $0x38;
	[tilespmem:$0x1EB80] =	vst v63  }
0x12e: {  	s12 =	sadd.s32 $0xFFFFF600, s18;
	s0 =	simm.s32 $0xE;
	s8 =	simm.s32 $0x19880  }
0x12f: {  	[tilespmem:s8], [sflag:$0xF] =	stream.linear.gather [hbm4b:s12+s10], $0x2800, $0x38;
	[tilespmem:$0x1EB80] =	vst v63  }
0x130: {  	_ =	swait.ge [sflag:s0], $0x2800  }
0x131: {  	[sflag:s0] =	ssyncset.done $0x0  }
0x132: {  	s14 =	simm.s32 $0x2;
	[sflag:s0] =	ssyncadd.s32 $0xFFFFD800  }
0x133: {  	_ =	swait.ge [sflag:s14], $0x50  }
0x134: {  	[sflag:s14] =	ssyncset.done $0x0  }
0x135: {  	s21 =	simm.s32 $0x11;
	[sflag:s14] =	ssyncadd.s32 $0xFFFFFFB0;
	s14 =	simm.s32 $0x17080  }
0x136: {  	[tilespmem:s14], [sflag:$0x12] =	stream.indirect.gather.add.f32 [hbm:s4], $0x80, s31, s23, $0xb8;
	[tilespmem:$0x1EB80] =	vst v63  }
0x137: {  	_ =	swait.ge [sflag:s21], $0x2800  }
0x138: {  	s29 =	sand.u32 $0x4, s17;
	[sflag:s21] =	ssyncset.done $0x0  }
0x139: {  	s30 =	sadd.s32 $0x5, s29;
	[sflag:s21] =	ssyncadd.s32 $0xFFFFD800  }
0x13a: {  	_ =	swait.ge [sflag:s30], $0x50  }
0x13b: {  	s26 =	sshll.u32 s29, $0x7;
	[sflag:s30] =	ssyncset.done $0x0  }
0x13c: {  	s31 =	sor.u32 $0x14480, s26;
	s21 =	simm.s32 $0x14880;
	[sflag:s30] =	ssyncadd.s32 $0xFFFFFFB0  }
0x13d: {  	[spmem:s5] =	stream.indirect.scatter.add.f32 [tilespmem:s21], [sflag:$0x15], $0x80, s31, s23, $0xb8;
	[tilespmem:$0x1EB80] =	vst v63  }
0x13e: {  	s30 =	simm.s32 @!p1 $0x18  }
0x13f: {  	[spmem:s24] =	stream.indirect.scatter.add.f32 [tilespmem:s15], [sflag:$0x15], $0x1, s31, s23, $0xb8;
	[tilespmem:$0x1EB80] =	vst v63  }
0x140: {  	_ =	swait.ge @!p1 [sflag:s30], $0x2800  }
0x141: {  	[sflag:s30] =	ssyncset.done @!p1 $0x0  }
0x142: {  	[sflag:s30] =	ssyncadd.s32 @!p1 $0xFFFFD800  }
0x143: {  	s0 =	sxor.u32 $0xFFFFFFFF, s17;
	s31 =	sshrl.u32 s16, $0x3;
	_ =	swait.ge @!p1 [sflag:s30], $0x50  }
0x144: {  	s0 =	sand.u32 $0x4, s0;
	s12 =	sadd.s32 s3, s31;
	[sflag:s30] =	ssyncset.done @!p1 $0x0  }
0x145: {  	s3 =	simm.s32 $0x14280;
	[sflag:s30] =	ssyncadd.s32 @!p1 $0xFFFFFFB0;
	s30 =	sshll.u32 s0, $0x7  }
0x146: {  	[tilespmem:s3], [sflag:$0x1] =	stream.linear.gather [hbm4b:s12+s10], $0x50, $0x38;
	[tilespmem:$0x1EB80] =	vst v63  }
0x147: {  	s0 =	sadd.s32 $0x5, s0;
	s12 =	sor.u32 $0x14480, s30;
	s30 =	sadd.s32 s1, s31  }
0x148: {  	[tilespmem:s12], [sflag:s0] =	stream.linear.gather [hbm4b:s30+s10], $0x50, $0x38;
	[tilespmem:$0x1EB80] =	vst v63  }
0x149: {  	s12 =	rddreg [dreg:$0x3]  }
0x14a: {  	s1 =	simm.s32 $0xF;
	s0 =	sadd.s32 s12, s22  }
0x14b: {  	[tilespmem:s11], [sflag:$0x10] =	stream.linear.gather [hbm4b:s0+s10], $0x2800, $0x38;
	[tilespmem:$0x1EB80] =	vst v63  }
0x14c: {  	_ =	swait.ge [sflag:s1], $0x2800  }
0x14d: {  	[sflag:s1] =	ssyncset.done $0x0  }
0x14e: {  	s12 =	simm.s32 $0x3;
	[sflag:s1] =	ssyncadd.s32 $0xFFFFD800  }
0x14f: {  	_ =	swait.ge [sflag:s12], $0x50  }
0x150: {  	[sflag:s12] =	ssyncset.done $0x0  }
0x151: {  	s22 =	simm.s32 $0x14380;
	s1 =	simm.s32 $0x12;
	[sflag:s12] =	ssyncadd.s32 $0xFFFFFFB0  }
0x152: {  	[tilespmem:s8], [sflag:$0x13] =	stream.indirect.gather.add.f32 [hbm:s4], $0x80, s22, s23, $0xb8;
	[tilespmem:$0x1EB80] =	vst v63  }
0x153: {  	_ =	swait.ge [sflag:s1], $0x2800  }
0x154: {  	[sflag:s1] =	ssyncset.done $0x0  }
0x155: {  	s22 =	sadd.s32 $0x6, s29;
	[sflag:s1] =	ssyncadd.s32 $0xFFFFD800  }
0x156: {  	_ =	swait.ge [sflag:s22], $0x50  }
0x157: {  	[sflag:s22] =	ssyncset.done $0x0  }
0x158: {  	s1 =	sadd.s32 $0x14500, s26;
	[sflag:s22] =	ssyncadd.s32 $0xFFFFFFB0  }
0x159: {  	[spmem:s5] =	stream.indirect.scatter.add.f32 [tilespmem:s14], [sflag:$0x16], $0x80, s1, s23, $0xb8;
	[tilespmem:$0x1EB80] =	vst v63  }
0x15a: {  	p3 =	seq.s32 s28, $0x0  }
0x15b: {  	[spmem:s24] =	stream.indirect.scatter.add.f32 [tilespmem:s15], [sflag:$0x16], $0x1, s1, s23, $0xb8;
	[tilespmem:$0x1EB80] =	vst v63  }
0x15c: {  	s19 =	sadd.s32 @!p3 $0x3, s28;
	p1 =	por p3, p3;
	_ =	swait.ge [sflag:s6], $0x2800  }
0x15d: {  	p3 =	seq.s32 s17, $0x78;
	s0 =	sadd.s32 $0x5, s17;
	[sflag:s6] =	ssyncset.done $0x0  }
0x15e: {  	s0 =	sand.u32 @!p3 $0x5, s0;
	[sflag:s6] =	ssyncadd.s32 $0xFFFFD800  }
0x15f: {  	s30 =	simm.s32 @!p3 $0x14300;
	s31 =	sshll.u32 @!p3 s0, $0x7;
	_ =	swait.ge [sflag:s6], $0x50  }
0x160: {  	s22 =	simm.s32 @!p3 $0x0;
	s12 =	rddreg [dreg:$0x8];
	[sflag:s6] =	ssyncset.done $0x0  }
0x161: {  	s26 =	rddreg [dreg:$0x7];
	[sflag:s6] =	ssyncadd.s32 $0xFFFFFFB0;
	s12 =	sadd.s32 @!p3 s2, s12  }
0x162: {  	[tilespmem:s30], [sflag:$0x2] =	stream.linear.gather @!p3 [hbm4b:s12+s22], $0x50, $0x38;
	[tilespmem:$0x1EB80] =	vst v63  }
0x163: {  	s0 =	sadd.s32 @!p3 $0x5, s0;
	s31 =	sadd.s32 @!p3 $0x14480, s31;
	s26 =	sadd.s32 @!p3 s2, s26  }
0x164: {  	[tilespmem:s31], [sflag:s0] =	stream.linear.gather @!p3 [hbm4b:s26+s22], $0x50, $0x38;
	[tilespmem:$0x1EB80] =	vst v63  }
0x165: {  	s14 =	simm.s32 $0x10  }
0x166: {  	[tilespmem:s21], [sflag:$0xD] =	stream.linear.gather [hbm4b:s18+s10], $0x2800, $0x38;
	[tilespmem:$0x1EB80] =	vst v63  }
0x167: {  	_ =	swait.ge [sflag:s14], $0x2800  }
0x168: {  	s29 =	sadd.s32 @!p3 $0x6, s17;
	[sflag:s14] =	ssyncset.done $0x0  }
0x169: {  	s12 =	sand.u32 @!p3 $0x6, s29;
	s29 =	simm.s32 $0x4;
	[sflag:s14] =	ssyncadd.s32 $0xFFFFD800  }
0x16a: {  	_ =	swait.ge [sflag:s29], $0x50  }
0x16b: {  	[sflag:s29] =	ssyncset.done $0x0  }
0x16c: {  	[sflag:s29] =	ssyncadd.s32 $0xFFFFFFB0  }
0x16d: {  	[tilespmem:s11], [sflag:$0x14] =	stream.indirect.gather.add.f32 [hbm:s4], $0x80, s7, s23, $0xb8;
	[tilespmem:$0x1EB80] =	vst v63  }
0x16e: {  	s7 =	simm.s32 $0x13  }
0x16f: {  	s1 =	sadd.s32 $0x2, s17;
	s0 =	sshll.u32 @!p3 s12, $0x7;
	_ =	swait.ge [sflag:s7], $0x2800  }
0x170: {  	s26 =	sadd.s32 @!p3 $0x5, s12;
	s12 =	sand.u32 $0x6, s1;
	[sflag:s7] =	ssyncset.done $0x0  }
0x171: {  	s14 =	sadd.s32 $0x5, s12;
	[sflag:s7] =	ssyncadd.s32 $0xFFFFD800  }
0x172: {  	_ =	swait.ge [sflag:s14], $0x50  }
0x173: {  	s12 =	sshll.u32 s12, $0x7;
	[sflag:s14] =	ssyncset.done $0x0  }
0x174: {  	s12 =	sor.u32 $0x14480, s12;
	[sflag:s14] =	ssyncadd.s32 $0xFFFFFFB0  }
0x175: {  	[spmem:s5] =	stream.indirect.scatter.add.f32 [tilespmem:s8], [sflag:$0x17], $0x80, s12, s23, $0xb8;
	[tilespmem:$0x1EB80] =	vst v63  }
0x176: {  	_ = 	snop  }
0x177: {  	[spmem:s24] =	stream.indirect.scatter.add.f32 [tilespmem:s15], [sflag:$0x17], $0x1, s12, s23, $0xb8;
	[tilespmem:$0x1EB80] =	vst v63  }
0x178: {  	s15 =	simm.s32 $0x16  }
0x179: {  	_ =	swait.ge [sflag:s15], $0x2800  }
0x17a: {  	[sflag:s15] =	ssyncset.done $0x0  }
0x17b: {  	s20 =	smov.u32 s28;
	[sflag:s15] =	ssyncadd.s32 $0xFFFFD800  }
0x17c: {  	s17 =	smov.u32 s20;
	_ =	swait.ge [sflag:s15], $0x50  }
0x17d: {  	s29 =	simm.s32 @!p3 $0x14380;
	s12 =	rddreg [dreg:$0xa];
	[sflag:s15] =	ssyncset.done $0x0  }
0x17e: {  	s20 =	rddreg [dreg:$0x9];
	[sflag:s15] =	ssyncadd.s32 $0xFFFFFFB0;
	s12 =	sadd.s32 @!p3 s2, s12  }
0x17f: {  	[tilespmem:s29], [sflag:$0x3] =	stream.linear.gather @!p3 [hbm4b:s12+s22], $0x50, $0x38;
	[tilespmem:$0x1EB80] =	vst v63  }
0x180: {  	s0 =	sor.u32 @!p3 $0x14480, s0;
	s12 =	sadd.s32 @!p3 s2, s20  }
0x181: {  	[tilespmem:s0], [sflag:s26] =	stream.linear.gather @!p3 [hbm4b:s12+s22], $0x50, $0x38;
	[tilespmem:$0x1EB80] =	vst v63  }
0x182: {  	s20 =	sadd.s32 @!p3 $0x500, s18;
	s29 =	simm.s32 @!p3 $0x17080  }
0x183: {  	[tilespmem:s29], [sflag:$0xE] =	stream.linear.gather @!p3 [hbm4b:s20+s22], $0x2800, $0x38;
	[tilespmem:$0x1EB80] =	vst v63  }
0x184: {  	s29 =	simm.s32 $0xD  }
0x185: {  	_ =	swait.ge [sflag:s29], $0x2800  }
0x186: {  	[sflag:s29] =	ssyncset.done $0x0  }
0x187: {  	s30 =	smov.u32 s25;
	s25 =	simm.s32 $0x1;
	[sflag:s29] =	ssyncadd.s32 $0xFFFFD800  }
0x188: {  	_ =	swait.ge [sflag:s25], $0x50  }
0x189: {  	[sflag:s25] =	ssyncset.done $0x0  }
0x18a: {  	s28 =	sadd.s32 $0x4, s28;
	s26 =	simm.s32 $0x14;
	[sflag:s25] =	ssyncadd.s32 $0xFFFFFFB0  }
0x18b: {  	[tilespmem:s21], [sflag:$0x11] =	stream.indirect.gather.add.f32 [hbm:s4], $0x80, s3, s23, $0xb8;
	[tilespmem:$0x1EB80] =	vst v63  }
0x18c: {  	p2 =	sne.s32 s28, $0x7C;
	_ =	swait.ge [sflag:s26], $0x2800  }
.Ltmp1:
0x18d: {  	[sflag:s26] =	ssyncset.done $0x0;
	(pc) =	sbr.rel @p2 .LBB2_4-.Ltmp1, $4  }
0x18e: {  	[sflag:s26] =	ssyncadd.s32 $0xFFFFD800  }
0x18f: {  	_ =	swait.ge [sflag:s13], $0x50  }
0x190: {  	s16 =	sadd.s32 $0x140, s16;
	s31 =	simm.s32 $0x14300;
	[sflag:s13] =	ssyncset.done $0x0  }
0x191: {  	s2 =	sadd.s32 $0x28, s2;
	s18 =	sadd.s32 $0x1400, s18;
	[sflag:s13] =	ssyncadd.s32 $0xFFFFFFB0  }
0x192: {  	s11 =	simm.s32 $0x1C080  }
0x193: {  	[spmem:s5] =	stream.indirect.scatter.add.f32 [tilespmem:s11], [sflag:$0x18], $0x80, s9, s23, $0xb8;
	[tilespmem:$0x1EB80] =	vst v63  }
0x194: {  	s0 =	simm.s32 @!p1 $0x17;
	s15 =	simm.s32 $0x1E880  }
0x195: {  	[spmem:s24] =	stream.indirect.scatter.add.f32 [tilespmem:s15], [sflag:$0x18], $0x1, s9, s23, $0xb8;
	[tilespmem:$0x1EB80] =	vst v63  }
0x196: {  	s19 =	simm.s32 @p1 $0x3;
	_ =	swait.ge @!p1 [sflag:s0], $0x2800  }
0x197: {  	s1 =	smul.u32 $0x50, s19;
	[sflag:s0] =	ssyncset.done @!p1 $0x0  }
0x198: {  	[sflag:s0] =	ssyncadd.s32 @!p1 $0xFFFFD800  }
0x199: {  	s7 =	simm.s32 $0x14400;
	s12 =	sadd.s32 s30, s1;
	_ =	swait.ge @!p1 [sflag:s0], $0x50  }
0x19a: {  	s3 =	sshrl.u32 s12, $0x3;
	[sflag:s0] =	ssyncset.done @!p1 $0x0;
	s1 =	rddreg [dreg:$0xb]  }
0x19b: {  	s13 =	sand.u32 $0x7, s19;
	s20 =	sadd.s32 s1, s3;
	[sflag:s0] =	ssyncadd.s32 @!p1 $0xFFFFFFB0  }
0x19c: {  	[tilespmem:s7], [sflag:$0x4] =	stream.linear.gather [hbm4b:s20+s10], $0x50, $0x38;
	[tilespmem:$0x1EB80] =	vst v63  }
0x19d: {  	s8 =	sshll.u32 s13, $0x7;
	s21 =	rddreg [dreg:$0x2]  }
0x19e: {  	s13 =	sadd.s32 $0x5, s13;
	s9 =	sadd.s32 $0x14480, s8;
	s14 =	sadd.s32 s21, s3  }
0x19f: {  	[tilespmem:s9], [sflag:s13] =	stream.linear.gather [hbm4b:s14+s10], $0x50, $0x38;
	[tilespmem:$0x1EB80] =	vst v63  }
0x1a0: {  	s28 =	simm.s32 $0x19880;
	s19 =	sadd.s32 $0xFFFFF600, s18;
	s20 =	simm.s32 $0xE  }
0x1a1: {  	[tilespmem:s28], [sflag:$0xF] =	stream.linear.gather [hbm4b:s19+s10], $0x2800, $0x38;
	[tilespmem:$0x1EB80] =	vst v63  }
0x1a2: {  	_ =	swait.ge [sflag:s20], $0x2800  }
0x1a3: {  	[sflag:s20] =	ssyncset.done $0x0  }
0x1a4: {  	s22 =	simm.s32 $0x2;
	[sflag:s20] =	ssyncadd.s32 $0xFFFFD800  }
0x1a5: {  	_ =	swait.ge [sflag:s22], $0x50  }
0x1a6: {  	[sflag:s22] =	ssyncset.done $0x0  }
0x1a7: {  	s8 =	simm.s32 $0x11;
	s14 =	simm.s32 $0x17080;
	[sflag:s22] =	ssyncadd.s32 $0xFFFFFFB0  }
0x1a8: {  	[tilespmem:s14], [sflag:$0x12] =	stream.indirect.gather.add.f32 [hbm:s4], $0x80, s31, s23, $0xb8;
	[tilespmem:$0x1EB80] =	vst v63  }
0x1a9: {  	_ =	swait.ge [sflag:s8], $0x2800  }
0x1aa: {  	s0 =	sand.u32 $0x4, s17;
	[sflag:s8] =	ssyncset.done $0x0  }
0x1ab: {  	s3 =	sadd.s32 $0x5, s0;
	[sflag:s8] =	ssyncadd.s32 $0xFFFFD800  }
0x1ac: {  	_ =	swait.ge [sflag:s3], $0x50  }
0x1ad: {  	s20 =	sshll.u32 s0, $0x7;
	[sflag:s3] =	ssyncset.done $0x0  }
0x1ae: {  	s22 =	sor.u32 $0x14480, s20;
	[sflag:s3] =	ssyncadd.s32 $0xFFFFFFB0;
	s3 =	simm.s32 $0x14880  }
0x1af: {  	[spmem:s5] =	stream.indirect.scatter.add.f32 [tilespmem:s3], [sflag:$0x15], $0x80, s22, s23, $0xb8;
	[tilespmem:$0x1EB80] =	vst v63  }
0x1b0: {  	s19 =	simm.s32 @!p1 $0x18  }
0x1b1: {  	[spmem:s24] =	stream.indirect.scatter.add.f32 [tilespmem:s15], [sflag:$0x15], $0x1, s22, s23, $0xb8;
	[tilespmem:$0x1EB80] =	vst v63  }
0x1b2: {  	_ =	swait.ge @!p1 [sflag:s19], $0x2800  }
0x1b3: {  	[sflag:s19] =	ssyncset.done @!p1 $0x0  }
0x1b4: {  	[sflag:s19] =	ssyncadd.s32 @!p1 $0xFFFFD800  }
0x1b5: {  	s22 =	sxor.u32 $0xFFFFFFFF, s17;
	_ =	swait.ge @!p1 [sflag:s19], $0x50  }
0x1b6: {  	s16 =	sshrl.u32 s16, $0x3;
	s22 =	sand.u32 $0x4, s22;
	[sflag:s19] =	ssyncset.done @!p1 $0x0  }
0x1b7: {  	[sflag:s19] =	ssyncadd.s32 @!p1 $0xFFFFFFB0;
	s19 =	sadd.s32 s1, s16;
	s1 =	simm.s32 $0x14280  }
0x1b8: {  	[tilespmem:s1], [sflag:$0x1] =	stream.linear.gather [hbm4b:s19+s10], $0x50, $0x38;
	[tilespmem:$0x1EB80] =	vst v63  }
0x1b9: {  	s1 =	sshll.u32 s22, $0x7  }
0x1ba: {  	s16 =	sadd.s32 s21, s16;
	s22 =	sadd.s32 $0x5, s22;
	s19 =	sor.u32 $0x14480, s1  }
0x1bb: {  	[tilespmem:s19], [sflag:s22] =	stream.linear.gather [hbm4b:s16+s10], $0x50, $0x38;
	[tilespmem:$0x1EB80] =	vst v63  }
0x1bc: {  	s12 =	sshll.u32 s12, $0x4;
	s22 =	rddreg [dreg:$0x3]  }
0x1bd: {  	s19 =	simm.s32 $0xF;
	s12 =	sadd.s32 s22, s12  }
0x1be: {  	[tilespmem:s11], [sflag:$0x10] =	stream.linear.gather [hbm4b:s12+s10], $0x2800, $0x38;
	[tilespmem:$0x1EB80] =	vst v63  }
0x1bf: {  	_ =	swait.ge [sflag:s19], $0x2800  }
0x1c0: {  	[sflag:s19] =	ssyncset.done $0x0  }
0x1c1: {  	s12 =	simm.s32 $0x3;
	[sflag:s19] =	ssyncadd.s32 $0xFFFFD800  }
0x1c2: {  	_ =	swait.ge [sflag:s12], $0x50  }
0x1c3: {  	[sflag:s12] =	ssyncset.done $0x0  }
0x1c4: {  	s16 =	simm.s32 $0x14380;
	s19 =	simm.s32 $0x12;
	[sflag:s12] =	ssyncadd.s32 $0xFFFFFFB0  }
0x1c5: {  	[tilespmem:s28], [sflag:$0x13] =	stream.indirect.gather.add.f32 [hbm:s4], $0x80, s16, s23, $0xb8;
	[tilespmem:$0x1EB80] =	vst v63  }
0x1c6: {  	_ =	swait.ge [sflag:s19], $0x2800  }
0x1c7: {  	[sflag:s19] =	ssyncset.done $0x0  }
0x1c8: {  	s0 =	sadd.s32 $0x6, s0;
	[sflag:s19] =	ssyncadd.s32 $0xFFFFD800  }
0x1c9: {  	_ =	swait.ge [sflag:s0], $0x50  }
0x1ca: {  	[sflag:s0] =	ssyncset.done $0x0  }
0x1cb: {  	s1 =	sadd.s32 $0x14500, s20;
	[sflag:s0] =	ssyncadd.s32 $0xFFFFFFB0  }
0x1cc: {  	[spmem:s5] =	stream.indirect.scatter.add.f32 [tilespmem:s14], [sflag:$0x16], $0x80, s1, s23, $0xb8;
	[tilespmem:$0x1EB80] =	vst v63  }
0x1cd: {  	_ = 	snop  }
0x1ce: {  	[spmem:s24] =	stream.indirect.scatter.add.f32 [tilespmem:s15], [sflag:$0x16], $0x1, s1, s23, $0xb8;
	[tilespmem:$0x1EB80] =	vst v63  }
0x1cf: {  	_ =	swait.ge [sflag:s6], $0x2800  }
0x1d0: {  	[sflag:s6] =	ssyncset.done $0x0  }
0x1d1: {  	[sflag:s6] =	ssyncadd.s32 $0xFFFFD800  }
0x1d2: {  	p1 =	seq.s32 s17, $0x78;
	_ =	swait.ge [sflag:s6], $0x50  }
0x1d3: {  	s12 =	simm.s32 @!p1 $0x0;
	s0 =	rddreg [dreg:$0x8];
	[sflag:s6] =	ssyncset.done $0x0  }
0x1d4: {  	s16 =	simm.s32 @!p1 $0x14300;
	[sflag:s6] =	ssyncadd.s32 $0xFFFFFFB0;
	s0 =	sadd.s32 @!p1 s2, s0  }
0x1d5: {  	[tilespmem:s16], [sflag:$0x2] =	stream.linear.gather @!p1 [hbm4b:s0+s12], $0x50, $0x38;
	[tilespmem:$0x1EB80] =	vst v63  }
0x1d6: {  	s0 =	sadd.s32 $0x5, s17  }
0x1d7: {  	s0 =	sand.u32 @!p1 $0x5, s0  }
0x1d8: {  	s16 =	rddreg [dreg:$0x7];
	s19 =	sshll.u32 @!p1 s0, $0x7  }
0x1d9: {  	s16 =	sadd.s32 @!p1 s2, s16;
	s0 =	sadd.s32 @!p1 $0x5, s0;
	s19 =	sadd.s32 @!p1 $0x14480, s19  }
0x1da: {  	[tilespmem:s19], [sflag:s0] =	stream.linear.gather @!p1 [hbm4b:s16+s12], $0x50, $0x38;
	[tilespmem:$0x1EB80] =	vst v63  }
0x1db: {  	_ = 	snop  }
0x1dc: {  	[tilespmem:s3], [sflag:$0xD] =	stream.linear.gather [hbm4b:s18+s10], $0x2800, $0x38;
	[tilespmem:$0x1EB80] =	vst v63  }
0x1dd: {  	s10 =	simm.s32 $0x10  }
0x1de: {  	_ =	swait.ge [sflag:s10], $0x2800  }
0x1df: {  	[sflag:s10] =	ssyncset.done $0x0  }
0x1e0: {  	s14 =	simm.s32 $0x4;
	[sflag:s10] =	ssyncadd.s32 $0xFFFFD800  }
0x1e1: {  	_ =	swait.ge [sflag:s14], $0x50  }
0x1e2: {  	[sflag:s14] =	ssyncset.done $0x0  }
0x1e3: {  	s19 =	simm.s32 $0x13;
	[sflag:s14] =	ssyncadd.s32 $0xFFFFFFB0  }
0x1e4: {  	[tilespmem:s11], [sflag:$0x14] =	stream.indirect.gather.add.f32 [hbm:s4], $0x80, s7, s23, $0xb8;
	[tilespmem:$0x1EB80] =	vst v63  }
0x1e5: {  	s16 =	sadd.s32 $0x2, s17;
	_ =	swait.ge [sflag:s19], $0x2800  }
0x1e6: {  	s0 =	sand.u32 $0x6, s16;
	[sflag:s19] =	ssyncset.done $0x0  }
0x1e7: {  	s20 =	sadd.s32 $0x5, s0;
	[sflag:s19] =	ssyncadd.s32 $0xFFFFD800  }
0x1e8: {  	_ =	swait.ge [sflag:s20], $0x50  }
0x1e9: {  	s0 =	sshll.u32 s0, $0x7;
	[sflag:s20] =	ssyncset.done $0x0  }
0x1ea: {  	s0 =	sor.u32 $0x14480, s0;
	[sflag:s20] =	ssyncadd.s32 $0xFFFFFFB0  }
0x1eb: {  	[spmem:s5] =	stream.indirect.scatter.add.f32 [tilespmem:s28], [sflag:$0x17], $0x80, s0, s23, $0xb8;
	[tilespmem:$0x1EB80] =	vst v63  }
0x1ec: {  	s7 =	simm.s32 $0x16  }
0x1ed: {  	[spmem:s24] =	stream.indirect.scatter.add.f32 [tilespmem:s15], [sflag:$0x17], $0x1, s0, s23, $0xb8;
	[tilespmem:$0x1EB80] =	vst v63  }
0x1ee: {  	_ =	swait.ge [sflag:s7], $0x2800  }
0x1ef: {  	[sflag:s7] =	ssyncset.done $0x0  }
0x1f0: {  	[sflag:s7] =	ssyncadd.s32 $0xFFFFD800  }
0x1f1: {  	_ =	swait.ge [sflag:s7], $0x50  }
0x1f2: {  	s0 =	rddreg [dreg:$0xa];
	[sflag:s7] =	ssyncset.done $0x0  }
0x1f3: {  	s16 =	simm.s32 @!p1 $0x14380;
	[sflag:s7] =	ssyncadd.s32 $0xFFFFFFB0;
	s0 =	sadd.s32 @!p1 s2, s0  }
0x1f4: {  	[tilespmem:s16], [sflag:$0x3] =	stream.linear.gather @!p1 [hbm4b:s0+s12], $0x50, $0x38;
	[tilespmem:$0x1EB80] =	vst v63  }
0x1f5: {  	s0 =	sadd.s32 @!p1 $0x6, s17  }
0x1f6: {  	s0 =	sand.u32 @!p1 $0x6, s0  }
0x1f7: {  	s16 =	rddreg [dreg:$0x9];
	s17 =	sshll.u32 @!p1 s0, $0x7  }
0x1f8: {  	s2 =	sadd.s32 @!p1 s2, s16;
	s0 =	sadd.s32 @!p1 $0x5, s0;
	s16 =	sor.u32 @!p1 $0x14480, s17  }
0x1f9: {  	[tilespmem:s16], [sflag:s0] =	stream.linear.gather @!p1 [hbm4b:s2+s12], $0x50, $0x38;
	[tilespmem:$0x1EB80] =	vst v63  }
0x1fa: {  	s0 =	sadd.s32 @!p1 $0x500, s18;
	s2 =	simm.s32 @!p1 $0x17080  }
0x1fb: {  	[tilespmem:s2], [sflag:$0xE] =	stream.linear.gather @!p1 [hbm4b:s0+s12], $0x2800, $0x38;
	[tilespmem:$0x1EB80] =	vst v63  }
0x1fc: {  	_ =	swait.ge [sflag:s29], $0x2800  }
0x1fd: {  	[sflag:s29] =	ssyncset.done $0x0  }
0x1fe: {  	[sflag:s29] =	ssyncadd.s32 $0xFFFFD800  }
0x1ff: {  	_ =	swait.ge [sflag:s25], $0x50  }
0x200: {  	[sflag:s25] =	ssyncset.done $0x0  }
0x201: {  	s2 =	simm.s32 $0x14280;
	[sflag:s25] =	ssyncadd.s32 $0xFFFFFFB0  }
0x202: {  	[tilespmem:s3], [sflag:$0x11] =	stream.indirect.gather.add.f32 [hbm:s4], $0x80, s2, s23, $0xb8;
	[tilespmem:$0x1EB80] =	vst v63  }
0x203: {  	_ =	swait.ge [sflag:s26], $0x2800  }
0x204: {  	[sflag:s26] =	ssyncset.done $0x0  }
0x205: {  	[sflag:s26] =	ssyncadd.s32 $0xFFFFD800  }
0x206: {  	_ =	swait.ge [sflag:s13], $0x50  }
0x207: {  	[sflag:s13] =	ssyncset.done $0x0  }
0x208: {  	[sflag:s13] =	ssyncadd.s32 $0xFFFFFFB0  }
0x209: {  	[spmem:s5] =	stream.indirect.scatter.add.f32 [tilespmem:s11], [sflag:$0x18], $0x80, s9, s23, $0xb8;
	[tilespmem:$0x1EB80] =	vst v63  }
0x20a: {  	s11 =	simm.s32 $0x17  }
0x20b: {  	[spmem:s24] =	stream.indirect.scatter.add.f32 [tilespmem:s15], [sflag:$0x18], $0x1, s9, s23, $0xb8;
	[tilespmem:$0x1EB80] =	vst v63  }
0x20c: {  	_ =	swait.ge [sflag:s11], $0x2800  }
0x20d: {  	[sflag:s11] =	ssyncset.done $0x0  }
0x20e: {  	[sflag:s11] =	ssyncadd.s32 $0xFFFFD800  }
0x20f: {  	_ =	swait.ge [sflag:s11], $0x50  }
0x210: {  	[sflag:s11] =	ssyncset.done $0x0  }
0x211: {  	[sflag:s11] =	ssyncadd.s32 $0xFFFFFFB0  }
0x212: {  	_ =	swait.ge [sflag:s8], $0x2800  }
0x213: {  	[sflag:s8] =	ssyncset.done $0x0  }
0x214: {  	s12 =	simm.s32 $0x9;
	[sflag:s8] =	ssyncadd.s32 $0xFFFFD800  }
0x215: {  	_ =	swait.ge [sflag:s12], $0x50  }
0x216: {  	[sflag:s12] =	ssyncset.done $0x0  }
0x217: {  	s13 =	simm.s32 $0x14680;
	[sflag:s12] =	ssyncadd.s32 $0xFFFFFFB0  }
0x218: {  	[spmem:s5] =	stream.indirect.scatter.add.f32 [tilespmem:s3], [sflag:$0x15], $0x80, s13, s23, $0xb8;
	[tilespmem:$0x1EB80] =	vst v63  }
0x219: {  	s14 =	simm.s32 $0x18  }
0x21a: {  	[spmem:s24] =	stream.indirect.scatter.add.f32 [tilespmem:s15], [sflag:$0x15], $0x1, s13, s23, $0xb8;
	[tilespmem:$0x1EB80] =	vst v63  }
0x21b: {  	_ =	swait.ge [sflag:s14], $0x2800  }
0x21c: {  	[sflag:s14] =	ssyncset.done $0x0  }
0x21d: {  	[sflag:s14] =	ssyncadd.s32 $0xFFFFD800  }
0x21e: {  	_ =	swait.ge [sflag:s14], $0x50  }
0x21f: {  	[sflag:s14] =	ssyncset.done $0x0  }
0x220: {  	[sflag:s14] =	ssyncadd.s32 $0xFFFFFFB0  }
0x221: {  	_ =	swait.ge [sflag:s6], $0x2800  }
0x222: {  	[sflag:s6] =	ssyncset.done $0x0  }
0x223: {  	[sflag:s6] =	ssyncadd.s32 $0xFFFFD800  }
0x224: {  	_ =	swait.ge [sflag:s6], $0x50  }
0x225: {  	[sflag:s6] =	ssyncset.done $0x0  }
0x226: {  	[sflag:s6] =	ssyncadd.s32 $0xFFFFFFB0  }
0x227: {  	s12 =	stileid.u32;
	[bflag:$0x0] =	sbarrier.arrive $0xFFFF  }
0x228: {  	s19 =	simm.s32 $0x20;
	s15 =	sshll.u32 s12, $0x6;
	s18 =	rddreg [dreg:$0xc]  }
0x229: {  	s0 =	sor.u32 $0x1C16, s15;
	s17 =	rddreg [dreg:$0x16];
	s16 =	sshrl.u32 s18, $0x3  }
0x22a: {  	[hbm:s17@s19], [sflag:s0] =	dma.strided [spmem:s16@s10], $0x50, s25, $0x10   }
0x22b: {  	s2 =	rddreg [dreg:$0x18]  }
0x22c: {  	s0 =	simm.s32 @p0 $0x1FD5;
	s9 =	rddreg [dreg:$0x1c]  }
0x22d: {  	[hbm:s2], [sflag:s0] =	dma.local @p0 [spmem:s9], $0x1900  }
0x22e: {  	s0 =	simm.s32 @p0 $0x15  }
0x22f: {  	_ =	swait.ge @p0 [sflag:s0], $0x1900  }
0x230: {  	s13 =	rddreg [dreg:$0x17]  }
0x231: {  	s2 =	sshll.u32 @!p0 s12, $0x6;
	[sflag:s0] =	ssyncset.done @p0 $0x0;
	s12 =	rddreg [dreg:$0xf]  }
0x232: {  	[sflag:s0] =	ssyncadd.s32 @p0 $0xFFFFE700;
	s0 =	sor.u32 @!p0 $0x1C15, s2;
	s2 =	sshrl.u32 @!p0 s13, $0x3  }
0x233: {  	[hbm:s12], [sflag:s0] =	dma.local @!p0 [spmem:s2], $0x2800  }
0x234: {  	s0 =	simm.s32 @!p0 $0x15  }
0x235: {  	_ =	swait.ge @!p0 [sflag:s0], $0x2800  }
0x236: {  	[sflag:s0] =	ssyncset.done @!p0 $0x0  }
0x237: {  	[sflag:s0] =	ssyncadd.s32 @!p0 $0xFFFFD800  }
0x238: {  	_ =	swait.ge [sflag:s7], $0x50  }
0x239: {  	s20 =	sld [smem:$0x7F9];
	_ =	sdelay $0x2  }
0x23a: {  	s26 =	rddreg [dreg:$0x19];
	s1 =	sadd.s32 $0x1, s20  }
0x23b: {  	p1 =	sne.s32 s1, s26  }
.Ltmp2:
0x23c: {  	s28 =	simm.s32 $0x3;
	(pc) =	sbr.rel @p1 .LBB2_1-.Ltmp2, $4  }
0x23d: {  	s11 =	smov.u32 s22;
	s22 =	simm.s32 $0x17080;
	s8 =	simm.s32 $0x14400  }
0x23e: {  	s3 =	simm.s32 $0x11;
	s15 =	simm.s32 $0x14880;
	s14 =	simm.s32 $0x16  }
0x23f: {  	s6 =	simm.s32 $0x15;
	s9 =	stileid.u32;
	[sflag:s7] =	ssyncset.done $0x0  }
0x240: {  	s12 =	simm.s32 $0x14280;
	[sflag:s7] =	ssyncadd.s32 $0xFFFFFFB0;
	s26 =	simm.s32 $0x14380  }
0x241: {  	_ =	sfence.sel $0x180000  }
0x242: {  	[bflag:$0x0] =	sbarrier.arrive $0xFFFF  }
0x243: {  	_ =	strace $0x90000047  }
0x244: {  	[bflag:$0x2] =	sbarrier.arrive $0xFFFF  }
0x245: {  	p0 =	sne.s32 s9, $0x0;
	s0 =	rddreg [dreg:$0x6]  }
0x246: {  	s0 =	sadd.s32 @!p0 $0x100000, s0  }
0x247: {  	[sflag:s0] =	ssyncadd.tile.s32 @!p0 $0x1;
	_ =	shalt  }
.Lfunc_end2:
_tile_overlayer_lowered:
.L_overlay_start_2:
0x248: {  	(tag) =	ssettag $0x2  }
0x249: {  	s0 =	rddreg [dreg:$0x0];
	s2 =	stileid.u32  }
0x24a: {  	s1 =	rddreg [dreg:$0x1];
	p0 =	sne.s32 s2, $0x0  }
0x24b: {  	s3 =	rddreg [dreg:$0x2];
	[bflag:$0x3] =	sbarrier.arrive $0xFFFF;
	s2 =	simm.s32 @!p0 $0x1C19  }
0x24c: {  	[timem:s3], [sflag:s2] =	dma.local @!p0 [hbm:s0], s1  }
0x24d: {  	s0 =	simm.s32 @!p0 $0x19  }
0x24e: {  	_ =	swait.ge @!p0 [sflag:s0], s1  }
0x24f: {  	s1 =	ssub.s32 @!p0 $0x0, s1;
	[sflag:s0] =	ssyncset.done @!p0 $0x0  }
0x250: {  	[sflag:s0] =	ssyncadd.s32 @!p0 s1  }
0x251: {  	[bflag:$0x3] =	sbarrier.arrive $0xFFFF  }
0x252: {  	_ =	shalt  }

</sc_bundles>
